<compile_context>
chip_gen: v7x
topology: tpu7x:2x2x1
jax: 0.10.2.dev20260603
libtpu: 0.0.44.dev20260713+nightly
codegen_flags: <defaults>
</compile_context>

<pallas_src>
import functools

import jax
import jax.numpy as jnp
from jax import lax
from jax.experimental import pallas as pl
from jax.experimental.pallas import tpu as pltpu
from jax.experimental.pallas import tpu_sc as plsc

N = 10000
D = 128
E = 320000

NC = 2
NS = 16
CHUNK = 128
EDGE_ROWS = 2560
E_PAD = EDGE_ROWS * CHUNK
ROWS_PER_TILE = EDGE_ROWS // (NC * NS)
HALF = 40
N_PAD = 10240
NROWS_PER_TILE = N_PAD // NS
DEG_W = 128

_MESH = plsc.VectorSubcoreMesh(core_axis_name="c", subcore_axis_name="s")


def _sc_degree(dst_rows):

    @functools.partial(
        pl.kernel,
        out_type=jax.ShapeDtypeStruct((NC, N_PAD, DEG_W), jnp.float32),
        mesh=_MESH,
        scratch_types=[
            pltpu.VMEM((ROWS_PER_TILE, CHUNK), jnp.int32),
            pltpu.VMEM((CHUNK, DEG_W), jnp.float32),
            pltpu.VMEM((CHUNK, DEG_W), jnp.float32),
            pltpu.VMEM_SHARED((N_PAD, DEG_W), jnp.float32),
        ],
    )
    def k(dst_hbm, out_hbm, dst_v, ones_v, zeros_v, acc):
        c = lax.axis_index("c")
        s = lax.axis_index("s")
        wid = c * NS + s
        pltpu.sync_copy(dst_hbm.at[wid], dst_v)

        @pl.loop(0, CHUNK)
        def _(i):
            @pl.loop(0, DEG_W // 16)
            def _(j):
                ones_v[i, pl.ds(j * 16, 16)] = jnp.full((16,), 1.0, jnp.float32)
                zeros_v[i, pl.ds(j * 16, 16)] = jnp.zeros((16,), jnp.float32)

        base = s * NROWS_PER_TILE

        @pl.loop(0, NROWS_PER_TILE // CHUNK)
        def _(kk):
            pltpu.sync_copy(zeros_v, acc.at[pl.ds(base + kk * CHUNK, CHUNK)])

        plsc.subcore_barrier()

        @pl.loop(0, ROWS_PER_TILE)
        def _(j):
            pltpu.sync_copy(ones_v, acc.at[dst_v.at[j]], add=True)

        plsc.subcore_barrier()

        @pl.loop(0, NROWS_PER_TILE // CHUNK)
        def _(kk):
            r0 = base + kk * CHUNK
            pltpu.sync_copy(acc.at[pl.ds(r0, CHUNK)], out_hbm.at[c, pl.ds(r0, CHUNK)])

    return k(dst_rows)


def _sc_aggregate(y_pad, src_rows, dst_rows):

    @functools.partial(
        pl.kernel,
        out_type=jax.ShapeDtypeStruct((NC, N_PAD, D), jnp.float32),
        mesh=_MESH,
        scratch_types=[
            pltpu.VMEM((HALF, CHUNK), jnp.int32),
            pltpu.VMEM((HALF, CHUNK), jnp.int32),
            pltpu.VMEM((2, CHUNK, D), jnp.float32),
            pltpu.VMEM_SHARED((N_PAD, D), jnp.float32),
            pltpu.SemaphoreType.DMA,
            pltpu.SemaphoreType.DMA,
        ],
    )
    def k(y_hbm, src_hbm, dst_hbm, out_hbm, sidx, didx, rows_v, acc,
          gsem0, gsem1):
        c = lax.axis_index("c")
        s = lax.axis_index("s")
        wid = c * NS + s

        @pl.loop(0, CHUNK)
        def _(i):
            @pl.loop(0, D // 16)
            def _(j):
                rows_v[0, i, pl.ds(j * 16, 16)] = jnp.zeros((16,), jnp.float32)

        base = s * NROWS_PER_TILE

        @pl.loop(0, NROWS_PER_TILE // CHUNK)
        def _(kk):
            pltpu.sync_copy(rows_v.at[0], acc.at[pl.ds(base + kk * CHUNK, CHUNK)])

        plsc.subcore_barrier()

        for h in range(ROWS_PER_TILE // HALF):
            pltpu.sync_copy(src_hbm.at[wid].at[pl.ds(h * HALF, HALF)], sidx)
            pltpu.sync_copy(dst_hbm.at[wid].at[pl.ds(h * HALF, HALF)], didx)
            pltpu.async_copy(y_hbm.at[sidx.at[0]], rows_v.at[0], gsem0)

            @pl.loop(0, HALF, step=2)
            def _(j0):
                pltpu.make_async_copy(
                    y_hbm.at[sidx.at[j0]], rows_v.at[0], gsem0).wait()
                pltpu.async_copy(
                    y_hbm.at[sidx.at[j0 + 1]], rows_v.at[1], gsem1)
                pltpu.sync_copy(rows_v.at[0], acc.at[didx.at[j0]], add=True)
                pltpu.make_async_copy(
                    y_hbm.at[sidx.at[j0 + 1]], rows_v.at[1], gsem1).wait()

                @pl.when(j0 + 2 < HALF)
                def _():
                    pltpu.async_copy(
                        y_hbm.at[sidx.at[j0 + 2]], rows_v.at[0], gsem0)

                pltpu.sync_copy(rows_v.at[1], acc.at[didx.at[j0 + 1]], add=True)

        plsc.subcore_barrier()

        @pl.loop(0, NROWS_PER_TILE // CHUNK)
        def _(kk):
            r0 = base + kk * CHUNK
            pltpu.sync_copy(acc.at[pl.ds(r0, CHUNK)], out_hbm.at[c, pl.ds(r0, CHUNK)])

    return k(y_pad, src_rows, dst_rows)


BS = 640
GRID = N_PAD // BS


def _tc_mm(x_pad, W1):

    def body(x_ref, w_ref, y_ref):
        y_ref[...] = jnp.dot(
            x_ref[...], w_ref[...], preferred_element_type=jnp.float32)

    return pl.pallas_call(
        body,
        grid=(GRID,),
        in_specs=[
            pl.BlockSpec((BS, D), lambda i: (i, 0)),
            pl.BlockSpec((D, D), lambda i: (0, 0)),
        ],
        out_specs=pl.BlockSpec((BS, D), lambda i: (i, 0)),
        out_shape=jax.ShapeDtypeStruct((N_PAD, D), jnp.float32),
    )(x_pad, W1)


def _tc_scale(xw, d0, d1):

    def body(x_ref, d0_ref, d1_ref, y_ref, dinv_ref):
        dinv = lax.rsqrt(d0_ref[...] + d1_ref[...] + 1.0)
        y_ref[...] = x_ref[...] * dinv
        dinv_ref[...] = dinv

    return pl.pallas_call(
        body,
        grid=(GRID,),
        in_specs=[
            pl.BlockSpec((BS, D), lambda i: (i, 0)),
            pl.BlockSpec((BS, 1), lambda i: (i, 0)),
            pl.BlockSpec((BS, 1), lambda i: (i, 0)),
        ],
        out_specs=[
            pl.BlockSpec((BS, D), lambda i: (i, 0)),
            pl.BlockSpec((BS, 1), lambda i: (i, 0)),
        ],
        out_shape=[
            jax.ShapeDtypeStruct((N_PAD, D), jnp.float32),
            jax.ShapeDtypeStruct((N_PAD, 1), jnp.float32),
        ],
    )(xw, d0, d1)


def _tc_mid(agg, y_prev, dinv, b, W):

    def body(a0_ref, a1_ref, y_ref, dinv_ref, b_ref, w_ref, o_ref):
        dinv = dinv_ref[...]
        pre = dinv * (a0_ref[0] + a1_ref[0] + y_ref[...]) + b_ref[...]
        h = jnp.where(pre > 0, pre, 0.01 * pre)
        o_ref[...] = jnp.dot(h, w_ref[...], preferred_element_type=jnp.float32) * dinv

    return pl.pallas_call(
        body,
        grid=(GRID,),
        in_specs=[
            pl.BlockSpec((1, BS, D), lambda i: (0, i, 0)),
            pl.BlockSpec((1, BS, D), lambda i: (1, i, 0)),
            pl.BlockSpec((BS, D), lambda i: (i, 0)),
            pl.BlockSpec((BS, 1), lambda i: (i, 0)),
            pl.BlockSpec((1, D), lambda i: (0, 0)),
            pl.BlockSpec((D, D), lambda i: (0, 0)),
        ],
        out_specs=pl.BlockSpec((BS, D), lambda i: (i, 0)),
        out_shape=jax.ShapeDtypeStruct((N_PAD, D), jnp.float32),
    )(agg, agg, y_prev, dinv, b, W)


def _tc_last(agg, y_prev, dinv, b, Wfc, bfc):

    def body(a0_ref, a1_ref, y_ref, dinv_ref, b_ref, w_ref, bfc_ref, o_ref):
        dinv = dinv_ref[...]
        pre = dinv * (a0_ref[0] + a1_ref[0] + y_ref[...]) + b_ref[...]
        h = jnp.where(pre > 0, pre, 0.01 * pre)
        o_ref[...] = (
            jnp.dot(h, w_ref[...], preferred_element_type=jnp.float32) + bfc_ref[...]
        )

    return pl.pallas_call(
        body,
        grid=(GRID,),
        in_specs=[
            pl.BlockSpec((1, BS, D), lambda i: (0, i, 0)),
            pl.BlockSpec((1, BS, D), lambda i: (1, i, 0)),
            pl.BlockSpec((BS, D), lambda i: (i, 0)),
            pl.BlockSpec((BS, 1), lambda i: (i, 0)),
            pl.BlockSpec((1, D), lambda i: (0, 0)),
            pl.BlockSpec((D, D), lambda i: (0, 0)),
            pl.BlockSpec((1, D), lambda i: (0, 0)),
        ],
        out_specs=pl.BlockSpec((BS, D), lambda i: (i, 0)),
        out_shape=jax.ShapeDtypeStruct((N_PAD, D), jnp.float32),
    )(agg, agg, y_prev, dinv, b, Wfc, bfc)


def kernel(x, edge_index, W1, b1, W2, b2, Wfc, bfc):
    src = edge_index[0]
    dst = edge_index[1]
    padv = N + jnp.arange(E_PAD - E, dtype=jnp.int32) % (N_PAD - N)
    src_rows = jnp.concatenate([src, padv]).reshape(NC * NS, ROWS_PER_TILE, CHUNK)
    dst_rows = jnp.concatenate([dst, padv]).reshape(NC * NS, ROWS_PER_TILE, CHUNK)
    x_pad = jnp.concatenate([x, jnp.zeros((N_PAD - N, D), jnp.float32)])

    xw1 = _tc_mm(x_pad, W1)
    degp = _sc_degree(dst_rows)
    d0 = degp[0, :, :1]
    d1 = degp[1, :, :1]

    y1, dinv = _tc_scale(xw1, d0, d1)
    agg1 = _sc_aggregate(y1, src_rows, dst_rows)
    y2 = _tc_mid(agg1, y1, dinv, b1.reshape(1, D), W2)
    agg2 = _sc_aggregate(y2, src_rows, dst_rows)
    out_p = _tc_last(agg2, y2, dinv, b2.reshape(1, D), Wfc, bfc.reshape(1, D))
    return out_p[:N]

# --- scband reference (transcript-rebuilt; emitter-appended) ---
"""Pipeline reference for scband-gnnmodel-40364102648132 (READ-ONLY COPY).

The authoritative reference and input builder live on the scoring server;
editing this copy changes nothing except your own understanding.
"""

import jax, jax.numpy as jnp
import numpy as np

N = 10000
E = 320000
D_IN = 128
H1 = 128
H2 = 128
D_OUT = 128


def setup_inputs(seed: int = 0) -> dict:
    key = jax.random.key(seed)
    ks = jax.random.split(key, 9)
    x = jax.random.normal(ks[0], (N, D_IN), dtype=jnp.float32)
    edge_index = jax.random.randint(ks[1], (2, E), 0, N, dtype=jnp.int32)
    W1 = jax.random.normal(ks[2], (D_IN, H1), dtype=jnp.float32) * (1.0 / np.sqrt(D_IN))
    b1 = jnp.zeros((H1,), dtype=jnp.float32)
    W2 = jax.random.normal(ks[3], (H1, H2), dtype=jnp.float32) * (1.0 / np.sqrt(H1))
    b2 = jnp.zeros((H2,), dtype=jnp.float32)
    Wfc = jax.random.normal(ks[4], (H2, D_OUT), dtype=jnp.float32) * (1.0 / np.sqrt(H2))
    bfc = jnp.zeros((D_OUT,), dtype=jnp.float32)
    return {"x": x, "edge_index": edge_index, "W1": W1, "b1": b1, "W2": W2, "b2": b2, "Wfc": Wfc, "bfc": bfc}


def _gcn_conv(x, edge_index, W, b):
    # Faithful GCNConv: add self-loops, symmetric normalization D^-1/2 (A+I) D^-1/2 X W + b
    n = x.shape[0]
    src = edge_index[0]
    dst = edge_index[1]
    loop = jnp.arange(n, dtype=src.dtype)
    src = jnp.concatenate([src, loop])
    dst = jnp.concatenate([dst, loop])
    deg = jnp.zeros((n,), dtype=x.dtype).at[dst].add(1.0)
    dinv = jax.lax.rsqrt(jnp.maximum(deg, 1.0))
    norm = dinv[src] * dinv[dst]
    xw = x @ W
    msg = jnp.take(xw, src, axis=0) * norm[:, None]
    out = jax.ops.segment_sum(msg, dst, num_segments=n)
    return out + b


def _leaky_relu(x, slope=0.01):
    return jnp.where(x > 0, x, slope * x)


def reference(x, edge_index, W1, b1, W2, b2, Wfc, bfc):
    h = _leaky_relu(_gcn_conv(x, edge_index, W1, b1))
    h = _leaky_relu(_gcn_conv(h, edge_index, W2, b2))
    out = h @ Wfc + bfc
    return out

if __name__ == "__main__":
    import jax
    _d = setup_inputs()
    print(jax.jit(kernel)(*tuple(_d.values())))

</pallas_src>

<mosaic_0001>
#map = affine_map<(d0, d1) -> (0, 0)>
#map1 = affine_map<(d0, d1) -> (0, 0, 0)>
module attributes {stable_mosaic.version = 14 : i64} {
  func.func @k(%arg0: i32, %arg1: i32, %arg2: memref<10240x128xf32, #tpu.memory_space<hbm>>, %arg3: memref<32x80x128xi32, #tpu.memory_space<hbm>>, %arg4: memref<32x80x128xi32, #tpu.memory_space<hbm>>, %arg5: memref<2x10240x128xf32, #tpu.memory_space<hbm>>, %arg6: memref<40x128xi32, #tpu.memory_space<vmem>>, %arg7: memref<40x128xi32, #tpu.memory_space<vmem>>, %arg8: memref<2x128x128xf32, #tpu.memory_space<vmem>>, %arg9: memref<10240x128xf32, #tpu.memory_space<vmem_shared>>, %arg10: memref<!tpu.dma_semaphore, #tpu.memory_space<semaphore_mem>>, %arg11: memref<!tpu.dma_semaphore, #tpu.memory_space<semaphore_mem>>) attributes {dimension_semantics = [#tpu.dimension_semantics<core_parallel>, #tpu.dimension_semantics<subcore_parallel>], iteration_bounds = array<i64: 2, 16>, scalar_prefetch = 0 : i64, scratch_operands = 6 : i64, tpu.core_type = #tpu.core_type<sc_vector_subcore>, window_params = [{transform_indices = #map}, {transform_indices = #map1}, {transform_indices = #map1}, {transform_indices = #map1}]} {
    %mul3A = arith.constant 16 : i32
    %mul3A_0 = arith.muli %arg0, %mul3A : i32
    %add3A = arith.addi %mul3A_0, %arg1 : i32
    %scan3A = arith.constant 0 : i32
    %scan3A_1 = arith.constant 128 : i32
    %scan3A_2 = arith.addi %scan3A, %scan3A_1 : i32
    %scan3A_3 = arith.constant 1 : i32
    scf.for %scan3A_51 = %scan3A to %scan3A_2 step %scan3A_3  : i32 {
      %mul3A_52 = arith.constant 1 : i32
      %mul3A_53 = arith.muli %scan3A_51, %mul3A_52 : i32
      %add3A_54 = arith.constant 0 : i32
      %add3A_55 = arith.addi %add3A_54, %mul3A_53 : i32
      %scan3A_56 = arith.constant 0 : i32
      %scan3A_57 = arith.constant 8 : i32
      %scan3A_58 = arith.addi %scan3A_56, %scan3A_57 : i32
      %scan3A_59 = arith.constant 1 : i32
      scf.for %scan3A_61 = %scan3A_56 to %scan3A_58 step %scan3A_59  : i32 {
        %mul3A_62 = arith.constant 1 : i32
        %mul3A_63 = arith.muli %scan3A_61, %mul3A_62 : i32
        %add3A_64 = arith.constant 0 : i32
        %add3A_65 = arith.addi %add3A_64, %mul3A_63 : i32
        %broadcast_in_dim3A = arith.constant 0.000000e+00 : f32
        %broadcast_in_dim3A_66 = vector.broadcast %broadcast_in_dim3A : f32 to vector<16xf32>
        %mul3A_67 = arith.constant 16 : i32
        %mul3A_68 = arith.muli %add3A_65, %mul3A_67 : i32
        %swap3A = arith.constant 0 : i32
        %swap3A_69 = arith.index_cast %swap3A : i32 to index
        %swap3A_70 = arith.index_cast %add3A_55 : i32 to index
        %swap3A_71 = arith.index_cast %mul3A_68 : i32 to index
        %swap3A_72 = tpu.vector_load %arg8[%swap3A_69, %swap3A_70, %swap3A_71] {strides = array<i32>} : memref<2x128x128xf32, #tpu.memory_space<vmem>>, vector<1x1x16xf32>,
        %swap3A_73 = vector.shape_cast %swap3A_72 : vector<1x1x16xf32> to vector<16xf32>
        %swap3A_74 = vector.shape_cast %broadcast_in_dim3A_66 : vector<16xf32> to vector<1x1x16xf32>
        tpu.vector_store %arg8[%swap3A_69, %swap3A_70, %swap3A_71], %swap3A_74 {strides = array<i32>} : memref<2x128x128xf32, #tpu.memory_space<vmem>>, vector<1x1x16xf32>,
      }
      %scan3A_60 = arith.constant 8 : i32
    }
    %scan3A_4 = arith.constant 128 : i32
    %mul3A_5 = arith.constant 640 : i32
    %mul3A_6 = arith.muli %arg1, %mul3A_5 : i32
    %scan3A_7 = arith.constant 0 : i32
    %scan3A_8 = arith.constant 5 : i32
    %scan3A_9 = arith.addi %scan3A_7, %scan3A_8 : i32
    %scan3A_10 = arith.constant 1 : i32
    scf.for %scan3A_51 = %scan3A_7 to %scan3A_9 step %scan3A_10  : i32 {
      %mul3A_52 = arith.constant 1 : i32
      %mul3A_53 = arith.muli %scan3A_51, %mul3A_52 : i32
      %add3A_54 = arith.constant 0 : i32
      %add3A_55 = arith.addi %add3A_54, %mul3A_53 : i32
      %mul3A_56 = arith.constant 128 : i32
      %mul3A_57 = arith.muli %add3A_55, %mul3A_56 : i32
      %add3A_58 = arith.addi %mul3A_6, %mul3A_57 : i32
      %run_scoped3A = arith.constant 0 : i32
      "tpu.region"() ({
        %run_scoped3A_59 = tpu.sem_alloc : memref<!tpu.dma_semaphore, #tpu.memory_space<semaphore_mem>>
        %dma_start3A_60 = arith.constant 0 : i32
        %dma_start3A_61 = arith.constant 0 : i32
        %dma_start3A_62 = tpu.memref_slice %arg8[%run_scoped3A, %dma_start3A_60, %dma_start3A_61] : memref<2x128x128xf32, #tpu.memory_space<vmem>> -> memref<1x128x128xf32, #tpu.memory_space<vmem>>
        %dma_start3A_63 = tpu.memref_squeeze %dma_start3A_62 : memref<1x128x128xf32, #tpu.memory_space<vmem>> -> memref<128x128xf32, #tpu.memory_space<vmem>>
        %dma_start3A_64 = arith.constant 0 : i32
        %dma_start3A_65 = tpu.memref_slice %arg9[%add3A_58, %dma_start3A_64] : memref<10240x128xf32, #tpu.memory_space<vmem_shared>> -> memref<128x128xf32, #tpu.memory_space<vmem_shared>>
        %dma_start3A_66 = arith.constant 0 : i32
        %dma_start3A_67 = tpu.memref_slice %arg9[%add3A_58, %dma_start3A_66] : memref<10240x128xf32, #tpu.memory_space<vmem_shared>> -> memref<128x128xf32, #tpu.memory_space<vmem_shared>>
        %dma_start3A_68 = arith.constant 0 : i32
        %dma_start3A_69 = arith.constant 0 : i32
        %dma_start3A_70 = tpu.memref_slice %arg8[%run_scoped3A, %dma_start3A_68, %dma_start3A_69] : memref<2x128x128xf32, #tpu.memory_space<vmem>> -> memref<1x128x128xf32, #tpu.memory_space<vmem>>
        %dma_start3A_71 = tpu.memref_squeeze %dma_start3A_70 : memref<1x128x128xf32, #tpu.memory_space<vmem>> -> memref<128x128xf32, #tpu.memory_space<vmem>>
        tpu.enqueue_dma source(%dma_start3A_71 : memref<128x128xf32, #tpu.memory_space<vmem>>) target(%dma_start3A_67 : memref<128x128xf32, #tpu.memory_space<vmem_shared>>) target_semaphore(%run_scoped3A_59 : memref<!tpu.dma_semaphore, #tpu.memory_space<semaphore_mem>>)
        %dma_wait3A = arith.constant 0 : i32
        %dma_wait3A_72 = arith.constant 0 : i32
        %dma_wait3A_73 = tpu.memref_slice %arg8[%run_scoped3A, %dma_wait3A, %dma_wait3A_72] : memref<2x128x128xf32, #tpu.memory_space<vmem>> -> memref<1x128x128xf32, #tpu.memory_space<vmem>>
        %dma_wait3A_74 = tpu.memref_squeeze %dma_wait3A_73 : memref<1x128x128xf32, #tpu.memory_space<vmem>> -> memref<128x128xf32, #tpu.memory_space<vmem>>
        %dma_wait3A_75 = arith.constant 0 : i32
        %dma_wait3A_76 = tpu.memref_slice %arg9[%add3A_58, %dma_wait3A_75] : memref<10240x128xf32, #tpu.memory_space<vmem_shared>> -> memref<128x128xf32, #tpu.memory_space<vmem_shared>>
        %dma_wait3A_77 = arith.constant 0 : i32
        %dma_wait3A_78 = tpu.memref_slice %arg9[%add3A_58, %dma_wait3A_77] : memref<10240x128xf32, #tpu.memory_space<vmem_shared>> -> memref<128x128xf32, #tpu.memory_space<vmem_shared>>
        %dma_wait3A_79 = arith.constant 0 : i32
        %dma_wait3A_80 = arith.constant 0 : i32
        %dma_wait3A_81 = tpu.memref_slice %arg8[%run_scoped3A, %dma_wait3A_79, %dma_wait3A_80] : memref<2x128x128xf32, #tpu.memory_space<vmem>> -> memref<1x128x128xf32, #tpu.memory_space<vmem>>
        %dma_wait3A_82 = tpu.memref_squeeze %dma_wait3A_81 : memref<1x128x128xf32, #tpu.memory_space<vmem>> -> memref<128x128xf32, #tpu.memory_space<vmem>>
        tpu.wait_dma2 semaphore(%run_scoped3A_59 : memref<!tpu.dma_semaphore, #tpu.memory_space<semaphore_mem>>) src(%dma_wait3A_82 : memref<128x128xf32, #tpu.memory_space<vmem>>) dst(%dma_wait3A_78 : memref<128x128xf32, #tpu.memory_space<vmem_shared>>)
        tpu.yield
      }) : () -> ()
    }
    %scan3A_11 = arith.constant 5 : i32
    %barrier3A = arith.constant 0 : index
    tpu.barrier barrier_id(%barrier3A)
    "tpu.region"() ({
      %run_scoped3A = tpu.sem_alloc : memref<!tpu.dma_semaphore, #tpu.memory_space<semaphore_mem>>
      %dma_start3A_51 = arith.constant 0 : i32
      %dma_start3A_52 = arith.constant 0 : i32
      %dma_start3A_53 = tpu.memref_slice %arg3[%add3A, %dma_start3A_51, %dma_start3A_52] : memref<32x80x128xi32, #tpu.memory_space<hbm>> -> memref<1x80x128xi32, #tpu.memory_space<hbm>>
      %dma_start3A_54 = tpu.memref_squeeze %dma_start3A_53 : memref<1x80x128xi32, #tpu.memory_space<hbm>> -> memref<80x128xi32, #tpu.memory_space<hbm>>
      %dma_start3A_55 = arith.constant 0 : i32
      %dma_start3A_56 = arith.constant 0 : i32
      %dma_start3A_57 = tpu.memref_slice %dma_start3A_54[%dma_start3A_55, %dma_start3A_56] : memref<80x128xi32, #tpu.memory_space<hbm>> -> memref<40x128xi32, #tpu.memory_space<hbm>>
      %dma_start3A_58 = arith.constant 0 : i32
      %dma_start3A_59 = arith.constant 0 : i32
      %dma_start3A_60 = tpu.memref_slice %arg3[%add3A, %dma_start3A_58, %dma_start3A_59] : memref<32x80x128xi32, #tpu.memory_space<hbm>> -> memref<1x80x128xi32, #tpu.memory_space<hbm>>
      %dma_start3A_61 = tpu.memref_squeeze %dma_start3A_60 : memref<1x80x128xi32, #tpu.memory_space<hbm>> -> memref<80x128xi32, #tpu.memory_space<hbm>>
      %dma_start3A_62 = arith.constant 0 : i32
      %dma_start3A_63 = arith.constant 0 : i32
      %dma_start3A_64 = tpu.memref_slice %dma_start3A_61[%dma_start3A_62, %dma_start3A_63] : memref<80x128xi32, #tpu.memory_space<hbm>> -> memref<40x128xi32, #tpu.memory_space<hbm>>
      tpu.enqueue_dma source(%dma_start3A_64 : memref<40x128xi32, #tpu.memory_space<hbm>>) target(%arg6 : memref<40x128xi32, #tpu.memory_space<vmem>>) target_semaphore(%run_scoped3A : memref<!tpu.dma_semaphore, #tpu.memory_space<semaphore_mem>>)
      %dma_wait3A = arith.constant 0 : i32
      %dma_wait3A_65 = arith.constant 0 : i32
      %dma_wait3A_66 = tpu.memref_slice %arg3[%add3A, %dma_wait3A, %dma_wait3A_65] : memref<32x80x128xi32, #tpu.memory_space<hbm>> -> memref<1x80x128xi32, #tpu.memory_space<hbm>>
      %dma_wait3A_67 = tpu.memref_squeeze %dma_wait3A_66 : memref<1x80x128xi32, #tpu.memory_space<hbm>> -> memref<80x128xi32, #tpu.memory_space<hbm>>
      %dma_wait3A_68 = arith.constant 0 : i32
      %dma_wait3A_69 = arith.constant 0 : i32
      %dma_wait3A_70 = tpu.memref_slice %dma_wait3A_67[%dma_wait3A_68, %dma_wait3A_69] : memref<80x128xi32, #tpu.memory_space<hbm>> -> memref<40x128xi32, #tpu.memory_space<hbm>>
      %dma_wait3A_71 = arith.constant 0 : i32
      %dma_wait3A_72 = arith.constant 0 : i32
      %dma_wait3A_73 = tpu.memref_slice %arg3[%add3A, %dma_wait3A_71, %dma_wait3A_72] : memref<32x80x128xi32, #tpu.memory_space<hbm>> -> memref<1x80x128xi32, #tpu.memory_space<hbm>>
      %dma_wait3A_74 = tpu.memref_squeeze %dma_wait3A_73 : memref<1x80x128xi32, #tpu.memory_space<hbm>> -> memref<80x128xi32, #tpu.memory_space<hbm>>
      %dma_wait3A_75 = arith.constant 0 : i32
      %dma_wait3A_76 = arith.constant 0 : i32
      %dma_wait3A_77 = tpu.memref_slice %dma_wait3A_74[%dma_wait3A_75, %dma_wait3A_76] : memref<80x128xi32, #tpu.memory_space<hbm>> -> memref<40x128xi32, #tpu.memory_space<hbm>>
      tpu.wait_dma2 semaphore(%run_scoped3A : memref<!tpu.dma_semaphore, #tpu.memory_space<semaphore_mem>>) src(%dma_wait3A_77 : memref<40x128xi32, #tpu.memory_space<hbm>>) dst(%arg6 : memref<40x128xi32, #tpu.memory_space<vmem>>)
      tpu.yield
    }) : () -> ()
    "tpu.region"() ({
      %run_scoped3A = tpu.sem_alloc : memref<!tpu.dma_semaphore, #tpu.memory_space<semaphore_mem>>
      %dma_start3A_51 = arith.constant 0 : i32
      %dma_start3A_52 = arith.constant 0 : i32
      %dma_start3A_53 = tpu.memref_slice %arg4[%add3A, %dma_start3A_51, %dma_start3A_52] : memref<32x80x128xi32, #tpu.memory_space<hbm>> -> memref<1x80x128xi32, #tpu.memory_space<hbm>>
      %dma_start3A_54 = tpu.memref_squeeze %dma_start3A_53 : memref<1x80x128xi32, #tpu.memory_space<hbm>> -> memref<80x128xi32, #tpu.memory_space<hbm>>
      %dma_start3A_55 = arith.constant 0 : i32
      %dma_start3A_56 = arith.constant 0 : i32
      %dma_start3A_57 = tpu.memref_slice %dma_start3A_54[%dma_start3A_55, %dma_start3A_56] : memref<80x128xi32, #tpu.memory_space<hbm>> -> memref<40x128xi32, #tpu.memory_space<hbm>>
      %dma_start3A_58 = arith.constant 0 : i32
      %dma_start3A_59 = arith.constant 0 : i32
      %dma_start3A_60 = tpu.memref_slice %arg4[%add3A, %dma_start3A_58, %dma_start3A_59] : memref<32x80x128xi32, #tpu.memory_space<hbm>> -> memref<1x80x128xi32, #tpu.memory_space<hbm>>
      %dma_start3A_61 = tpu.memref_squeeze %dma_start3A_60 : memref<1x80x128xi32, #tpu.memory_space<hbm>> -> memref<80x128xi32, #tpu.memory_space<hbm>>
      %dma_start3A_62 = arith.constant 0 : i32
      %dma_start3A_63 = arith.constant 0 : i32
      %dma_start3A_64 = tpu.memref_slice %dma_start3A_61[%dma_start3A_62, %dma_start3A_63] : memref<80x128xi32, #tpu.memory_space<hbm>> -> memref<40x128xi32, #tpu.memory_space<hbm>>
      tpu.enqueue_dma source(%dma_start3A_64 : memref<40x128xi32, #tpu.memory_space<hbm>>) target(%arg7 : memref<40x128xi32, #tpu.memory_space<vmem>>) target_semaphore(%run_scoped3A : memref<!tpu.dma_semaphore, #tpu.memory_space<semaphore_mem>>)
      %dma_wait3A = arith.constant 0 : i32
      %dma_wait3A_65 = arith.constant 0 : i32
      %dma_wait3A_66 = tpu.memref_slice %arg4[%add3A, %dma_wait3A, %dma_wait3A_65] : memref<32x80x128xi32, #tpu.memory_space<hbm>> -> memref<1x80x128xi32, #tpu.memory_space<hbm>>
      %dma_wait3A_67 = tpu.memref_squeeze %dma_wait3A_66 : memref<1x80x128xi32, #tpu.memory_space<hbm>> -> memref<80x128xi32, #tpu.memory_space<hbm>>
      %dma_wait3A_68 = arith.constant 0 : i32
      %dma_wait3A_69 = arith.constant 0 : i32
      %dma_wait3A_70 = tpu.memref_slice %dma_wait3A_67[%dma_wait3A_68, %dma_wait3A_69] : memref<80x128xi32, #tpu.memory_space<hbm>> -> memref<40x128xi32, #tpu.memory_space<hbm>>
      %dma_wait3A_71 = arith.constant 0 : i32
      %dma_wait3A_72 = arith.constant 0 : i32
      %dma_wait3A_73 = tpu.memref_slice %arg4[%add3A, %dma_wait3A_71, %dma_wait3A_72] : memref<32x80x128xi32, #tpu.memory_space<hbm>> -> memref<1x80x128xi32, #tpu.memory_space<hbm>>
      %dma_wait3A_74 = tpu.memref_squeeze %dma_wait3A_73 : memref<1x80x128xi32, #tpu.memory_space<hbm>> -> memref<80x128xi32, #tpu.memory_space<hbm>>
      %dma_wait3A_75 = arith.constant 0 : i32
      %dma_wait3A_76 = arith.constant 0 : i32
      %dma_wait3A_77 = tpu.memref_slice %dma_wait3A_74[%dma_wait3A_75, %dma_wait3A_76] : memref<80x128xi32, #tpu.memory_space<hbm>> -> memref<40x128xi32, #tpu.memory_space<hbm>>
      tpu.wait_dma2 semaphore(%run_scoped3A : memref<!tpu.dma_semaphore, #tpu.memory_space<semaphore_mem>>) src(%dma_wait3A_77 : memref<40x128xi32, #tpu.memory_space<hbm>>) dst(%arg7 : memref<40x128xi32, #tpu.memory_space<vmem>>)
      tpu.yield
    }) : () -> ()
    %dma_start3A = arith.constant 0 : i32
    %dma_start3A_12 = arith.constant 0 : i32
    %dma_start3A_13 = arith.constant 0 : i32
    %dma_start3A_14 = arith.constant 0 : i32
    %dma_start3A_15 = tpu.memref_slice %arg8[%dma_start3A_12, %dma_start3A_13, %dma_start3A_14] : memref<2x128x128xf32, #tpu.memory_space<vmem>> -> memref<1x128x128xf32, #tpu.memory_space<vmem>>
    %dma_start3A_16 = tpu.memref_squeeze %dma_start3A_15 : memref<1x128x128xf32, #tpu.memory_space<vmem>> -> memref<128x128xf32, #tpu.memory_space<vmem>>
    %dma_start3A_17 = arith.constant 0 : i32
    %dma_start3A_18 = tpu.memref_slice %arg6[%dma_start3A, %dma_start3A_17] : memref<40x128xi32, #tpu.memory_space<vmem>> -> memref<1x128xi32, #tpu.memory_space<vmem>>
    %dma_start3A_19 = tpu.memref_squeeze %dma_start3A_18 : memref<1x128xi32, #tpu.memory_space<vmem>> -> memref<128xi32, #tpu.memory_space<vmem>>
    %dma_start3A_20 = arith.constant 0 : i32
    %dma_start3A_21 = arith.constant 0 : i32
    %dma_start3A_22 = tpu.memref_slice %arg2[%dma_start3A_20, %dma_start3A_21] : memref<10240x128xf32, #tpu.memory_space<hbm>> -> memref<10240x128xf32, #tpu.memory_space<hbm>>
    tpu.enqueue_indirect_dma source(%dma_start3A_22 : memref<10240x128xf32, #tpu.memory_space<hbm>>) target(%dma_start3A_16 : memref<128x128xf32, #tpu.memory_space<vmem>>) offsets(%dma_start3A_19 : memref<128xi32, #tpu.memory_space<vmem>>) semaphore(%arg10 : memref<!tpu.dma_semaphore, #tpu.memory_space<semaphore_mem>>)
    %scan3A_23 = arith.constant 0 : i32
    %scan3A_24 = arith.constant 20 : i32
    %scan3A_25 = arith.addi %scan3A_23, %scan3A_24 : i32
    %scan3A_26 = arith.constant 1 : i32
    scf.for %scan3A_51 = %scan3A_23 to %scan3A_25 step %scan3A_26  : i32 {
      %mul3A_52 = arith.constant 2 : i32
      %mul3A_53 = arith.muli %scan3A_51, %mul3A_52 : i32
      %add3A_54 = arith.constant 0 : i32
      %add3A_55 = arith.addi %add3A_54, %mul3A_53 : i32
      %dma_wait3A = arith.constant 0 : i32
      %dma_wait3A_56 = arith.constant 0 : i32
      %dma_wait3A_57 = arith.constant 0 : i32
      %dma_wait3A_58 = tpu.memref_slice %arg8[%dma_wait3A, %dma_wait3A_56, %dma_wait3A_57] : memref<2x128x128xf32, #tpu.memory_space<vmem>> -> memref<1x128x128xf32, #tpu.memory_space<vmem>>
      %dma_wait3A_59 = tpu.memref_squeeze %dma_wait3A_58 : memref<1x128x128xf32, #tpu.memory_space<vmem>> -> memref<128x128xf32, #tpu.memory_space<vmem>>
      %dma_wait3A_60 = arith.constant 0 : i32
      %dma_wait3A_61 = tpu.memref_slice %arg6[%add3A_55, %dma_wait3A_60] : memref<40x128xi32, #tpu.memory_space<vmem>> -> memref<1x128xi32, #tpu.memory_space<vmem>>
      %dma_wait3A_62 = tpu.memref_squeeze %dma_wait3A_61 : memref<1x128xi32, #tpu.memory_space<vmem>> -> memref<128xi32, #tpu.memory_space<vmem>>
      %dma_wait3A_63 = arith.constant 0 : i32
      %dma_wait3A_64 = arith.constant 0 : i32
      %dma_wait3A_65 = tpu.memref_slice %arg2[%dma_wait3A_63, %dma_wait3A_64] : memref<10240x128xf32, #tpu.memory_space<hbm>> -> memref<10240x128xf32, #tpu.memory_space<hbm>>
      tpu.wait_indirect_dma semaphore(%arg10 : memref<!tpu.dma_semaphore, #tpu.memory_space<semaphore_mem>>) src(%dma_wait3A_65 : memref<10240x128xf32, #tpu.memory_space<hbm>>) dst(%dma_wait3A_59 : memref<128x128xf32, #tpu.memory_space<vmem>>)
      %add3A_66 = arith.constant 1 : i32
      %add3A_67 = arith.addi %add3A_55, %add3A_66 : i32
      %dma_start3A_68 = arith.constant 1 : i32
      %dma_start3A_69 = arith.constant 0 : i32
      %dma_start3A_70 = arith.constant 0 : i32
      %dma_start3A_71 = tpu.memref_slice %arg8[%dma_start3A_68, %dma_start3A_69, %dma_start3A_70] : memref<2x128x128xf32, #tpu.memory_space<vmem>> -> memref<1x128x128xf32, #tpu.memory_space<vmem>>
      %dma_start3A_72 = tpu.memref_squeeze %dma_start3A_71 : memref<1x128x128xf32, #tpu.memory_space<vmem>> -> memref<128x128xf32, #tpu.memory_space<vmem>>
      %dma_start3A_73 = arith.constant 0 : i32
      %dma_start3A_74 = tpu.memref_slice %arg6[%add3A_67, %dma_start3A_73] : memref<40x128xi32, #tpu.memory_space<vmem>> -> memref<1x128xi32, #tpu.memory_space<vmem>>
      %dma_start3A_75 = tpu.memref_squeeze %dma_start3A_74 : memref<1x128xi32, #tpu.memory_space<vmem>> -> memref<128xi32, #tpu.memory_space<vmem>>
      %dma_start3A_76 = arith.constant 0 : i32
      %dma_start3A_77 = arith.constant 0 : i32
      %dma_start3A_78 = tpu.memref_slice %arg2[%dma_start3A_76, %dma_start3A_77] : memref<10240x128xf32, #tpu.memory_space<hbm>> -> memref<10240x128xf32, #tpu.memory_space<hbm>>
      tpu.enqueue_indirect_dma source(%dma_start3A_78 : memref<10240x128xf32, #tpu.memory_space<hbm>>) target(%dma_start3A_72 : memref<128x128xf32, #tpu.memory_space<vmem>>) offsets(%dma_start3A_75 : memref<128xi32, #tpu.memory_space<vmem>>) semaphore(%arg11 : memref<!tpu.dma_semaphore, #tpu.memory_space<semaphore_mem>>)
      %run_scoped3A = arith.constant 0 : i32
      "tpu.region"() ({
        %run_scoped3A_99 = tpu.sem_alloc : memref<!tpu.dma_semaphore, #tpu.memory_space<semaphore_mem>>
        %dma_start3A_100 = arith.constant 0 : i32
        %dma_start3A_101 = arith.constant 0 : i32
        %dma_start3A_102 = tpu.memref_slice %arg8[%run_scoped3A, %dma_start3A_100, %dma_start3A_101] : memref<2x128x128xf32, #tpu.memory_space<vmem>> -> memref<1x128x128xf32, #tpu.memory_space<vmem>>
        %dma_start3A_103 = tpu.memref_squeeze %dma_start3A_102 : memref<1x128x128xf32, #tpu.memory_space<vmem>> -> memref<128x128xf32, #tpu.memory_space<vmem>>
        %dma_start3A_104 = arith.constant 0 : i32
        %dma_start3A_105 = tpu.memref_slice %arg7[%add3A_55, %dma_start3A_104] : memref<40x128xi32, #tpu.memory_space<vmem>> -> memref<1x128xi32, #tpu.memory_space<vmem>>
        %dma_start3A_106 = tpu.memref_squeeze %dma_start3A_105 : memref<1x128xi32, #tpu.memory_space<vmem>> -> memref<128xi32, #tpu.memory_space<vmem>>
        %dma_start3A_107 = arith.constant 0 : i32
        %dma_start3A_108 = arith.constant 0 : i32
        %dma_start3A_109 = tpu.memref_slice %arg9[%dma_start3A_107, %dma_start3A_108] : memref<10240x128xf32, #tpu.memory_space<vmem_shared>> -> memref<10240x128xf32, #tpu.memory_space<vmem_shared>>
        tpu.enqueue_indirect_dma source(%dma_start3A_103 : memref<128x128xf32, #tpu.memory_space<vmem>>) target(%dma_start3A_109 : memref<10240x128xf32, #tpu.memory_space<vmem_shared>>) offsets(%dma_start3A_106 : memref<128xi32, #tpu.memory_space<vmem>>) semaphore(%run_scoped3A_99 : memref<!tpu.dma_semaphore, #tpu.memory_space<semaphore_mem>>) {add = true}
        %dma_wait3A_110 = arith.constant 0 : i32
        %dma_wait3A_111 = arith.constant 0 : i32
        %dma_wait3A_112 = tpu.memref_slice %arg8[%run_scoped3A, %dma_wait3A_110, %dma_wait3A_111] : memref<2x128x128xf32, #tpu.memory_space<vmem>> -> memref<1x128x128xf32, #tpu.memory_space<vmem>>
        %dma_wait3A_113 = tpu.memref_squeeze %dma_wait3A_112 : memref<1x128x128xf32, #tpu.memory_space<vmem>> -> memref<128x128xf32, #tpu.memory_space<vmem>>
        %dma_wait3A_114 = arith.constant 0 : i32
        %dma_wait3A_115 = tpu.memref_slice %arg7[%add3A_55, %dma_wait3A_114] : memref<40x128xi32, #tpu.memory_space<vmem>> -> memref<1x128xi32, #tpu.memory_space<vmem>>
        %dma_wait3A_116 = tpu.memref_squeeze %dma_wait3A_115 : memref<1x128xi32, #tpu.memory_space<vmem>> -> memref<128xi32, #tpu.memory_space<vmem>>
        %dma_wait3A_117 = arith.constant 0 : i32
        %dma_wait3A_118 = arith.constant 0 : i32
        %dma_wait3A_119 = tpu.memref_slice %arg9[%dma_wait3A_117, %dma_wait3A_118] : memref<10240x128xf32, #tpu.memory_space<vmem_shared>> -> memref<10240x128xf32, #tpu.memory_space<vmem_shared>>
        tpu.wait_indirect_dma semaphore(%run_scoped3A_99 : memref<!tpu.dma_semaphore, #tpu.memory_space<semaphore_mem>>) src(%dma_wait3A_113 : memref<128x128xf32, #tpu.memory_space<vmem>>) dst(%dma_wait3A_119 : memref<10240x128xf32, #tpu.memory_space<vmem_shared>>)
        tpu.yield
      }) : () -> ()
      %add3A_79 = arith.constant 1 : i32
      %add3A_80 = arith.addi %add3A_55, %add3A_79 : i32
      %dma_wait3A_81 = arith.constant 1 : i32
      %dma_wait3A_82 = arith.constant 0 : i32
      %dma_wait3A_83 = arith.constant 0 : i32
      %dma_wait3A_84 = tpu.memref_slice %arg8[%dma_wait3A_81, %dma_wait3A_82, %dma_wait3A_83] : memref<2x128x128xf32, #tpu.memory_space<vmem>> -> memref<1x128x128xf32, #tpu.memory_space<vmem>>
      %dma_wait3A_85 = tpu.memref_squeeze %dma_wait3A_84 : memref<1x128x128xf32, #tpu.memory_space<vmem>> -> memref<128x128xf32, #tpu.memory_space<vmem>>
      %dma_wait3A_86 = arith.constant 0 : i32
      %dma_wait3A_87 = tpu.memref_slice %arg6[%add3A_80, %dma_wait3A_86] : memref<40x128xi32, #tpu.memory_space<vmem>> -> memref<1x128xi32, #tpu.memory_space<vmem>>
      %dma_wait3A_88 = tpu.memref_squeeze %dma_wait3A_87 : memref<1x128xi32, #tpu.memory_space<vmem>> -> memref<128xi32, #tpu.memory_space<vmem>>
      %dma_wait3A_89 = arith.constant 0 : i32
      %dma_wait3A_90 = arith.constant 0 : i32
      %dma_wait3A_91 = tpu.memref_slice %arg2[%dma_wait3A_89, %dma_wait3A_90] : memref<10240x128xf32, #tpu.memory_space<hbm>> -> memref<10240x128xf32, #tpu.memory_space<hbm>>
      tpu.wait_indirect_dma semaphore(%arg11 : memref<!tpu.dma_semaphore, #tpu.memory_space<semaphore_mem>>) src(%dma_wait3A_91 : memref<10240x128xf32, #tpu.memory_space<hbm>>) dst(%dma_wait3A_85 : memref<128x128xf32, #tpu.memory_space<vmem>>)
      %add3A_92 = arith.constant 2 : i32
      %add3A_93 = arith.addi %add3A_55, %add3A_92 : i32
      %lt3A = arith.constant 40 : i32
      %lt3A_94 = arith.cmpi slt, %add3A_93, %lt3A : i32
      %convert_element_type3A = arith.extui %lt3A_94 : i1 to i32
      %cond3A = arith.constant 0 : i32
      %cond3A_95 = arith.cmpi ne, %convert_element_type3A, %cond3A : i32
      scf.if %cond3A_95 {
        %add3A_99 = arith.constant 2 : i32
        %add3A_100 = arith.addi %add3A_55, %add3A_99 : i32
        %dma_start3A_101 = arith.constant 0 : i32
        %dma_start3A_102 = arith.constant 0 : i32
        %dma_start3A_103 = arith.constant 0 : i32
        %dma_start3A_104 = tpu.memref_slice %arg8[%dma_start3A_101, %dma_start3A_102, %dma_start3A_103] : memref<2x128x128xf32, #tpu.memory_space<vmem>> -> memref<1x128x128xf32, #tpu.memory_space<vmem>>
        %dma_start3A_105 = tpu.memref_squeeze %dma_start3A_104 : memref<1x128x128xf32, #tpu.memory_space<vmem>> -> memref<128x128xf32, #tpu.memory_space<vmem>>
        %dma_start3A_106 = arith.constant 0 : i32
        %dma_start3A_107 = tpu.memref_slice %arg6[%add3A_100, %dma_start3A_106] : memref<40x128xi32, #tpu.memory_space<vmem>> -> memref<1x128xi32, #tpu.memory_space<vmem>>
        %dma_start3A_108 = tpu.memref_squeeze %dma_start3A_107 : memref<1x128xi32, #tpu.memory_space<vmem>> -> memref<128xi32, #tpu.memory_space<vmem>>
        %dma_start3A_109 = arith.constant 0 : i32
        %dma_start3A_110 = arith.constant 0 : i32
        %dma_start3A_111 = tpu.memref_slice %arg2[%dma_start3A_109, %dma_start3A_110] : memref<10240x128xf32, #tpu.memory_space<hbm>> -> memref<10240x128xf32, #tpu.memory_space<hbm>>
        tpu.enqueue_indirect_dma source(%dma_start3A_111 : memref<10240x128xf32, #tpu.memory_space<hbm>>) target(%dma_start3A_105 : memref<128x128xf32, #tpu.memory_space<vmem>>) offsets(%dma_start3A_108 : memref<128xi32, #tpu.memory_space<vmem>>) semaphore(%arg10 : memref<!tpu.dma_semaphore, #tpu.memory_space<semaphore_mem>>)
      } else {
      }
      %add3A_96 = arith.constant 1 : i32
      %add3A_97 = arith.addi %add3A_55, %add3A_96 : i32
      %run_scoped3A_98 = arith.constant 1 : i32
      "tpu.region"() ({
        %run_scoped3A_99 = tpu.sem_alloc : memref<!tpu.dma_semaphore, #tpu.memory_space<semaphore_mem>>
        %dma_start3A_100 = arith.constant 0 : i32
        %dma_start3A_101 = arith.constant 0 : i32
        %dma_start3A_102 = tpu.memref_slice %arg8[%run_scoped3A_98, %dma_start3A_100, %dma_start3A_101] : memref<2x128x128xf32, #tpu.memory_space<vmem>> -> memref<1x128x128xf32, #tpu.memory_space<vmem>>
        %dma_start3A_103 = tpu.memref_squeeze %dma_start3A_102 : memref<1x128x128xf32, #tpu.memory_space<vmem>> -> memref<128x128xf32, #tpu.memory_space<vmem>>
        %dma_start3A_104 = arith.constant 0 : i32
        %dma_start3A_105 = tpu.memref_slice %arg7[%add3A_97, %dma_start3A_104] : memref<40x128xi32, #tpu.memory_space<vmem>> -> memref<1x128xi32, #tpu.memory_space<vmem>>
        %dma_start3A_106 = tpu.memref_squeeze %dma_start3A_105 : memref<1x128xi32, #tpu.memory_space<vmem>> -> memref<128xi32, #tpu.memory_space<vmem>>
        %dma_start3A_107 = arith.constant 0 : i32
        %dma_start3A_108 = arith.constant 0 : i32
        %dma_start3A_109 = tpu.memref_slice %arg9[%dma_start3A_107, %dma_start3A_108] : memref<10240x128xf32, #tpu.memory_space<vmem_shared>> -> memref<10240x128xf32, #tpu.memory_space<vmem_shared>>
        tpu.enqueue_indirect_dma source(%dma_start3A_103 : memref<128x128xf32, #tpu.memory_space<vmem>>) target(%dma_start3A_109 : memref<10240x128xf32, #tpu.memory_space<vmem_shared>>) offsets(%dma_start3A_106 : memref<128xi32, #tpu.memory_space<vmem>>) semaphore(%run_scoped3A_99 : memref<!tpu.dma_semaphore, #tpu.memory_space<semaphore_mem>>) {add = true}
        %dma_wait3A_110 = arith.constant 0 : i32
        %dma_wait3A_111 = arith.constant 0 : i32
        %dma_wait3A_112 = tpu.memref_slice %arg8[%run_scoped3A_98, %dma_wait3A_110, %dma_wait3A_111] : memref<2x128x128xf32, #tpu.memory_space<vmem>> -> memref<1x128x128xf32, #tpu.memory_space<vmem>>
        %dma_wait3A_113 = tpu.memref_squeeze %dma_wait3A_112 : memref<1x128x128xf32, #tpu.memory_space<vmem>> -> memref<128x128xf32, #tpu.memory_space<vmem>>
        %dma_wait3A_114 = arith.constant 0 : i32
        %dma_wait3A_115 = tpu.memref_slice %arg7[%add3A_97, %dma_wait3A_114] : memref<40x128xi32, #tpu.memory_space<vmem>> -> memref<1x128xi32, #tpu.memory_space<vmem>>
        %dma_wait3A_116 = tpu.memref_squeeze %dma_wait3A_115 : memref<1x128xi32, #tpu.memory_space<vmem>> -> memref<128xi32, #tpu.memory_space<vmem>>
        %dma_wait3A_117 = arith.constant 0 : i32
        %dma_wait3A_118 = arith.constant 0 : i32
        %dma_wait3A_119 = tpu.memref_slice %arg9[%dma_wait3A_117, %dma_wait3A_118] : memref<10240x128xf32, #tpu.memory_space<vmem_shared>> -> memref<10240x128xf32, #tpu.memory_space<vmem_shared>>
        tpu.wait_indirect_dma semaphore(%run_scoped3A_99 : memref<!tpu.dma_semaphore, #tpu.memory_space<semaphore_mem>>) src(%dma_wait3A_113 : memref<128x128xf32, #tpu.memory_space<vmem>>) dst(%dma_wait3A_119 : memref<10240x128xf32, #tpu.memory_space<vmem_shared>>)
        tpu.yield
      }) : () -> ()
    }
    %scan3A_27 = arith.constant 20 : i32
    "tpu.region"() ({
      %run_scoped3A = tpu.sem_alloc : memref<!tpu.dma_semaphore, #tpu.memory_space<semaphore_mem>>
      %dma_start3A_51 = arith.constant 0 : i32
      %dma_start3A_52 = arith.constant 0 : i32
      %dma_start3A_53 = tpu.memref_slice %arg3[%add3A, %dma_start3A_51, %dma_start3A_52] : memref<32x80x128xi32, #tpu.memory_space<hbm>> -> memref<1x80x128xi32, #tpu.memory_space<hbm>>
      %dma_start3A_54 = tpu.memref_squeeze %dma_start3A_53 : memref<1x80x128xi32, #tpu.memory_space<hbm>> -> memref<80x128xi32, #tpu.memory_space<hbm>>
      %dma_start3A_55 = arith.constant 40 : i32
      %dma_start3A_56 = arith.constant 0 : i32
      %dma_start3A_57 = tpu.memref_slice %dma_start3A_54[%dma_start3A_55, %dma_start3A_56] : memref<80x128xi32, #tpu.memory_space<hbm>> -> memref<40x128xi32, #tpu.memory_space<hbm>>
      %dma_start3A_58 = arith.constant 0 : i32
      %dma_start3A_59 = arith.constant 0 : i32
      %dma_start3A_60 = tpu.memref_slice %arg3[%add3A, %dma_start3A_58, %dma_start3A_59] : memref<32x80x128xi32, #tpu.memory_space<hbm>> -> memref<1x80x128xi32, #tpu.memory_space<hbm>>
      %dma_start3A_61 = tpu.memref_squeeze %dma_start3A_60 : memref<1x80x128xi32, #tpu.memory_space<hbm>> -> memref<80x128xi32, #tpu.memory_space<hbm>>
      %dma_start3A_62 = arith.constant 40 : i32
      %dma_start3A_63 = arith.constant 0 : i32
      %dma_start3A_64 = tpu.memref_slice %dma_start3A_61[%dma_start3A_62, %dma_start3A_63] : memref<80x128xi32, #tpu.memory_space<hbm>> -> memref<40x128xi32, #tpu.memory_space<hbm>>
      tpu.enqueue_dma source(%dma_start3A_64 : memref<40x128xi32, #tpu.memory_space<hbm>>) target(%arg6 : memref<40x128xi32, #tpu.memory_space<vmem>>) target_semaphore(%run_scoped3A : memref<!tpu.dma_semaphore, #tpu.memory_space<semaphore_mem>>)
      %dma_wait3A = arith.constant 0 : i32
      %dma_wait3A_65 = arith.constant 0 : i32
      %dma_wait3A_66 = tpu.memref_slice %arg3[%add3A, %dma_wait3A, %dma_wait3A_65] : memref<32x80x128xi32, #tpu.memory_space<hbm>> -> memref<1x80x128xi32, #tpu.memory_space<hbm>>
      %dma_wait3A_67 = tpu.memref_squeeze %dma_wait3A_66 : memref<1x80x128xi32, #tpu.memory_space<hbm>> -> memref<80x128xi32, #tpu.memory_space<hbm>>
      %dma_wait3A_68 = arith.constant 40 : i32
      %dma_wait3A_69 = arith.constant 0 : i32
      %dma_wait3A_70 = tpu.memref_slice %dma_wait3A_67[%dma_wait3A_68, %dma_wait3A_69] : memref<80x128xi32, #tpu.memory_space<hbm>> -> memref<40x128xi32, #tpu.memory_space<hbm>>
      %dma_wait3A_71 = arith.constant 0 : i32
      %dma_wait3A_72 = arith.constant 0 : i32
      %dma_wait3A_73 = tpu.memref_slice %arg3[%add3A, %dma_wait3A_71, %dma_wait3A_72] : memref<32x80x128xi32, #tpu.memory_space<hbm>> -> memref<1x80x128xi32, #tpu.memory_space<hbm>>
      %dma_wait3A_74 = tpu.memref_squeeze %dma_wait3A_73 : memref<1x80x128xi32, #tpu.memory_space<hbm>> -> memref<80x128xi32, #tpu.memory_space<hbm>>
      %dma_wait3A_75 = arith.constant 40 : i32
      %dma_wait3A_76 = arith.constant 0 : i32
      %dma_wait3A_77 = tpu.memref_slice %dma_wait3A_74[%dma_wait3A_75, %dma_wait3A_76] : memref<80x128xi32, #tpu.memory_space<hbm>> -> memref<40x128xi32, #tpu.memory_space<hbm>>
      tpu.wait_dma2 semaphore(%run_scoped3A : memref<!tpu.dma_semaphore, #tpu.memory_space<semaphore_mem>>) src(%dma_wait3A_77 : memref<40x128xi32, #tpu.memory_space<hbm>>) dst(%arg6 : memref<40x128xi32, #tpu.memory_space<vmem>>)
      tpu.yield
    }) : () -> ()
    "tpu.region"() ({
      %run_scoped3A = tpu.sem_alloc : memref<!tpu.dma_semaphore, #tpu.memory_space<semaphore_mem>>
      %dma_start3A_51 = arith.constant 0 : i32
      %dma_start3A_52 = arith.constant 0 : i32
      %dma_start3A_53 = tpu.memref_slice %arg4[%add3A, %dma_start3A_51, %dma_start3A_52] : memref<32x80x128xi32, #tpu.memory_space<hbm>> -> memref<1x80x128xi32, #tpu.memory_space<hbm>>
      %dma_start3A_54 = tpu.memref_squeeze %dma_start3A_53 : memref<1x80x128xi32, #tpu.memory_space<hbm>> -> memref<80x128xi32, #tpu.memory_space<hbm>>
      %dma_start3A_55 = arith.constant 40 : i32
      %dma_start3A_56 = arith.constant 0 : i32
      %dma_start3A_57 = tpu.memref_slice %dma_start3A_54[%dma_start3A_55, %dma_start3A_56] : memref<80x128xi32, #tpu.memory_space<hbm>> -> memref<40x128xi32, #tpu.memory_space<hbm>>
      %dma_start3A_58 = arith.constant 0 : i32
      %dma_start3A_59 = arith.constant 0 : i32
      %dma_start3A_60 = tpu.memref_slice %arg4[%add3A, %dma_start3A_58, %dma_start3A_59] : memref<32x80x128xi32, #tpu.memory_space<hbm>> -> memref<1x80x128xi32, #tpu.memory_space<hbm>>
      %dma_start3A_61 = tpu.memref_squeeze %dma_start3A_60 : memref<1x80x128xi32, #tpu.memory_space<hbm>> -> memref<80x128xi32, #tpu.memory_space<hbm>>
      %dma_start3A_62 = arith.constant 40 : i32
      %dma_start3A_63 = arith.constant 0 : i32
      %dma_start3A_64 = tpu.memref_slice %dma_start3A_61[%dma_start3A_62, %dma_start3A_63] : memref<80x128xi32, #tpu.memory_space<hbm>> -> memref<40x128xi32, #tpu.memory_space<hbm>>
      tpu.enqueue_dma source(%dma_start3A_64 : memref<40x128xi32, #tpu.memory_space<hbm>>) target(%arg7 : memref<40x128xi32, #tpu.memory_space<vmem>>) target_semaphore(%run_scoped3A : memref<!tpu.dma_semaphore, #tpu.memory_space<semaphore_mem>>)
      %dma_wait3A = arith.constant 0 : i32
      %dma_wait3A_65 = arith.constant 0 : i32
      %dma_wait3A_66 = tpu.memref_slice %arg4[%add3A, %dma_wait3A, %dma_wait3A_65] : memref<32x80x128xi32, #tpu.memory_space<hbm>> -> memref<1x80x128xi32, #tpu.memory_space<hbm>>
      %dma_wait3A_67 = tpu.memref_squeeze %dma_wait3A_66 : memref<1x80x128xi32, #tpu.memory_space<hbm>> -> memref<80x128xi32, #tpu.memory_space<hbm>>
      %dma_wait3A_68 = arith.constant 40 : i32
      %dma_wait3A_69 = arith.constant 0 : i32
      %dma_wait3A_70 = tpu.memref_slice %dma_wait3A_67[%dma_wait3A_68, %dma_wait3A_69] : memref<80x128xi32, #tpu.memory_space<hbm>> -> memref<40x128xi32, #tpu.memory_space<hbm>>
      %dma_wait3A_71 = arith.constant 0 : i32
      %dma_wait3A_72 = arith.constant 0 : i32
      %dma_wait3A_73 = tpu.memref_slice %arg4[%add3A, %dma_wait3A_71, %dma_wait3A_72] : memref<32x80x128xi32, #tpu.memory_space<hbm>> -> memref<1x80x128xi32, #tpu.memory_space<hbm>>
      %dma_wait3A_74 = tpu.memref_squeeze %dma_wait3A_73 : memref<1x80x128xi32, #tpu.memory_space<hbm>> -> memref<80x128xi32, #tpu.memory_space<hbm>>
      %dma_wait3A_75 = arith.constant 40 : i32
      %dma_wait3A_76 = arith.constant 0 : i32
      %dma_wait3A_77 = tpu.memref_slice %dma_wait3A_74[%dma_wait3A_75, %dma_wait3A_76] : memref<80x128xi32, #tpu.memory_space<hbm>> -> memref<40x128xi32, #tpu.memory_space<hbm>>
      tpu.wait_dma2 semaphore(%run_scoped3A : memref<!tpu.dma_semaphore, #tpu.memory_space<semaphore_mem>>) src(%dma_wait3A_77 : memref<40x128xi32, #tpu.memory_space<hbm>>) dst(%arg7 : memref<40x128xi32, #tpu.memory_space<vmem>>)
      tpu.yield
    }) : () -> ()
    %dma_start3A_28 = arith.constant 0 : i32
    %dma_start3A_29 = arith.constant 0 : i32
    %dma_start3A_30 = arith.constant 0 : i32
    %dma_start3A_31 = arith.constant 0 : i32
    %dma_start3A_32 = tpu.memref_slice %arg8[%dma_start3A_29, %dma_start3A_30, %dma_start3A_31] : memref<2x128x128xf32, #tpu.memory_space<vmem>> -> memref<1x128x128xf32, #tpu.memory_space<vmem>>
    %dma_start3A_33 = tpu.memref_squeeze %dma_start3A_32 : memref<1x128x128xf32, #tpu.memory_space<vmem>> -> memref<128x128xf32, #tpu.memory_space<vmem>>
    %dma_start3A_34 = arith.constant 0 : i32
    %dma_start3A_35 = tpu.memref_slice %arg6[%dma_start3A_28, %dma_start3A_34] : memref<40x128xi32, #tpu.memory_space<vmem>> -> memref<1x128xi32, #tpu.memory_space<vmem>>
    %dma_start3A_36 = tpu.memref_squeeze %dma_start3A_35 : memref<1x128xi32, #tpu.memory_space<vmem>> -> memref<128xi32, #tpu.memory_space<vmem>>
    %dma_start3A_37 = arith.constant 0 : i32
    %dma_start3A_38 = arith.constant 0 : i32
    %dma_start3A_39 = tpu.memref_slice %arg2[%dma_start3A_37, %dma_start3A_38] : memref<10240x128xf32, #tpu.memory_space<hbm>> -> memref<10240x128xf32, #tpu.memory_space<hbm>>
    tpu.enqueue_indirect_dma source(%dma_start3A_39 : memref<10240x128xf32, #tpu.memory_space<hbm>>) target(%dma_start3A_33 : memref<128x128xf32, #tpu.memory_space<vmem>>) offsets(%dma_start3A_36 : memref<128xi32, #tpu.memory_space<vmem>>) semaphore(%arg10 : memref<!tpu.dma_semaphore, #tpu.memory_space<semaphore_mem>>)
    %scan3A_40 = arith.constant 0 : i32
    %scan3A_41 = arith.constant 20 : i32
    %scan3A_42 = arith.addi %scan3A_40, %scan3A_41 : i32
    %scan3A_43 = arith.constant 1 : i32
    scf.for %scan3A_51 = %scan3A_40 to %scan3A_42 step %scan3A_43  : i32 {
      %mul3A_52 = arith.constant 2 : i32
      %mul3A_53 = arith.muli %scan3A_51, %mul3A_52 : i32
      %add3A_54 = arith.constant 0 : i32
      %add3A_55 = arith.addi %add3A_54, %mul3A_53 : i32
      %dma_wait3A = arith.constant 0 : i32
      %dma_wait3A_56 = arith.constant 0 : i32
      %dma_wait3A_57 = arith.constant 0 : i32
      %dma_wait3A_58 = tpu.memref_slice %arg8[%dma_wait3A, %dma_wait3A_56, %dma_wait3A_57] : memref<2x128x128xf32, #tpu.memory_space<vmem>> -> memref<1x128x128xf32, #tpu.memory_space<vmem>>
      %dma_wait3A_59 = tpu.memref_squeeze %dma_wait3A_58 : memref<1x128x128xf32, #tpu.memory_space<vmem>> -> memref<128x128xf32, #tpu.memory_space<vmem>>
      %dma_wait3A_60 = arith.constant 0 : i32
      %dma_wait3A_61 = tpu.memref_slice %arg6[%add3A_55, %dma_wait3A_60] : memref<40x128xi32, #tpu.memory_space<vmem>> -> memref<1x128xi32, #tpu.memory_space<vmem>>
      %dma_wait3A_62 = tpu.memref_squeeze %dma_wait3A_61 : memref<1x128xi32, #tpu.memory_space<vmem>> -> memref<128xi32, #tpu.memory_space<vmem>>
      %dma_wait3A_63 = arith.constant 0 : i32
      %dma_wait3A_64 = arith.constant 0 : i32
      %dma_wait3A_65 = tpu.memref_slice %arg2[%dma_wait3A_63, %dma_wait3A_64] : memref<10240x128xf32, #tpu.memory_space<hbm>> -> memref<10240x128xf32, #tpu.memory_space<hbm>>
      tpu.wait_indirect_dma semaphore(%arg10 : memref<!tpu.dma_semaphore, #tpu.memory_space<semaphore_mem>>) src(%dma_wait3A_65 : memref<10240x128xf32, #tpu.memory_space<hbm>>) dst(%dma_wait3A_59 : memref<128x128xf32, #tpu.memory_space<vmem>>)
      %add3A_66 = arith.constant 1 : i32
      %add3A_67 = arith.addi %add3A_55, %add3A_66 : i32
      %dma_start3A_68 = arith.constant 1 : i32
      %dma_start3A_69 = arith.constant 0 : i32
      %dma_start3A_70 = arith.constant 0 : i32
      %dma_start3A_71 = tpu.memref_slice %arg8[%dma_start3A_68, %dma_start3A_69, %dma_start3A_70] : memref<2x128x128xf32, #tpu.memory_space<vmem>> -> memref<1x128x128xf32, #tpu.memory_space<vmem>>
      %dma_start3A_72 = tpu.memref_squeeze %dma_start3A_71 : memref<1x128x128xf32, #tpu.memory_space<vmem>> -> memref<128x128xf32, #tpu.memory_space<vmem>>
      %dma_start3A_73 = arith.constant 0 : i32
      %dma_start3A_74 = tpu.memref_slice %arg6[%add3A_67, %dma_start3A_73] : memref<40x128xi32, #tpu.memory_space<vmem>> -> memref<1x128xi32, #tpu.memory_space<vmem>>
      %dma_start3A_75 = tpu.memref_squeeze %dma_start3A_74 : memref<1x128xi32, #tpu.memory_space<vmem>> -> memref<128xi32, #tpu.memory_space<vmem>>
      %dma_start3A_76 = arith.constant 0 : i32
      %dma_start3A_77 = arith.constant 0 : i32
      %dma_start3A_78 = tpu.memref_slice %arg2[%dma_start3A_76, %dma_start3A_77] : memref<10240x128xf32, #tpu.memory_space<hbm>> -> memref<10240x128xf32, #tpu.memory_space<hbm>>
      tpu.enqueue_indirect_dma source(%dma_start3A_78 : memref<10240x128xf32, #tpu.memory_space<hbm>>) target(%dma_start3A_72 : memref<128x128xf32, #tpu.memory_space<vmem>>) offsets(%dma_start3A_75 : memref<128xi32, #tpu.memory_space<vmem>>) semaphore(%arg11 : memref<!tpu.dma_semaphore, #tpu.memory_space<semaphore_mem>>)
      %run_scoped3A = arith.constant 0 : i32
      "tpu.region"() ({
        %run_scoped3A_99 = tpu.sem_alloc : memref<!tpu.dma_semaphore, #tpu.memory_space<semaphore_mem>>
        %dma_start3A_100 = arith.constant 0 : i32
        %dma_start3A_101 = arith.constant 0 : i32
        %dma_start3A_102 = tpu.memref_slice %arg8[%run_scoped3A, %dma_start3A_100, %dma_start3A_101] : memref<2x128x128xf32, #tpu.memory_space<vmem>> -> memref<1x128x128xf32, #tpu.memory_space<vmem>>
        %dma_start3A_103 = tpu.memref_squeeze %dma_start3A_102 : memref<1x128x128xf32, #tpu.memory_space<vmem>> -> memref<128x128xf32, #tpu.memory_space<vmem>>
        %dma_start3A_104 = arith.constant 0 : i32
        %dma_start3A_105 = tpu.memref_slice %arg7[%add3A_55, %dma_start3A_104] : memref<40x128xi32, #tpu.memory_space<vmem>> -> memref<1x128xi32, #tpu.memory_space<vmem>>
        %dma_start3A_106 = tpu.memref_squeeze %dma_start3A_105 : memref<1x128xi32, #tpu.memory_space<vmem>> -> memref<128xi32, #tpu.memory_space<vmem>>
        %dma_start3A_107 = arith.constant 0 : i32
        %dma_start3A_108 = arith.constant 0 : i32
        %dma_start3A_109 = tpu.memref_slice %arg9[%dma_start3A_107, %dma_start3A_108] : memref<10240x128xf32, #tpu.memory_space<vmem_shared>> -> memref<10240x128xf32, #tpu.memory_space<vmem_shared>>
        tpu.enqueue_indirect_dma source(%dma_start3A_103 : memref<128x128xf32, #tpu.memory_space<vmem>>) target(%dma_start3A_109 : memref<10240x128xf32, #tpu.memory_space<vmem_shared>>) offsets(%dma_start3A_106 : memref<128xi32, #tpu.memory_space<vmem>>) semaphore(%run_scoped3A_99 : memref<!tpu.dma_semaphore, #tpu.memory_space<semaphore_mem>>) {add = true}
        %dma_wait3A_110 = arith.constant 0 : i32
        %dma_wait3A_111 = arith.constant 0 : i32
        %dma_wait3A_112 = tpu.memref_slice %arg8[%run_scoped3A, %dma_wait3A_110, %dma_wait3A_111] : memref<2x128x128xf32, #tpu.memory_space<vmem>> -> memref<1x128x128xf32, #tpu.memory_space<vmem>>
        %dma_wait3A_113 = tpu.memref_squeeze %dma_wait3A_112 : memref<1x128x128xf32, #tpu.memory_space<vmem>> -> memref<128x128xf32, #tpu.memory_space<vmem>>
        %dma_wait3A_114 = arith.constant 0 : i32
        %dma_wait3A_115 = tpu.memref_slice %arg7[%add3A_55, %dma_wait3A_114] : memref<40x128xi32, #tpu.memory_space<vmem>> -> memref<1x128xi32, #tpu.memory_space<vmem>>
        %dma_wait3A_116 = tpu.memref_squeeze %dma_wait3A_115 : memref<1x128xi32, #tpu.memory_space<vmem>> -> memref<128xi32, #tpu.memory_space<vmem>>
        %dma_wait3A_117 = arith.constant 0 : i32
        %dma_wait3A_118 = arith.constant 0 : i32
        %dma_wait3A_119 = tpu.memref_slice %arg9[%dma_wait3A_117, %dma_wait3A_118] : memref<10240x128xf32, #tpu.memory_space<vmem_shared>> -> memref<10240x128xf32, #tpu.memory_space<vmem_shared>>
        tpu.wait_indirect_dma semaphore(%run_scoped3A_99 : memref<!tpu.dma_semaphore, #tpu.memory_space<semaphore_mem>>) src(%dma_wait3A_113 : memref<128x128xf32, #tpu.memory_space<vmem>>) dst(%dma_wait3A_119 : memref<10240x128xf32, #tpu.memory_space<vmem_shared>>)
        tpu.yield
      }) : () -> ()
      %add3A_79 = arith.constant 1 : i32
      %add3A_80 = arith.addi %add3A_55, %add3A_79 : i32
      %dma_wait3A_81 = arith.constant 1 : i32
      %dma_wait3A_82 = arith.constant 0 : i32
      %dma_wait3A_83 = arith.constant 0 : i32
      %dma_wait3A_84 = tpu.memref_slice %arg8[%dma_wait3A_81, %dma_wait3A_82, %dma_wait3A_83] : memref<2x128x128xf32, #tpu.memory_space<vmem>> -> memref<1x128x128xf32, #tpu.memory_space<vmem>>
      %dma_wait3A_85 = tpu.memref_squeeze %dma_wait3A_84 : memref<1x128x128xf32, #tpu.memory_space<vmem>> -> memref<128x128xf32, #tpu.memory_space<vmem>>
      %dma_wait3A_86 = arith.constant 0 : i32
      %dma_wait3A_87 = tpu.memref_slice %arg6[%add3A_80, %dma_wait3A_86] : memref<40x128xi32, #tpu.memory_space<vmem>> -> memref<1x128xi32, #tpu.memory_space<vmem>>
      %dma_wait3A_88 = tpu.memref_squeeze %dma_wait3A_87 : memref<1x128xi32, #tpu.memory_space<vmem>> -> memref<128xi32, #tpu.memory_space<vmem>>
      %dma_wait3A_89 = arith.constant 0 : i32
      %dma_wait3A_90 = arith.constant 0 : i32
      %dma_wait3A_91 = tpu.memref_slice %arg2[%dma_wait3A_89, %dma_wait3A_90] : memref<10240x128xf32, #tpu.memory_space<hbm>> -> memref<10240x128xf32, #tpu.memory_space<hbm>>
      tpu.wait_indirect_dma semaphore(%arg11 : memref<!tpu.dma_semaphore, #tpu.memory_space<semaphore_mem>>) src(%dma_wait3A_91 : memref<10240x128xf32, #tpu.memory_space<hbm>>) dst(%dma_wait3A_85 : memref<128x128xf32, #tpu.memory_space<vmem>>)
      %add3A_92 = arith.constant 2 : i32
      %add3A_93 = arith.addi %add3A_55, %add3A_92 : i32
      %lt3A = arith.constant 40 : i32
      %lt3A_94 = arith.cmpi slt, %add3A_93, %lt3A : i32
      %convert_element_type3A = arith.extui %lt3A_94 : i1 to i32
      %cond3A = arith.constant 0 : i32
      %cond3A_95 = arith.cmpi ne, %convert_element_type3A, %cond3A : i32
      scf.if %cond3A_95 {
        %add3A_99 = arith.constant 2 : i32
        %add3A_100 = arith.addi %add3A_55, %add3A_99 : i32
        %dma_start3A_101 = arith.constant 0 : i32
        %dma_start3A_102 = arith.constant 0 : i32
        %dma_start3A_103 = arith.constant 0 : i32
        %dma_start3A_104 = tpu.memref_slice %arg8[%dma_start3A_101, %dma_start3A_102, %dma_start3A_103] : memref<2x128x128xf32, #tpu.memory_space<vmem>> -> memref<1x128x128xf32, #tpu.memory_space<vmem>>
        %dma_start3A_105 = tpu.memref_squeeze %dma_start3A_104 : memref<1x128x128xf32, #tpu.memory_space<vmem>> -> memref<128x128xf32, #tpu.memory_space<vmem>>
        %dma_start3A_106 = arith.constant 0 : i32
        %dma_start3A_107 = tpu.memref_slice %arg6[%add3A_100, %dma_start3A_106] : memref<40x128xi32, #tpu.memory_space<vmem>> -> memref<1x128xi32, #tpu.memory_space<vmem>>
        %dma_start3A_108 = tpu.memref_squeeze %dma_start3A_107 : memref<1x128xi32, #tpu.memory_space<vmem>> -> memref<128xi32, #tpu.memory_space<vmem>>
        %dma_start3A_109 = arith.constant 0 : i32
        %dma_start3A_110 = arith.constant 0 : i32
        %dma_start3A_111 = tpu.memref_slice %arg2[%dma_start3A_109, %dma_start3A_110] : memref<10240x128xf32, #tpu.memory_space<hbm>> -> memref<10240x128xf32, #tpu.memory_space<hbm>>
        tpu.enqueue_indirect_dma source(%dma_start3A_111 : memref<10240x128xf32, #tpu.memory_space<hbm>>) target(%dma_start3A_105 : memref<128x128xf32, #tpu.memory_space<vmem>>) offsets(%dma_start3A_108 : memref<128xi32, #tpu.memory_space<vmem>>) semaphore(%arg10 : memref<!tpu.dma_semaphore, #tpu.memory_space<semaphore_mem>>)
      } else {
      }
      %add3A_96 = arith.constant 1 : i32
      %add3A_97 = arith.addi %add3A_55, %add3A_96 : i32
      %run_scoped3A_98 = arith.constant 1 : i32
      "tpu.region"() ({
        %run_scoped3A_99 = tpu.sem_alloc : memref<!tpu.dma_semaphore, #tpu.memory_space<semaphore_mem>>
        %dma_start3A_100 = arith.constant 0 : i32
        %dma_start3A_101 = arith.constant 0 : i32
        %dma_start3A_102 = tpu.memref_slice %arg8[%run_scoped3A_98, %dma_start3A_100, %dma_start3A_101] : memref<2x128x128xf32, #tpu.memory_space<vmem>> -> memref<1x128x128xf32, #tpu.memory_space<vmem>>
        %dma_start3A_103 = tpu.memref_squeeze %dma_start3A_102 : memref<1x128x128xf32, #tpu.memory_space<vmem>> -> memref<128x128xf32, #tpu.memory_space<vmem>>
        %dma_start3A_104 = arith.constant 0 : i32
        %dma_start3A_105 = tpu.memref_slice %arg7[%add3A_97, %dma_start3A_104] : memref<40x128xi32, #tpu.memory_space<vmem>> -> memref<1x128xi32, #tpu.memory_space<vmem>>
        %dma_start3A_106 = tpu.memref_squeeze %dma_start3A_105 : memref<1x128xi32, #tpu.memory_space<vmem>> -> memref<128xi32, #tpu.memory_space<vmem>>
        %dma_start3A_107 = arith.constant 0 : i32
        %dma_start3A_108 = arith.constant 0 : i32
        %dma_start3A_109 = tpu.memref_slice %arg9[%dma_start3A_107, %dma_start3A_108] : memref<10240x128xf32, #tpu.memory_space<vmem_shared>> -> memref<10240x128xf32, #tpu.memory_space<vmem_shared>>
        tpu.enqueue_indirect_dma source(%dma_start3A_103 : memref<128x128xf32, #tpu.memory_space<vmem>>) target(%dma_start3A_109 : memref<10240x128xf32, #tpu.memory_space<vmem_shared>>) offsets(%dma_start3A_106 : memref<128xi32, #tpu.memory_space<vmem>>) semaphore(%run_scoped3A_99 : memref<!tpu.dma_semaphore, #tpu.memory_space<semaphore_mem>>) {add = true}
        %dma_wait3A_110 = arith.constant 0 : i32
        %dma_wait3A_111 = arith.constant 0 : i32
        %dma_wait3A_112 = tpu.memref_slice %arg8[%run_scoped3A_98, %dma_wait3A_110, %dma_wait3A_111] : memref<2x128x128xf32, #tpu.memory_space<vmem>> -> memref<1x128x128xf32, #tpu.memory_space<vmem>>
        %dma_wait3A_113 = tpu.memref_squeeze %dma_wait3A_112 : memref<1x128x128xf32, #tpu.memory_space<vmem>> -> memref<128x128xf32, #tpu.memory_space<vmem>>
        %dma_wait3A_114 = arith.constant 0 : i32
        %dma_wait3A_115 = tpu.memref_slice %arg7[%add3A_97, %dma_wait3A_114] : memref<40x128xi32, #tpu.memory_space<vmem>> -> memref<1x128xi32, #tpu.memory_space<vmem>>
        %dma_wait3A_116 = tpu.memref_squeeze %dma_wait3A_115 : memref<1x128xi32, #tpu.memory_space<vmem>> -> memref<128xi32, #tpu.memory_space<vmem>>
        %dma_wait3A_117 = arith.constant 0 : i32
        %dma_wait3A_118 = arith.constant 0 : i32
        %dma_wait3A_119 = tpu.memref_slice %arg9[%dma_wait3A_117, %dma_wait3A_118] : memref<10240x128xf32, #tpu.memory_space<vmem_shared>> -> memref<10240x128xf32, #tpu.memory_space<vmem_shared>>
        tpu.wait_indirect_dma semaphore(%run_scoped3A_99 : memref<!tpu.dma_semaphore, #tpu.memory_space<semaphore_mem>>) src(%dma_wait3A_113 : memref<128x128xf32, #tpu.memory_space<vmem>>) dst(%dma_wait3A_119 : memref<10240x128xf32, #tpu.memory_space<vmem_shared>>)
        tpu.yield
      }) : () -> ()
    }
    %scan3A_44 = arith.constant 20 : i32
    %barrier3A_45 = arith.constant 0 : index
    tpu.barrier barrier_id(%barrier3A_45)
    %scan3A_46 = arith.constant 0 : i32
    %scan3A_47 = arith.constant 5 : i32
    %scan3A_48 = arith.addi %scan3A_46, %scan3A_47 : i32
    %scan3A_49 = arith.constant 1 : i32
    scf.for %scan3A_51 = %scan3A_46 to %scan3A_48 step %scan3A_49  : i32 {
      %mul3A_52 = arith.constant 1 : i32
      %mul3A_53 = arith.muli %scan3A_51, %mul3A_52 : i32
      %add3A_54 = arith.constant 0 : i32
      %add3A_55 = arith.addi %add3A_54, %mul3A_53 : i32
      %mul3A_56 = arith.constant 128 : i32
      %mul3A_57 = arith.muli %add3A_55, %mul3A_56 : i32
      %add3A_58 = arith.addi %mul3A_6, %mul3A_57 : i32
      "tpu.region"() ({
        %run_scoped3A = tpu.sem_alloc : memref<!tpu.dma_semaphore, #tpu.memory_space<semaphore_mem>>
        %dma_start3A_59 = arith.constant 0 : i32
        %dma_start3A_60 = tpu.memref_slice %arg5[%arg0, %add3A_58, %dma_start3A_59] : memref<2x10240x128xf32, #tpu.memory_space<hbm>> -> memref<1x128x128xf32, #tpu.memory_space<hbm>>
        %dma_start3A_61 = tpu.memref_squeeze %dma_start3A_60 : memref<1x128x128xf32, #tpu.memory_space<hbm>> -> memref<128x128xf32, #tpu.memory_space<hbm>>
        %dma_start3A_62 = arith.constant 0 : i32
        %dma_start3A_63 = tpu.memref_slice %arg9[%add3A_58, %dma_start3A_62] : memref<10240x128xf32, #tpu.memory_space<vmem_shared>> -> memref<128x128xf32, #tpu.memory_space<vmem_shared>>
        tpu.enqueue_dma source(%dma_start3A_63 : memref<128x128xf32, #tpu.memory_space<vmem_shared>>) target(%dma_start3A_61 : memref<128x128xf32, #tpu.memory_space<hbm>>) target_semaphore(%run_scoped3A : memref<!tpu.dma_semaphore, #tpu.memory_space<semaphore_mem>>)
        %dma_wait3A = arith.constant 0 : i32
        %dma_wait3A_64 = tpu.memref_slice %arg5[%arg0, %add3A_58, %dma_wait3A] : memref<2x10240x128xf32, #tpu.memory_space<hbm>> -> memref<1x128x128xf32, #tpu.memory_space<hbm>>
        %dma_wait3A_65 = tpu.memref_squeeze %dma_wait3A_64 : memref<1x128x128xf32, #tpu.memory_space<hbm>> -> memref<128x128xf32, #tpu.memory_space<hbm>>
        %dma_wait3A_66 = arith.constant 0 : i32
        %dma_wait3A_67 = tpu.memref_slice %arg9[%add3A_58, %dma_wait3A_66] : memref<10240x128xf32, #tpu.memory_space<vmem_shared>> -> memref<128x128xf32, #tpu.memory_space<vmem_shared>>
        tpu.wait_dma2 semaphore(%run_scoped3A : memref<!tpu.dma_semaphore, #tpu.memory_space<semaphore_mem>>) src(%dma_wait3A_67 : memref<128x128xf32, #tpu.memory_space<vmem_shared>>) dst(%dma_wait3A_65 : memref<128x128xf32, #tpu.memory_space<hbm>>)
        tpu.yield
      }) : () -> ()
    }
    %scan3A_50 = arith.constant 5 : i32
    return
  }
}

#map = affine_map<(d0, d1) -> (0, 0, 0)>
module attributes {stable_mosaic.version = 14 : i64} {
  func.func @k(%arg0: i32, %arg1: i32, %arg2: memref<32x80x128xi32, #tpu.memory_space<hbm>>, %arg3: memref<2x10240x128xf32, #tpu.memory_space<hbm>>, %arg4: memref<80x128xi32, #tpu.memory_space<vmem>>, %arg5: memref<128x128xf32, #tpu.memory_space<vmem>>, %arg6: memref<128x128xf32, #tpu.memory_space<vmem>>, %arg7: memref<10240x128xf32, #tpu.memory_space<vmem_shared>>) attributes {dimension_semantics = [#tpu.dimension_semantics<core_parallel>, #tpu.dimension_semantics<subcore_parallel>], iteration_bounds = array<i64: 2, 16>, scalar_prefetch = 0 : i64, scratch_operands = 4 : i64, tpu.core_type = #tpu.core_type<sc_vector_subcore>, window_params = [{transform_indices = #map}, {transform_indices = #map}]} {
    %mul3A = arith.constant 16 : i32
    %mul3A_0 = arith.muli %arg0, %mul3A : i32
    %add3A = arith.addi %mul3A_0, %arg1 : i32
    "tpu.region"() ({
      %run_scoped3A = tpu.sem_alloc : memref<!tpu.dma_semaphore, #tpu.memory_space<semaphore_mem>>
      %dma_start3A = arith.constant 0 : i32
      %dma_start3A_23 = arith.constant 0 : i32
      %dma_start3A_24 = tpu.memref_slice %arg2[%add3A, %dma_start3A, %dma_start3A_23] : memref<32x80x128xi32, #tpu.memory_space<hbm>> -> memref<1x80x128xi32, #tpu.memory_space<hbm>>
      %dma_start3A_25 = tpu.memref_squeeze %dma_start3A_24 : memref<1x80x128xi32, #tpu.memory_space<hbm>> -> memref<80x128xi32, #tpu.memory_space<hbm>>
      %dma_start3A_26 = arith.constant 0 : i32
      %dma_start3A_27 = arith.constant 0 : i32
      %dma_start3A_28 = tpu.memref_slice %arg2[%add3A, %dma_start3A_26, %dma_start3A_27] : memref<32x80x128xi32, #tpu.memory_space<hbm>> -> memref<1x80x128xi32, #tpu.memory_space<hbm>>
      %dma_start3A_29 = tpu.memref_squeeze %dma_start3A_28 : memref<1x80x128xi32, #tpu.memory_space<hbm>> -> memref<80x128xi32, #tpu.memory_space<hbm>>
      tpu.enqueue_dma source(%dma_start3A_29 : memref<80x128xi32, #tpu.memory_space<hbm>>) target(%arg4 : memref<80x128xi32, #tpu.memory_space<vmem>>) target_semaphore(%run_scoped3A : memref<!tpu.dma_semaphore, #tpu.memory_space<semaphore_mem>>)
      %dma_wait3A = arith.constant 0 : i32
      %dma_wait3A_30 = arith.constant 0 : i32
      %dma_wait3A_31 = tpu.memref_slice %arg2[%add3A, %dma_wait3A, %dma_wait3A_30] : memref<32x80x128xi32, #tpu.memory_space<hbm>> -> memref<1x80x128xi32, #tpu.memory_space<hbm>>
      %dma_wait3A_32 = tpu.memref_squeeze %dma_wait3A_31 : memref<1x80x128xi32, #tpu.memory_space<hbm>> -> memref<80x128xi32, #tpu.memory_space<hbm>>
      %dma_wait3A_33 = arith.constant 0 : i32
      %dma_wait3A_34 = arith.constant 0 : i32
      %dma_wait3A_35 = tpu.memref_slice %arg2[%add3A, %dma_wait3A_33, %dma_wait3A_34] : memref<32x80x128xi32, #tpu.memory_space<hbm>> -> memref<1x80x128xi32, #tpu.memory_space<hbm>>
      %dma_wait3A_36 = tpu.memref_squeeze %dma_wait3A_35 : memref<1x80x128xi32, #tpu.memory_space<hbm>> -> memref<80x128xi32, #tpu.memory_space<hbm>>
      tpu.wait_dma2 semaphore(%run_scoped3A : memref<!tpu.dma_semaphore, #tpu.memory_space<semaphore_mem>>) src(%dma_wait3A_36 : memref<80x128xi32, #tpu.memory_space<hbm>>) dst(%arg4 : memref<80x128xi32, #tpu.memory_space<vmem>>)
      tpu.yield
    }) : () -> ()
    %scan3A = arith.constant 0 : i32
    %scan3A_1 = arith.constant 128 : i32
    %scan3A_2 = arith.addi %scan3A, %scan3A_1 : i32
    %scan3A_3 = arith.constant 1 : i32
    scf.for %scan3A_23 = %scan3A to %scan3A_2 step %scan3A_3  : i32 {
      %mul3A_24 = arith.constant 1 : i32
      %mul3A_25 = arith.muli %scan3A_23, %mul3A_24 : i32
      %add3A_26 = arith.constant 0 : i32
      %add3A_27 = arith.addi %add3A_26, %mul3A_25 : i32
      %scan3A_28 = arith.constant 0 : i32
      %scan3A_29 = arith.constant 8 : i32
      %scan3A_30 = arith.addi %scan3A_28, %scan3A_29 : i32
      %scan3A_31 = arith.constant 1 : i32
      scf.for %scan3A_33 = %scan3A_28 to %scan3A_30 step %scan3A_31  : i32 {
        %mul3A_34 = arith.constant 1 : i32
        %mul3A_35 = arith.muli %scan3A_33, %mul3A_34 : i32
        %add3A_36 = arith.constant 0 : i32
        %add3A_37 = arith.addi %add3A_36, %mul3A_35 : i32
        %broadcast_in_dim3A = arith.constant 1.000000e+00 : f32
        %broadcast_in_dim3A_38 = vector.broadcast %broadcast_in_dim3A : f32 to vector<16xf32>
        %mul3A_39 = arith.constant 16 : i32
        %mul3A_40 = arith.muli %add3A_37, %mul3A_39 : i32
        %swap3A = arith.index_cast %add3A_27 : i32 to index
        %swap3A_41 = arith.index_cast %mul3A_40 : i32 to index
        %swap3A_42 = tpu.vector_load %arg5[%swap3A, %swap3A_41] {strides = array<i32>} : memref<128x128xf32, #tpu.memory_space<vmem>>, vector<1x16xf32>,
        %swap3A_43 = vector.shape_cast %swap3A_42 : vector<1x16xf32> to vector<16xf32>
        %swap3A_44 = vector.shape_cast %broadcast_in_dim3A_38 : vector<16xf32> to vector<1x16xf32>
        tpu.vector_store %arg5[%swap3A, %swap3A_41], %swap3A_44 {strides = array<i32>} : memref<128x128xf32, #tpu.memory_space<vmem>>, vector<1x16xf32>,
        %broadcast_in_dim3A_45 = arith.constant 0.000000e+00 : f32
        %broadcast_in_dim3A_46 = vector.broadcast %broadcast_in_dim3A_45 : f32 to vector<16xf32>
        %mul3A_47 = arith.constant 16 : i32
        %mul3A_48 = arith.muli %add3A_37, %mul3A_47 : i32
        %swap3A_49 = arith.index_cast %add3A_27 : i32 to index
        %swap3A_50 = arith.index_cast %mul3A_48 : i32 to index
        %swap3A_51 = tpu.vector_load %arg6[%swap3A_49, %swap3A_50] {strides = array<i32>} : memref<128x128xf32, #tpu.memory_space<vmem>>, vector<1x16xf32>,
        %swap3A_52 = vector.shape_cast %swap3A_51 : vector<1x16xf32> to vector<16xf32>
        %swap3A_53 = vector.shape_cast %broadcast_in_dim3A_46 : vector<16xf32> to vector<1x16xf32>
        tpu.vector_store %arg6[%swap3A_49, %swap3A_50], %swap3A_53 {strides = array<i32>} : memref<128x128xf32, #tpu.memory_space<vmem>>, vector<1x16xf32>,
      }
      %scan3A_32 = arith.constant 8 : i32
    }
    %scan3A_4 = arith.constant 128 : i32
    %mul3A_5 = arith.constant 640 : i32
    %mul3A_6 = arith.muli %arg1, %mul3A_5 : i32
    %scan3A_7 = arith.constant 0 : i32
    %scan3A_8 = arith.constant 5 : i32
    %scan3A_9 = arith.addi %scan3A_7, %scan3A_8 : i32
    %scan3A_10 = arith.constant 1 : i32
    scf.for %scan3A_23 = %scan3A_7 to %scan3A_9 step %scan3A_10  : i32 {
      %mul3A_24 = arith.constant 1 : i32
      %mul3A_25 = arith.muli %scan3A_23, %mul3A_24 : i32
      %add3A_26 = arith.constant 0 : i32
      %add3A_27 = arith.addi %add3A_26, %mul3A_25 : i32
      %mul3A_28 = arith.constant 128 : i32
      %mul3A_29 = arith.muli %add3A_27, %mul3A_28 : i32
      %add3A_30 = arith.addi %mul3A_6, %mul3A_29 : i32
      "tpu.region"() ({
        %run_scoped3A = tpu.sem_alloc : memref<!tpu.dma_semaphore, #tpu.memory_space<semaphore_mem>>
        %dma_start3A = arith.constant 0 : i32
        %dma_start3A_31 = tpu.memref_slice %arg7[%add3A_30, %dma_start3A] : memref<10240x128xf32, #tpu.memory_space<vmem_shared>> -> memref<128x128xf32, #tpu.memory_space<vmem_shared>>
        %dma_start3A_32 = arith.constant 0 : i32
        %dma_start3A_33 = tpu.memref_slice %arg7[%add3A_30, %dma_start3A_32] : memref<10240x128xf32, #tpu.memory_space<vmem_shared>> -> memref<128x128xf32, #tpu.memory_space<vmem_shared>>
        tpu.enqueue_dma source(%arg6 : memref<128x128xf32, #tpu.memory_space<vmem>>) target(%dma_start3A_33 : memref<128x128xf32, #tpu.memory_space<vmem_shared>>) target_semaphore(%run_scoped3A : memref<!tpu.dma_semaphore, #tpu.memory_space<semaphore_mem>>)
        %dma_wait3A = arith.constant 0 : i32
        %dma_wait3A_34 = tpu.memref_slice %arg7[%add3A_30, %dma_wait3A] : memref<10240x128xf32, #tpu.memory_space<vmem_shared>> -> memref<128x128xf32, #tpu.memory_space<vmem_shared>>
        %dma_wait3A_35 = arith.constant 0 : i32
        %dma_wait3A_36 = tpu.memref_slice %arg7[%add3A_30, %dma_wait3A_35] : memref<10240x128xf32, #tpu.memory_space<vmem_shared>> -> memref<128x128xf32, #tpu.memory_space<vmem_shared>>
        tpu.wait_dma2 semaphore(%run_scoped3A : memref<!tpu.dma_semaphore, #tpu.memory_space<semaphore_mem>>) src(%arg6 : memref<128x128xf32, #tpu.memory_space<vmem>>) dst(%dma_wait3A_36 : memref<128x128xf32, #tpu.memory_space<vmem_shared>>)
        tpu.yield
      }) : () -> ()
    }
    %scan3A_11 = arith.constant 5 : i32
    %barrier3A = arith.constant 0 : index
    tpu.barrier barrier_id(%barrier3A)
    %scan3A_12 = arith.constant 0 : i32
    %scan3A_13 = arith.constant 80 : i32
    %scan3A_14 = arith.addi %scan3A_12, %scan3A_13 : i32
    %scan3A_15 = arith.constant 1 : i32
    scf.for %scan3A_23 = %scan3A_12 to %scan3A_14 step %scan3A_15  : i32 {
      %mul3A_24 = arith.constant 1 : i32
      %mul3A_25 = arith.muli %scan3A_23, %mul3A_24 : i32
      %add3A_26 = arith.constant 0 : i32
      %add3A_27 = arith.addi %add3A_26, %mul3A_25 : i32
      "tpu.region"() ({
        %run_scoped3A = tpu.sem_alloc : memref<!tpu.dma_semaphore, #tpu.memory_space<semaphore_mem>>
        %dma_start3A = arith.constant 0 : i32
        %dma_start3A_28 = tpu.memref_slice %arg4[%add3A_27, %dma_start3A] : memref<80x128xi32, #tpu.memory_space<vmem>> -> memref<1x128xi32, #tpu.memory_space<vmem>>
        %dma_start3A_29 = tpu.memref_squeeze %dma_start3A_28 : memref<1x128xi32, #tpu.memory_space<vmem>> -> memref<128xi32, #tpu.memory_space<vmem>>
        %dma_start3A_30 = arith.constant 0 : i32
        %dma_start3A_31 = arith.constant 0 : i32
        %dma_start3A_32 = tpu.memref_slice %arg7[%dma_start3A_30, %dma_start3A_31] : memref<10240x128xf32, #tpu.memory_space<vmem_shared>> -> memref<10240x128xf32, #tpu.memory_space<vmem_shared>>
        tpu.enqueue_indirect_dma source(%arg5 : memref<128x128xf32, #tpu.memory_space<vmem>>) target(%dma_start3A_32 : memref<10240x128xf32, #tpu.memory_space<vmem_shared>>) offsets(%dma_start3A_29 : memref<128xi32, #tpu.memory_space<vmem>>) semaphore(%run_scoped3A : memref<!tpu.dma_semaphore, #tpu.memory_space<semaphore_mem>>) {add = true}
        %dma_wait3A = arith.constant 0 : i32
        %dma_wait3A_33 = tpu.memref_slice %arg4[%add3A_27, %dma_wait3A] : memref<80x128xi32, #tpu.memory_space<vmem>> -> memref<1x128xi32, #tpu.memory_space<vmem>>
        %dma_wait3A_34 = tpu.memref_squeeze %dma_wait3A_33 : memref<1x128xi32, #tpu.memory_space<vmem>> -> memref<128xi32, #tpu.memory_space<vmem>>
        %dma_wait3A_35 = arith.constant 0 : i32
        %dma_wait3A_36 = arith.constant 0 : i32
        %dma_wait3A_37 = tpu.memref_slice %arg7[%dma_wait3A_35, %dma_wait3A_36] : memref<10240x128xf32, #tpu.memory_space<vmem_shared>> -> memref<10240x128xf32, #tpu.memory_space<vmem_shared>>
        tpu.wait_indirect_dma semaphore(%run_scoped3A : memref<!tpu.dma_semaphore, #tpu.memory_space<semaphore_mem>>) src(%arg5 : memref<128x128xf32, #tpu.memory_space<vmem>>) dst(%dma_wait3A_37 : memref<10240x128xf32, #tpu.memory_space<vmem_shared>>)
        tpu.yield
      }) : () -> ()
    }
    %scan3A_16 = arith.constant 80 : i32
    %barrier3A_17 = arith.constant 0 : index
    tpu.barrier barrier_id(%barrier3A_17)
    %scan3A_18 = arith.constant 0 : i32
    %scan3A_19 = arith.constant 5 : i32
    %scan3A_20 = arith.addi %scan3A_18, %scan3A_19 : i32
    %scan3A_21 = arith.constant 1 : i32
    scf.for %scan3A_23 = %scan3A_18 to %scan3A_20 step %scan3A_21  : i32 {
      %mul3A_24 = arith.constant 1 : i32
      %mul3A_25 = arith.muli %scan3A_23, %mul3A_24 : i32
      %add3A_26 = arith.constant 0 : i32
      %add3A_27 = arith.addi %add3A_26, %mul3A_25 : i32
      %mul3A_28 = arith.constant 128 : i32
      %mul3A_29 = arith.muli %add3A_27, %mul3A_28 : i32
      %add3A_30 = arith.addi %mul3A_6, %mul3A_29 : i32
      "tpu.region"() ({
        %run_scoped3A = tpu.sem_alloc : memref<!tpu.dma_semaphore, #tpu.memory_space<semaphore_mem>>
        %dma_start3A = arith.constant 0 : i32
        %dma_start3A_31 = tpu.memref_slice %arg3[%arg0, %add3A_30, %dma_start3A] : memref<2x10240x128xf32, #tpu.memory_space<hbm>> -> memref<1x128x128xf32, #tpu.memory_space<hbm>>
        %dma_start3A_32 = tpu.memref_squeeze %dma_start3A_31 : memref<1x128x128xf32, #tpu.memory_space<hbm>> -> memref<128x128xf32, #tpu.memory_space<hbm>>
        %dma_start3A_33 = arith.constant 0 : i32
        %dma_start3A_34 = tpu.memref_slice %arg7[%add3A_30, %dma_start3A_33] : memref<10240x128xf32, #tpu.memory_space<vmem_shared>> -> memref<128x128xf32, #tpu.memory_space<vmem_shared>>
        tpu.enqueue_dma source(%dma_start3A_34 : memref<128x128xf32, #tpu.memory_space<vmem_shared>>) target(%dma_start3A_32 : memref<128x128xf32, #tpu.memory_space<hbm>>) target_semaphore(%run_scoped3A : memref<!tpu.dma_semaphore, #tpu.memory_space<semaphore_mem>>)
        %dma_wait3A = arith.constant 0 : i32
        %dma_wait3A_35 = tpu.memref_slice %arg3[%arg0, %add3A_30, %dma_wait3A] : memref<2x10240x128xf32, #tpu.memory_space<hbm>> -> memref<1x128x128xf32, #tpu.memory_space<hbm>>
        %dma_wait3A_36 = tpu.memref_squeeze %dma_wait3A_35 : memref<1x128x128xf32, #tpu.memory_space<hbm>> -> memref<128x128xf32, #tpu.memory_space<hbm>>
        %dma_wait3A_37 = arith.constant 0 : i32
        %dma_wait3A_38 = tpu.memref_slice %arg7[%add3A_30, %dma_wait3A_37] : memref<10240x128xf32, #tpu.memory_space<vmem_shared>> -> memref<128x128xf32, #tpu.memory_space<vmem_shared>>
        tpu.wait_dma2 semaphore(%run_scoped3A : memref<!tpu.dma_semaphore, #tpu.memory_space<semaphore_mem>>) src(%dma_wait3A_38 : memref<128x128xf32, #tpu.memory_space<vmem_shared>>) dst(%dma_wait3A_36 : memref<128x128xf32, #tpu.memory_space<hbm>>)
        tpu.yield
      }) : () -> ()
    }
    %scan3A_22 = arith.constant 5 : i32
    return
  }
}

#map = affine_map<(d0, d1) -> (0, 0)>
#map1 = affine_map<(d0, d1) -> (0, 0, 0)>
module attributes {stable_mosaic.version = 14 : i64} {
  func.func @k(%arg0: i32, %arg1: i32, %arg2: memref<10240x128xf32, #tpu.memory_space<hbm>>, %arg3: memref<32x80x128xi32, #tpu.memory_space<hbm>>, %arg4: memref<32x80x128xi32, #tpu.memory_space<hbm>>, %arg5: memref<2x10240x128xf32, #tpu.memory_space<hbm>>, %arg6: memref<40x128xi32, #tpu.memory_space<vmem>>, %arg7: memref<40x128xi32, #tpu.memory_space<vmem>>, %arg8: memref<2x128x128xf32, #tpu.memory_space<vmem>>, %arg9: memref<10240x128xf32, #tpu.memory_space<vmem_shared>>, %arg10: memref<!tpu.dma_semaphore, #tpu.memory_space<semaphore_mem>>, %arg11: memref<!tpu.dma_semaphore, #tpu.memory_space<semaphore_mem>>) attributes {dimension_semantics = [#tpu.dimension_semantics<core_parallel>, #tpu.dimension_semantics<subcore_parallel>], iteration_bounds = array<i64: 2, 16>, scalar_prefetch = 0 : i64, scratch_operands = 6 : i64, tpu.core_type = #tpu.core_type<sc_vector_subcore>, window_params = [{transform_indices = #map}, {transform_indices = #map1}, {transform_indices = #map1}, {transform_indices = #map1}]} {
    %mul3A = arith.constant 16 : i32
    %mul3A_0 = arith.muli %arg0, %mul3A : i32
    %add3A = arith.addi %mul3A_0, %arg1 : i32
    %scan3A = arith.constant 0 : i32
    %scan3A_1 = arith.constant 128 : i32
    %scan3A_2 = arith.addi %scan3A, %scan3A_1 : i32
    %scan3A_3 = arith.constant 1 : i32
    scf.for %scan3A_51 = %scan3A to %scan3A_2 step %scan3A_3  : i32 {
      %mul3A_52 = arith.constant 1 : i32
      %mul3A_53 = arith.muli %scan3A_51, %mul3A_52 : i32
      %add3A_54 = arith.constant 0 : i32
      %add3A_55 = arith.addi %add3A_54, %mul3A_53 : i32
      %scan3A_56 = arith.constant 0 : i32
      %scan3A_57 = arith.constant 8 : i32
      %scan3A_58 = arith.addi %scan3A_56, %scan3A_57 : i32
      %scan3A_59 = arith.constant 1 : i32
      scf.for %scan3A_61 = %scan3A_56 to %scan3A_58 step %scan3A_59  : i32 {
        %mul3A_62 = arith.constant 1 : i32
        %mul3A_63 = arith.muli %scan3A_61, %mul3A_62 : i32
        %add3A_64 = arith.constant 0 : i32
        %add3A_65 = arith.addi %add3A_64, %mul3A_63 : i32
        %broadcast_in_dim3A = arith.constant 0.000000e+00 : f32
        %broadcast_in_dim3A_66 = vector.broadcast %broadcast_in_dim3A : f32 to vector<16xf32>
        %mul3A_67 = arith.constant 16 : i32
        %mul3A_68 = arith.muli %add3A_65, %mul3A_67 : i32
        %swap3A = arith.constant 0 : i32
        %swap3A_69 = arith.index_cast %swap3A : i32 to index
        %swap3A_70 = arith.index_cast %add3A_55 : i32 to index
        %swap3A_71 = arith.index_cast %mul3A_68 : i32 to index
        %swap3A_72 = tpu.vector_load %arg8[%swap3A_69, %swap3A_70, %swap3A_71] {strides = array<i32>} : memref<2x128x128xf32, #tpu.memory_space<vmem>>, vector<1x1x16xf32>,
        %swap3A_73 = vector.shape_cast %swap3A_72 : vector<1x1x16xf32> to vector<16xf32>
        %swap3A_74 = vector.shape_cast %broadcast_in_dim3A_66 : vector<16xf32> to vector<1x1x16xf32>
        tpu.vector_store %arg8[%swap3A_69, %swap3A_70, %swap3A_71], %swap3A_74 {strides = array<i32>} : memref<2x128x128xf32, #tpu.memory_space<vmem>>, vector<1x1x16xf32>,
      }
      %scan3A_60 = arith.constant 8 : i32
    }
    %scan3A_4 = arith.constant 128 : i32
    %mul3A_5 = arith.constant 640 : i32
    %mul3A_6 = arith.muli %arg1, %mul3A_5 : i32
    %scan3A_7 = arith.constant 0 : i32
    %scan3A_8 = arith.constant 5 : i32
    %scan3A_9 = arith.addi %scan3A_7, %scan3A_8 : i32
    %scan3A_10 = arith.constant 1 : i32
    scf.for %scan3A_51 = %scan3A_7 to %scan3A_9 step %scan3A_10  : i32 {
      %mul3A_52 = arith.constant 1 : i32
      %mul3A_53 = arith.muli %scan3A_51, %mul3A_52 : i32
      %add3A_54 = arith.constant 0 : i32
      %add3A_55 = arith.addi %add3A_54, %mul3A_53 : i32
      %mul3A_56 = arith.constant 128 : i32
      %mul3A_57 = arith.muli %add3A_55, %mul3A_56 : i32
      %add3A_58 = arith.addi %mul3A_6, %mul3A_57 : i32
      %run_scoped3A = arith.constant 0 : i32
      "tpu.region"() ({
        %run_scoped3A_59 = tpu.sem_alloc : memref<!tpu.dma_semaphore, #tpu.memory_space<semaphore_mem>>
        %dma_start3A_60 = arith.constant 0 : i32
        %dma_start3A_61 = arith.constant 0 : i32
        %dma_start3A_62 = tpu.memref_slice %arg8[%run_scoped3A, %dma_start3A_60, %dma_start3A_61] : memref<2x128x128xf32, #tpu.memory_space<vmem>> -> memref<1x128x128xf32, #tpu.memory_space<vmem>>
        %dma_start3A_63 = tpu.memref_squeeze %dma_start3A_62 : memref<1x128x128xf32, #tpu.memory_space<vmem>> -> memref<128x128xf32, #tpu.memory_space<vmem>>
        %dma_start3A_64 = arith.constant 0 : i32
        %dma_start3A_65 = tpu.memref_slice %arg9[%add3A_58, %dma_start3A_64] : memref<10240x128xf32, #tpu.memory_space<vmem_shared>> -> memref<128x128xf32, #tpu.memory_space<vmem_shared>>
        %dma_start3A_66 = arith.constant 0 : i32
        %dma_start3A_67 = tpu.memref_slice %arg9[%add3A_58, %dma_start3A_66] : memref<10240x128xf32, #tpu.memory_space<vmem_shared>> -> memref<128x128xf32, #tpu.memory_space<vmem_shared>>
        %dma_start3A_68 = arith.constant 0 : i32
        %dma_start3A_69 = arith.constant 0 : i32
        %dma_start3A_70 = tpu.memref_slice %arg8[%run_scoped3A, %dma_start3A_68, %dma_start3A_69] : memref<2x128x128xf32, #tpu.memory_space<vmem>> -> memref<1x128x128xf32, #tpu.memory_space<vmem>>
        %dma_start3A_71 = tpu.memref_squeeze %dma_start3A_70 : memref<1x128x128xf32, #tpu.memory_space<vmem>> -> memref<128x128xf32, #tpu.memory_space<vmem>>
        tpu.enqueue_dma source(%dma_start3A_71 : memref<128x128xf32, #tpu.memory_space<vmem>>) target(%dma_start3A_67 : memref<128x128xf32, #tpu.memory_space<vmem_shared>>) target_semaphore(%run_scoped3A_59 : memref<!tpu.dma_semaphore, #tpu.memory_space<semaphore_mem>>)
        %dma_wait3A = arith.constant 0 : i32
        %dma_wait3A_72 = arith.constant 0 : i32
        %dma_wait3A_73 = tpu.memref_slice %arg8[%run_scoped3A, %dma_wait3A, %dma_wait3A_72] : memref<2x128x128xf32, #tpu.memory_space<vmem>> -> memref<1x128x128xf32, #tpu.memory_space<vmem>>
        %dma_wait3A_74 = tpu.memref_squeeze %dma_wait3A_73 : memref<1x128x128xf32, #tpu.memory_space<vmem>> -> memref<128x128xf32, #tpu.memory_space<vmem>>
        %dma_wait3A_75 = arith.constant 0 : i32
        %dma_wait3A_76 = tpu.memref_slice %arg9[%add3A_58, %dma_wait3A_75] : memref<10240x128xf32, #tpu.memory_space<vmem_shared>> -> memref<128x128xf32, #tpu.memory_space<vmem_shared>>
        %dma_wait3A_77 = arith.constant 0 : i32
        %dma_wait3A_78 = tpu.memref_slice %arg9[%add3A_58, %dma_wait3A_77] : memref<10240x128xf32, #tpu.memory_space<vmem_shared>> -> memref<128x128xf32, #tpu.memory_space<vmem_shared>>
        %dma_wait3A_79 = arith.constant 0 : i32
        %dma_wait3A_80 = arith.constant 0 : i32
        %dma_wait3A_81 = tpu.memref_slice %arg8[%run_scoped3A, %dma_wait3A_79, %dma_wait3A_80] : memref<2x128x128xf32, #tpu.memory_space<vmem>> -> memref<1x128x128xf32, #tpu.memory_space<vmem>>
        %dma_wait3A_82 = tpu.memref_squeeze %dma_wait3A_81 : memref<1x128x128xf32, #tpu.memory_space<vmem>> -> memref<128x128xf32, #tpu.memory_space<vmem>>
        tpu.wait_dma2 semaphore(%run_scoped3A_59 : memref<!tpu.dma_semaphore, #tpu.memory_space<semaphore_mem>>) src(%dma_wait3A_82 : memref<128x128xf32, #tpu.memory_space<vmem>>) dst(%dma_wait3A_78 : memref<128x128xf32, #tpu.memory_space<vmem_shared>>)
        tpu.yield
      }) : () -> ()
    }
    %scan3A_11 = arith.constant 5 : i32
    %barrier3A = arith.constant 0 : index
    tpu.barrier barrier_id(%barrier3A)
    "tpu.region"() ({
      %run_scoped3A = tpu.sem_alloc : memref<!tpu.dma_semaphore, #tpu.memory_space<semaphore_mem>>
      %dma_start3A_51 = arith.constant 0 : i32
      %dma_start3A_52 = arith.constant 0 : i32
      %dma_start3A_53 = tpu.memref_slice %arg3[%add3A, %dma_start3A_51, %dma_start3A_52] : memref<32x80x128xi32, #tpu.memory_space<hbm>> -> memref<1x80x128xi32, #tpu.memory_space<hbm>>
      %dma_start3A_54 = tpu.memref_squeeze %dma_start3A_53 : memref<1x80x128xi32, #tpu.memory_space<hbm>> -> memref<80x128xi32, #tpu.memory_space<hbm>>
      %dma_start3A_55 = arith.constant 0 : i32
      %dma_start3A_56 = arith.constant 0 : i32
      %dma_start3A_57 = tpu.memref_slice %dma_start3A_54[%dma_start3A_55, %dma_start3A_56] : memref<80x128xi32, #tpu.memory_space<hbm>> -> memref<40x128xi32, #tpu.memory_space<hbm>>
      %dma_start3A_58 = arith.constant 0 : i32
      %dma_start3A_59 = arith.constant 0 : i32
      %dma_start3A_60 = tpu.memref_slice %arg3[%add3A, %dma_start3A_58, %dma_start3A_59] : memref<32x80x128xi32, #tpu.memory_space<hbm>> -> memref<1x80x128xi32, #tpu.memory_space<hbm>>
      %dma_start3A_61 = tpu.memref_squeeze %dma_start3A_60 : memref<1x80x128xi32, #tpu.memory_space<hbm>> -> memref<80x128xi32, #tpu.memory_space<hbm>>
      %dma_start3A_62 = arith.constant 0 : i32
      %dma_start3A_63 = arith.constant 0 : i32
      %dma_start3A_64 = tpu.memref_slice %dma_start3A_61[%dma_start3A_62, %dma_start3A_63] : memref<80x128xi32, #tpu.memory_space<hbm>> -> memref<40x128xi32, #tpu.memory_space<hbm>>
      tpu.enqueue_dma source(%dma_start3A_64 : memref<40x128xi32, #tpu.memory_space<hbm>>) target(%arg6 : memref<40x128xi32, #tpu.memory_space<vmem>>) target_semaphore(%run_scoped3A : memref<!tpu.dma_semaphore, #tpu.memory_space<semaphore_mem>>)
      %dma_wait3A = arith.constant 0 : i32
      %dma_wait3A_65 = arith.constant 0 : i32
      %dma_wait3A_66 = tpu.memref_slice %arg3[%add3A, %dma_wait3A, %dma_wait3A_65] : memref<32x80x128xi32, #tpu.memory_space<hbm>> -> memref<1x80x128xi32, #tpu.memory_space<hbm>>
      %dma_wait3A_67 = tpu.memref_squeeze %dma_wait3A_66 : memref<1x80x128xi32, #tpu.memory_space<hbm>> -> memref<80x128xi32, #tpu.memory_space<hbm>>
      %dma_wait3A_68 = arith.constant 0 : i32
      %dma_wait3A_69 = arith.constant 0 : i32
      %dma_wait3A_70 = tpu.memref_slice %dma_wait3A_67[%dma_wait3A_68, %dma_wait3A_69] : memref<80x128xi32, #tpu.memory_space<hbm>> -> memref<40x128xi32, #tpu.memory_space<hbm>>
      %dma_wait3A_71 = arith.constant 0 : i32
      %dma_wait3A_72 = arith.constant 0 : i32
      %dma_wait3A_73 = tpu.memref_slice %arg3[%add3A, %dma_wait3A_71, %dma_wait3A_72] : memref<32x80x128xi32, #tpu.memory_space<hbm>> -> memref<1x80x128xi32, #tpu.memory_space<hbm>>
      %dma_wait3A_74 = tpu.memref_squeeze %dma_wait3A_73 : memref<1x80x128xi32, #tpu.memory_space<hbm>> -> memref<80x128xi32, #tpu.memory_space<hbm>>
      %dma_wait3A_75 = arith.constant 0 : i32
      %dma_wait3A_76 = arith.constant 0 : i32
      %dma_wait3A_77 = tpu.memref_slice %dma_wait3A_74[%dma_wait3A_75, %dma_wait3A_76] : memref<80x128xi32, #tpu.memory_space<hbm>> -> memref<40x128xi32, #tpu.memory_space<hbm>>
      tpu.wait_dma2 semaphore(%run_scoped3A : memref<!tpu.dma_semaphore, #tpu.memory_space<semaphore_mem>>) src(%dma_wait3A_77 : memref<40x128xi32, #tpu.memory_space<hbm>>) dst(%arg6 : memref<40x128xi32, #tpu.memory_space<vmem>>)
      tpu.yield
    }) : () -> ()
    "tpu.region"() ({
      %run_scoped3A = tpu.sem_alloc : memref<!tpu.dma_semaphore, #tpu.memory_space<semaphore_mem>>
      %dma_start3A_51 = arith.constant 0 : i32
      %dma_start3A_52 = arith.constant 0 : i32
      %dma_start3A_53 = tpu.memref_slice %arg4[%add3A, %dma_start3A_51, %dma_start3A_52] : memref<32x80x128xi32, #tpu.memory_space<hbm>> -> memref<1x80x128xi32, #tpu.memory_space<hbm>>
      %dma_start3A_54 = tpu.memref_squeeze %dma_start3A_53 : memref<1x80x128xi32, #tpu.memory_space<hbm>> -> memref<80x128xi32, #tpu.memory_space<hbm>>
      %dma_start3A_55 = arith.constant 0 : i32
      %dma_start3A_56 = arith.constant 0 : i32
      %dma_start3A_57 = tpu.memref_slice %dma_start3A_54[%dma_start3A_55, %dma_start3A_56] : memref<80x128xi32, #tpu.memory_space<hbm>> -> memref<40x128xi32, #tpu.memory_space<hbm>>
      %dma_start3A_58 = arith.constant 0 : i32
      %dma_start3A_59 = arith.constant 0 : i32
      %dma_start3A_60 = tpu.memref_slice %arg4[%add3A, %dma_start3A_58, %dma_start3A_59] : memref<32x80x128xi32, #tpu.memory_space<hbm>> -> memref<1x80x128xi32, #tpu.memory_space<hbm>>
      %dma_start3A_61 = tpu.memref_squeeze %dma_start3A_60 : memref<1x80x128xi32, #tpu.memory_space<hbm>> -> memref<80x128xi32, #tpu.memory_space<hbm>>
      %dma_start3A_62 = arith.constant 0 : i32
      %dma_start3A_63 = arith.constant 0 : i32
      %dma_start3A_64 = tpu.memref_slice %dma_start3A_61[%dma_start3A_62, %dma_start3A_63] : memref<80x128xi32, #tpu.memory_space<hbm>> -> memref<40x128xi32, #tpu.memory_space<hbm>>
      tpu.enqueue_dma source(%dma_start3A_64 : memref<40x128xi32, #tpu.memory_space<hbm>>) target(%arg7 : memref<40x128xi32, #tpu.memory_space<vmem>>) target_semaphore(%run_scoped3A : memref<!tpu.dma_semaphore, #tpu.memory_space<semaphore_mem>>)
      %dma_wait3A = arith.constant 0 : i32
      %dma_wait3A_65 = arith.constant 0 : i32
      %dma_wait3A_66 = tpu.memref_slice %arg4[%add3A, %dma_wait3A, %dma_wait3A_65] : memref<32x80x128xi32, #tpu.memory_space<hbm>> -> memref<1x80x128xi32, #tpu.memory_space<hbm>>
      %dma_wait3A_67 = tpu.memref_squeeze %dma_wait3A_66 : memref<1x80x128xi32, #tpu.memory_space<hbm>> -> memref<80x128xi32, #tpu.memory_space<hbm>>
      %dma_wait3A_68 = arith.constant 0 : i32
      %dma_wait3A_69 = arith.constant 0 : i32
      %dma_wait3A_70 = tpu.memref_slice %dma_wait3A_67[%dma_wait3A_68, %dma_wait3A_69] : memref<80x128xi32, #tpu.memory_space<hbm>> -> memref<40x128xi32, #tpu.memory_space<hbm>>
      %dma_wait3A_71 = arith.constant 0 : i32
      %dma_wait3A_72 = arith.constant 0 : i32
      %dma_wait3A_73 = tpu.memref_slice %arg4[%add3A, %dma_wait3A_71, %dma_wait3A_72] : memref<32x80x128xi32, #tpu.memory_space<hbm>> -> memref<1x80x128xi32, #tpu.memory_space<hbm>>
      %dma_wait3A_74 = tpu.memref_squeeze %dma_wait3A_73 : memref<1x80x128xi32, #tpu.memory_space<hbm>> -> memref<80x128xi32, #tpu.memory_space<hbm>>
      %dma_wait3A_75 = arith.constant 0 : i32
      %dma_wait3A_76 = arith.constant 0 : i32
      %dma_wait3A_77 = tpu.memref_slice %dma_wait3A_74[%dma_wait3A_75, %dma_wait3A_76] : memref<80x128xi32, #tpu.memory_space<hbm>> -> memref<40x128xi32, #tpu.memory_space<hbm>>
      tpu.wait_dma2 semaphore(%run_scoped3A : memref<!tpu.dma_semaphore, #tpu.memory_space<semaphore_mem>>) src(%dma_wait3A_77 : memref<40x128xi32, #tpu.memory_space<hbm>>) dst(%arg7 : memref<40x128xi32, #tpu.memory_space<vmem>>)
      tpu.yield
    }) : () -> ()
    %dma_start3A = arith.constant 0 : i32
    %dma_start3A_12 = arith.constant 0 : i32
    %dma_start3A_13 = arith.constant 0 : i32
    %dma_start3A_14 = arith.constant 0 : i32
    %dma_start3A_15 = tpu.memref_slice %arg8[%dma_start3A_12, %dma_start3A_13, %dma_start3A_14] : memref<2x128x128xf32, #tpu.memory_space<vmem>> -> memref<1x128x128xf32, #tpu.memory_space<vmem>>
    %dma_start3A_16 = tpu.memref_squeeze %dma_start3A_15 : memref<1x128x128xf32, #tpu.memory_space<vmem>> -> memref<128x128xf32, #tpu.memory_space<vmem>>
    %dma_start3A_17 = arith.constant 0 : i32
    %dma_start3A_18 = tpu.memref_slice %arg6[%dma_start3A, %dma_start3A_17] : memref<40x128xi32, #tpu.memory_space<vmem>> -> memref<1x128xi32, #tpu.memory_space<vmem>>
    %dma_start3A_19 = tpu.memref_squeeze %dma_start3A_18 : memref<1x128xi32, #tpu.memory_space<vmem>> -> memref<128xi32, #tpu.memory_space<vmem>>
    %dma_start3A_20 = arith.constant 0 : i32
    %dma_start3A_21 = arith.constant 0 : i32
    %dma_start3A_22 = tpu.memref_slice %arg2[%dma_start3A_20, %dma_start3A_21] : memref<10240x128xf32, #tpu.memory_space<hbm>> -> memref<10240x128xf32, #tpu.memory_space<hbm>>
    tpu.enqueue_indirect_dma source(%dma_start3A_22 : memref<10240x128xf32, #tpu.memory_space<hbm>>) target(%dma_start3A_16 : memref<128x128xf32, #tpu.memory_space<vmem>>) offsets(%dma_start3A_19 : memref<128xi32, #tpu.memory_space<vmem>>) semaphore(%arg10 : memref<!tpu.dma_semaphore, #tpu.memory_space<semaphore_mem>>)
    %scan3A_23 = arith.constant 0 : i32
    %scan3A_24 = arith.constant 20 : i32
    %scan3A_25 = arith.addi %scan3A_23, %scan3A_24 : i32
    %scan3A_26 = arith.constant 1 : i32
    scf.for %scan3A_51 = %scan3A_23 to %scan3A_25 step %scan3A_26  : i32 {
      %mul3A_52 = arith.constant 2 : i32
      %mul3A_53 = arith.muli %scan3A_51, %mul3A_52 : i32
      %add3A_54 = arith.constant 0 : i32
      %add3A_55 = arith.addi %add3A_54, %mul3A_53 : i32
      %dma_wait3A = arith.constant 0 : i32
      %dma_wait3A_56 = arith.constant 0 : i32
      %dma_wait3A_57 = arith.constant 0 : i32
      %dma_wait3A_58 = tpu.memref_slice %arg8[%dma_wait3A, %dma_wait3A_56, %dma_wait3A_57] : memref<2x128x128xf32, #tpu.memory_space<vmem>> -> memref<1x128x128xf32, #tpu.memory_space<vmem>>
      %dma_wait3A_59 = tpu.memref_squeeze %dma_wait3A_58 : memref<1x128x128xf32, #tpu.memory_space<vmem>> -> memref<128x128xf32, #tpu.memory_space<vmem>>
      %dma_wait3A_60 = arith.constant 0 : i32
      %dma_wait3A_61 = tpu.memref_slice %arg6[%add3A_55, %dma_wait3A_60] : memref<40x128xi32, #tpu.memory_space<vmem>> -> memref<1x128xi32, #tpu.memory_space<vmem>>
      %dma_wait3A_62 = tpu.memref_squeeze %dma_wait3A_61 : memref<1x128xi32, #tpu.memory_space<vmem>> -> memref<128xi32, #tpu.memory_space<vmem>>
      %dma_wait3A_63 = arith.constant 0 : i32
      %dma_wait3A_64 = arith.constant 0 : i32
      %dma_wait3A_65 = tpu.memref_slice %arg2[%dma_wait3A_63, %dma_wait3A_64] : memref<10240x128xf32, #tpu.memory_space<hbm>> -> memref<10240x128xf32, #tpu.memory_space<hbm>>
      tpu.wait_indirect_dma semaphore(%arg10 : memref<!tpu.dma_semaphore, #tpu.memory_space<semaphore_mem>>) src(%dma_wait3A_65 : memref<10240x128xf32, #tpu.memory_space<hbm>>) dst(%dma_wait3A_59 : memref<128x128xf32, #tpu.memory_space<vmem>>)
      %add3A_66 = arith.constant 1 : i32
      %add3A_67 = arith.addi %add3A_55, %add3A_66 : i32
      %dma_start3A_68 = arith.constant 1 : i32
      %dma_start3A_69 = arith.constant 0 : i32
      %dma_start3A_70 = arith.constant 0 : i32
      %dma_start3A_71 = tpu.memref_slice %arg8[%dma_start3A_68, %dma_start3A_69, %dma_start3A_70] : memref<2x128x128xf32, #tpu.memory_space<vmem>> -> memref<1x128x128xf32, #tpu.memory_space<vmem>>
      %dma_start3A_72 = tpu.memref_squeeze %dma_start3A_71 : memref<1x128x128xf32, #tpu.memory_space<vmem>> -> memref<128x128xf32, #tpu.memory_space<vmem>>
      %dma_start3A_73 = arith.constant 0 : i32
      %dma_start3A_74 = tpu.memref_slice %arg6[%add3A_67, %dma_start3A_73] : memref<40x128xi32, #tpu.memory_space<vmem>> -> memref<1x128xi32, #tpu.memory_space<vmem>>
      %dma_start3A_75 = tpu.memref_squeeze %dma_start3A_74 : memref<1x128xi32, #tpu.memory_space<vmem>> -> memref<128xi32, #tpu.memory_space<vmem>>
      %dma_start3A_76 = arith.constant 0 : i32
      %dma_start3A_77 = arith.constant 0 : i32
      %dma_start3A_78 = tpu.memref_slice %arg2[%dma_start3A_76, %dma_start3A_77] : memref<10240x128xf32, #tpu.memory_space<hbm>> -> memref<10240x128xf32, #tpu.memory_space<hbm>>
      tpu.enqueue_indirect_dma source(%dma_start3A_78 : memref<10240x128xf32, #tpu.memory_space<hbm>>) target(%dma_start3A_72 : memref<128x128xf32, #tpu.memory_space<vmem>>) offsets(%dma_start3A_75 : memref<128xi32, #tpu.memory_space<vmem>>) semaphore(%arg11 : memref<!tpu.dma_semaphore, #tpu.memory_space<semaphore_mem>>)
      %run_scoped3A = arith.constant 0 : i32
      "tpu.region"() ({
        %run_scoped3A_99 = tpu.sem_alloc : memref<!tpu.dma_semaphore, #tpu.memory_space<semaphore_mem>>
        %dma_start3A_100 = arith.constant 0 : i32
        %dma_start3A_101 = arith.constant 0 : i32
        %dma_start3A_102 = tpu.memref_slice %arg8[%run_scoped3A, %dma_start3A_100, %dma_start3A_101] : memref<2x128x128xf32, #tpu.memory_space<vmem>> -> memref<1x128x128xf32, #tpu.memory_space<vmem>>
        %dma_start3A_103 = tpu.memref_squeeze %dma_start3A_102 : memref<1x128x128xf32, #tpu.memory_space<vmem>> -> memref<128x128xf32, #tpu.memory_space<vmem>>
        %dma_start3A_104 = arith.constant 0 : i32
        %dma_start3A_105 = tpu.memref_slice %arg7[%add3A_55, %dma_start3A_104] : memref<40x128xi32, #tpu.memory_space<vmem>> -> memref<1x128xi32, #tpu.memory_space<vmem>>
        %dma_start3A_106 = tpu.memref_squeeze %dma_start3A_105 : memref<1x128xi32, #tpu.memory_space<vmem>> -> memref<128xi32, #tpu.memory_space<vmem>>
        %dma_start3A_107 = arith.constant 0 : i32
        %dma_start3A_108 = arith.constant 0 : i32
        %dma_start3A_109 = tpu.memref_slice %arg9[%dma_start3A_107, %dma_start3A_108] : memref<10240x128xf32, #tpu.memory_space<vmem_shared>> -> memref<10240x128xf32, #tpu.memory_space<vmem_shared>>
        tpu.enqueue_indirect_dma source(%dma_start3A_103 : memref<128x128xf32, #tpu.memory_space<vmem>>) target(%dma_start3A_109 : memref<10240x128xf32, #tpu.memory_space<vmem_shared>>) offsets(%dma_start3A_106 : memref<128xi32, #tpu.memory_space<vmem>>) semaphore(%run_scoped3A_99 : memref<!tpu.dma_semaphore, #tpu.memory_space<semaphore_mem>>) {add = true}
        %dma_wait3A_110 = arith.constant 0 : i32
        %dma_wait3A_111 = arith.constant 0 : i32
        %dma_wait3A_112 = tpu.memref_slice %arg8[%run_scoped3A, %dma_wait3A_110, %dma_wait3A_111] : memref<2x128x128xf32, #tpu.memory_space<vmem>> -> memref<1x128x128xf32, #tpu.memory_space<vmem>>
        %dma_wait3A_113 = tpu.memref_squeeze %dma_wait3A_112 : memref<1x128x128xf32, #tpu.memory_space<vmem>> -> memref<128x128xf32, #tpu.memory_space<vmem>>
        %dma_wait3A_114 = arith.constant 0 : i32
        %dma_wait3A_115 = tpu.memref_slice %arg7[%add3A_55, %dma_wait3A_114] : memref<40x128xi32, #tpu.memory_space<vmem>> -> memref<1x128xi32, #tpu.memory_space<vmem>>
        %dma_wait3A_116 = tpu.memref_squeeze %dma_wait3A_115 : memref<1x128xi32, #tpu.memory_space<vmem>> -> memref<128xi32, #tpu.memory_space<vmem>>
        %dma_wait3A_117 = arith.constant 0 : i32
        %dma_wait3A_118 = arith.constant 0 : i32
        %dma_wait3A_119 = tpu.memref_slice %arg9[%dma_wait3A_117, %dma_wait3A_118] : memref<10240x128xf32, #tpu.memory_space<vmem_shared>> -> memref<10240x128xf32, #tpu.memory_space<vmem_shared>>
        tpu.wait_indirect_dma semaphore(%run_scoped3A_99 : memref<!tpu.dma_semaphore, #tpu.memory_space<semaphore_mem>>) src(%dma_wait3A_113 : memref<128x128xf32, #tpu.memory_space<vmem>>) dst(%dma_wait3A_119 : memref<10240x128xf32, #tpu.memory_space<vmem_shared>>)
        tpu.yield
      }) : () -> ()
      %add3A_79 = arith.constant 1 : i32
      %add3A_80 = arith.addi %add3A_55, %add3A_79 : i32
      %dma_wait3A_81 = arith.constant 1 : i32
      %dma_wait3A_82 = arith.constant 0 : i32
      %dma_wait3A_83 = arith.constant 0 : i32
      %dma_wait3A_84 = tpu.memref_slice %arg8[%dma_wait3A_81, %dma_wait3A_82, %dma_wait3A_83] : memref<2x128x128xf32, #tpu.memory_space<vmem>> -> memref<1x128x128xf32, #tpu.memory_space<vmem>>
      %dma_wait3A_85 = tpu.memref_squeeze %dma_wait3A_84 : memref<1x128x128xf32, #tpu.memory_space<vmem>> -> memref<128x128xf32, #tpu.memory_space<vmem>>
      %dma_wait3A_86 = arith.constant 0 : i32
      %dma_wait3A_87 = tpu.memref_slice %arg6[%add3A_80, %dma_wait3A_86] : memref<40x128xi32, #tpu.memory_space<vmem>> -> memref<1x128xi32, #tpu.memory_space<vmem>>
      %dma_wait3A_88 = tpu.memref_squeeze %dma_wait3A_87 : memref<1x128xi32, #tpu.memory_space<vmem>> -> memref<128xi32, #tpu.memory_space<vmem>>
      %dma_wait3A_89 = arith.constant 0 : i32
      %dma_wait3A_90 = arith.constant 0 : i32
      %dma_wait3A_91 = tpu.memref_slice %arg2[%dma_wait3A_89, %dma_wait3A_90] : memref<10240x128xf32, #tpu.memory_space<hbm>> -> memref<10240x128xf32, #tpu.memory_space<hbm>>
      tpu.wait_indirect_dma semaphore(%arg11 : memref<!tpu.dma_semaphore, #tpu.memory_space<semaphore_mem>>) src(%dma_wait3A_91 : memref<10240x128xf32, #tpu.memory_space<hbm>>) dst(%dma_wait3A_85 : memref<128x128xf32, #tpu.memory_space<vmem>>)
      %add3A_92 = arith.constant 2 : i32
      %add3A_93 = arith.addi %add3A_55, %add3A_92 : i32
      %lt3A = arith.constant 40 : i32
      %lt3A_94 = arith.cmpi slt, %add3A_93, %lt3A : i32
      %convert_element_type3A = arith.extui %lt3A_94 : i1 to i32
      %cond3A = arith.constant 0 : i32
      %cond3A_95 = arith.cmpi ne, %convert_element_type3A, %cond3A : i32
      scf.if %cond3A_95 {
        %add3A_99 = arith.constant 2 : i32
        %add3A_100 = arith.addi %add3A_55, %add3A_99 : i32
        %dma_start3A_101 = arith.constant 0 : i32
        %dma_start3A_102 = arith.constant 0 : i32
        %dma_start3A_103 = arith.constant 0 : i32
        %dma_start3A_104 = tpu.memref_slice %arg8[%dma_start3A_101, %dma_start3A_102, %dma_start3A_103] : memref<2x128x128xf32, #tpu.memory_space<vmem>> -> memref<1x128x128xf32, #tpu.memory_space<vmem>>
        %dma_start3A_105 = tpu.memref_squeeze %dma_start3A_104 : memref<1x128x128xf32, #tpu.memory_space<vmem>> -> memref<128x128xf32, #tpu.memory_space<vmem>>
        %dma_start3A_106 = arith.constant 0 : i32
        %dma_start3A_107 = tpu.memref_slice %arg6[%add3A_100, %dma_start3A_106] : memref<40x128xi32, #tpu.memory_space<vmem>> -> memref<1x128xi32, #tpu.memory_space<vmem>>
        %dma_start3A_108 = tpu.memref_squeeze %dma_start3A_107 : memref<1x128xi32, #tpu.memory_space<vmem>> -> memref<128xi32, #tpu.memory_space<vmem>>
        %dma_start3A_109 = arith.constant 0 : i32
        %dma_start3A_110 = arith.constant 0 : i32
        %dma_start3A_111 = tpu.memref_slice %arg2[%dma_start3A_109, %dma_start3A_110] : memref<10240x128xf32, #tpu.memory_space<hbm>> -> memref<10240x128xf32, #tpu.memory_space<hbm>>
        tpu.enqueue_indirect_dma source(%dma_start3A_111 : memref<10240x128xf32, #tpu.memory_space<hbm>>) target(%dma_start3A_105 : memref<128x128xf32, #tpu.memory_space<vmem>>) offsets(%dma_start3A_108 : memref<128xi32, #tpu.memory_space<vmem>>) semaphore(%arg10 : memref<!tpu.dma_semaphore, #tpu.memory_space<semaphore_mem>>)
      } else {
      }
      %add3A_96 = arith.constant 1 : i32
      %add3A_97 = arith.addi %add3A_55, %add3A_96 : i32
      %run_scoped3A_98 = arith.constant 1 : i32
      "tpu.region"() ({
        %run_scoped3A_99 = tpu.sem_alloc : memref<!tpu.dma_semaphore, #tpu.memory_space<semaphore_mem>>
        %dma_start3A_100 = arith.constant 0 : i32
        %dma_start3A_101 = arith.constant 0 : i32
        %dma_start3A_102 = tpu.memref_slice %arg8[%run_scoped3A_98, %dma_start3A_100, %dma_start3A_101] : memref<2x128x128xf32, #tpu.memory_space<vmem>> -> memref<1x128x128xf32, #tpu.memory_space<vmem>>
        %dma_start3A_103 = tpu.memref_squeeze %dma_start3A_102 : memref<1x128x128xf32, #tpu.memory_space<vmem>> -> memref<128x128xf32, #tpu.memory_space<vmem>>
        %dma_start3A_104 = arith.constant 0 : i32
        %dma_start3A_105 = tpu.memref_slice %arg7[%add3A_97, %dma_start3A_104] : memref<40x128xi32, #tpu.memory_space<vmem>> -> memref<1x128xi32, #tpu.memory_space<vmem>>
        %dma_start3A_106 = tpu.memref_squeeze %dma_start3A_105 : memref<1x128xi32, #tpu.memory_space<vmem>> -> memref<128xi32, #tpu.memory_space<vmem>>
        %dma_start3A_107 = arith.constant 0 : i32
        %dma_start3A_108 = arith.constant 0 : i32
        %dma_start3A_109 = tpu.memref_slice %arg9[%dma_start3A_107, %dma_start3A_108] : memref<10240x128xf32, #tpu.memory_space<vmem_shared>> -> memref<10240x128xf32, #tpu.memory_space<vmem_shared>>
        tpu.enqueue_indirect_dma source(%dma_start3A_103 : memref<128x128xf32, #tpu.memory_space<vmem>>) target(%dma_start3A_109 : memref<10240x128xf32, #tpu.memory_space<vmem_shared>>) offsets(%dma_start3A_106 : memref<128xi32, #tpu.memory_space<vmem>>) semaphore(%run_scoped3A_99 : memref<!tpu.dma_semaphore, #tpu.memory_space<semaphore_mem>>) {add = true}
        %dma_wait3A_110 = arith.constant 0 : i32
        %dma_wait3A_111 = arith.constant 0 : i32
        %dma_wait3A_112 = tpu.memref_slice %arg8[%run_scoped3A_98, %dma_wait3A_110, %dma_wait3A_111] : memref<2x128x128xf32, #tpu.memory_space<vmem>> -> memref<1x128x128xf32, #tpu.memory_space<vmem>>
        %dma_wait3A_113 = tpu.memref_squeeze %dma_wait3A_112 : memref<1x128x128xf32, #tpu.memory_space<vmem>> -> memref<128x128xf32, #tpu.memory_space<vmem>>
        %dma_wait3A_114 = arith.constant 0 : i32
        %dma_wait3A_115 = tpu.memref_slice %arg7[%add3A_97, %dma_wait3A_114] : memref<40x128xi32, #tpu.memory_space<vmem>> -> memref<1x128xi32, #tpu.memory_space<vmem>>
        %dma_wait3A_116 = tpu.memref_squeeze %dma_wait3A_115 : memref<1x128xi32, #tpu.memory_space<vmem>> -> memref<128xi32, #tpu.memory_space<vmem>>
        %dma_wait3A_117 = arith.constant 0 : i32
        %dma_wait3A_118 = arith.constant 0 : i32
        %dma_wait3A_119 = tpu.memref_slice %arg9[%dma_wait3A_117, %dma_wait3A_118] : memref<10240x128xf32, #tpu.memory_space<vmem_shared>> -> memref<10240x128xf32, #tpu.memory_space<vmem_shared>>
        tpu.wait_indirect_dma semaphore(%run_scoped3A_99 : memref<!tpu.dma_semaphore, #tpu.memory_space<semaphore_mem>>) src(%dma_wait3A_113 : memref<128x128xf32, #tpu.memory_space<vmem>>) dst(%dma_wait3A_119 : memref<10240x128xf32, #tpu.memory_space<vmem_shared>>)
        tpu.yield
      }) : () -> ()
    }
    %scan3A_27 = arith.constant 20 : i32
    "tpu.region"() ({
      %run_scoped3A = tpu.sem_alloc : memref<!tpu.dma_semaphore, #tpu.memory_space<semaphore_mem>>
      %dma_start3A_51 = arith.constant 0 : i32
      %dma_start3A_52 = arith.constant 0 : i32
      %dma_start3A_53 = tpu.memref_slice %arg3[%add3A, %dma_start3A_51, %dma_start3A_52] : memref<32x80x128xi32, #tpu.memory_space<hbm>> -> memref<1x80x128xi32, #tpu.memory_space<hbm>>
      %dma_start3A_54 = tpu.memref_squeeze %dma_start3A_53 : memref<1x80x128xi32, #tpu.memory_space<hbm>> -> memref<80x128xi32, #tpu.memory_space<hbm>>
      %dma_start3A_55 = arith.constant 40 : i32
      %dma_start3A_56 = arith.constant 0 : i32
      %dma_start3A_57 = tpu.memref_slice %dma_start3A_54[%dma_start3A_55, %dma_start3A_56] : memref<80x128xi32, #tpu.memory_space<hbm>> -> memref<40x128xi32, #tpu.memory_space<hbm>>
      %dma_start3A_58 = arith.constant 0 : i32
      %dma_start3A_59 = arith.constant 0 : i32
      %dma_start3A_60 = tpu.memref_slice %arg3[%add3A, %dma_start3A_58, %dma_start3A_59] : memref<32x80x128xi32, #tpu.memory_space<hbm>> -> memref<1x80x128xi32, #tpu.memory_space<hbm>>
      %dma_start3A_61 = tpu.memref_squeeze %dma_start3A_60 : memref<1x80x128xi32, #tpu.memory_space<hbm>> -> memref<80x128xi32, #tpu.memory_space<hbm>>
      %dma_start3A_62 = arith.constant 40 : i32
      %dma_start3A_63 = arith.constant 0 : i32
      %dma_start3A_64 = tpu.memref_slice %dma_start3A_61[%dma_start3A_62, %dma_start3A_63] : memref<80x128xi32, #tpu.memory_space<hbm>> -> memref<40x128xi32, #tpu.memory_space<hbm>>
      tpu.enqueue_dma source(%dma_start3A_64 : memref<40x128xi32, #tpu.memory_space<hbm>>) target(%arg6 : memref<40x128xi32, #tpu.memory_space<vmem>>) target_semaphore(%run_scoped3A : memref<!tpu.dma_semaphore, #tpu.memory_space<semaphore_mem>>)
      %dma_wait3A = arith.constant 0 : i32
      %dma_wait3A_65 = arith.constant 0 : i32
      %dma_wait3A_66 = tpu.memref_slice %arg3[%add3A, %dma_wait3A, %dma_wait3A_65] : memref<32x80x128xi32, #tpu.memory_space<hbm>> -> memref<1x80x128xi32, #tpu.memory_space<hbm>>
      %dma_wait3A_67 = tpu.memref_squeeze %dma_wait3A_66 : memref<1x80x128xi32, #tpu.memory_space<hbm>> -> memref<80x128xi32, #tpu.memory_space<hbm>>
      %dma_wait3A_68 = arith.constant 40 : i32
      %dma_wait3A_69 = arith.constant 0 : i32
      %dma_wait3A_70 = tpu.memref_slice %dma_wait3A_67[%dma_wait3A_68, %dma_wait3A_69] : memref<80x128xi32, #tpu.memory_space<hbm>> -> memref<40x128xi32, #tpu.memory_space<hbm>>
      %dma_wait3A_71 = arith.constant 0 : i32
      %dma_wait3A_72 = arith.constant 0 : i32
      %dma_wait3A_73 = tpu.memref_slice %arg3[%add3A, %dma_wait3A_71, %dma_wait3A_72] : memref<32x80x128xi32, #tpu.memory_space<hbm>> -> memref<1x80x128xi32, #tpu.memory_space<hbm>>
      %dma_wait3A_74 = tpu.memref_squeeze %dma_wait3A_73 : memref<1x80x128xi32, #tpu.memory_space<hbm>> -> memref<80x128xi32, #tpu.memory_space<hbm>>
      %dma_wait3A_75 = arith.constant 40 : i32
      %dma_wait3A_76 = arith.constant 0 : i32
      %dma_wait3A_77 = tpu.memref_slice %dma_wait3A_74[%dma_wait3A_75, %dma_wait3A_76] : memref<80x128xi32, #tpu.memory_space<hbm>> -> memref<40x128xi32, #tpu.memory_space<hbm>>
      tpu.wait_dma2 semaphore(%run_scoped3A : memref<!tpu.dma_semaphore, #tpu.memory_space<semaphore_mem>>) src(%dma_wait3A_77 : memref<40x128xi32, #tpu.memory_space<hbm>>) dst(%arg6 : memref<40x128xi32, #tpu.memory_space<vmem>>)
      tpu.yield
    }) : () -> ()
    "tpu.region"() ({
      %run_scoped3A = tpu.sem_alloc : memref<!tpu.dma_semaphore, #tpu.memory_space<semaphore_mem>>
      %dma_start3A_51 = arith.constant 0 : i32
      %dma_start3A_52 = arith.constant 0 : i32
      %dma_start3A_53 = tpu.memref_slice %arg4[%add3A, %dma_start3A_51, %dma_start3A_52] : memref<32x80x128xi32, #tpu.memory_space<hbm>> -> memref<1x80x128xi32, #tpu.memory_space<hbm>>
      %dma_start3A_54 = tpu.memref_squeeze %dma_start3A_53 : memref<1x80x128xi32, #tpu.memory_space<hbm>> -> memref<80x128xi32, #tpu.memory_space<hbm>>
      %dma_start3A_55 = arith.constant 40 : i32
      %dma_start3A_56 = arith.constant 0 : i32
      %dma_start3A_57 = tpu.memref_slice %dma_start3A_54[%dma_start3A_55, %dma_start3A_56] : memref<80x128xi32, #tpu.memory_space<hbm>> -> memref<40x128xi32, #tpu.memory_space<hbm>>
      %dma_start3A_58 = arith.constant 0 : i32
      %dma_start3A_59 = arith.constant 0 : i32
      %dma_start3A_60 = tpu.memref_slice %arg4[%add3A, %dma_start3A_58, %dma_start3A_59] : memref<32x80x128xi32, #tpu.memory_space<hbm>> -> memref<1x80x128xi32, #tpu.memory_space<hbm>>
      %dma_start3A_61 = tpu.memref_squeeze %dma_start3A_60 : memref<1x80x128xi32, #tpu.memory_space<hbm>> -> memref<80x128xi32, #tpu.memory_space<hbm>>
      %dma_start3A_62 = arith.constant 40 : i32
      %dma_start3A_63 = arith.constant 0 : i32
      %dma_start3A_64 = tpu.memref_slice %dma_start3A_61[%dma_start3A_62, %dma_start3A_63] : memref<80x128xi32, #tpu.memory_space<hbm>> -> memref<40x128xi32, #tpu.memory_space<hbm>>
      tpu.enqueue_dma source(%dma_start3A_64 : memref<40x128xi32, #tpu.memory_space<hbm>>) target(%arg7 : memref<40x128xi32, #tpu.memory_space<vmem>>) target_semaphore(%run_scoped3A : memref<!tpu.dma_semaphore, #tpu.memory_space<semaphore_mem>>)
      %dma_wait3A = arith.constant 0 : i32
      %dma_wait3A_65 = arith.constant 0 : i32
      %dma_wait3A_66 = tpu.memref_slice %arg4[%add3A, %dma_wait3A, %dma_wait3A_65] : memref<32x80x128xi32, #tpu.memory_space<hbm>> -> memref<1x80x128xi32, #tpu.memory_space<hbm>>
      %dma_wait3A_67 = tpu.memref_squeeze %dma_wait3A_66 : memref<1x80x128xi32, #tpu.memory_space<hbm>> -> memref<80x128xi32, #tpu.memory_space<hbm>>
      %dma_wait3A_68 = arith.constant 40 : i32
      %dma_wait3A_69 = arith.constant 0 : i32
      %dma_wait3A_70 = tpu.memref_slice %dma_wait3A_67[%dma_wait3A_68, %dma_wait3A_69] : memref<80x128xi32, #tpu.memory_space<hbm>> -> memref<40x128xi32, #tpu.memory_space<hbm>>
      %dma_wait3A_71 = arith.constant 0 : i32
      %dma_wait3A_72 = arith.constant 0 : i32
      %dma_wait3A_73 = tpu.memref_slice %arg4[%add3A, %dma_wait3A_71, %dma_wait3A_72] : memref<32x80x128xi32, #tpu.memory_space<hbm>> -> memref<1x80x128xi32, #tpu.memory_space<hbm>>
      %dma_wait3A_74 = tpu.memref_squeeze %dma_wait3A_73 : memref<1x80x128xi32, #tpu.memory_space<hbm>> -> memref<80x128xi32, #tpu.memory_space<hbm>>
      %dma_wait3A_75 = arith.constant 40 : i32
      %dma_wait3A_76 = arith.constant 0 : i32
      %dma_wait3A_77 = tpu.memref_slice %dma_wait3A_74[%dma_wait3A_75, %dma_wait3A_76] : memref<80x128xi32, #tpu.memory_space<hbm>> -> memref<40x128xi32, #tpu.memory_space<hbm>>
      tpu.wait_dma2 semaphore(%run_scoped3A : memref<!tpu.dma_semaphore, #tpu.memory_space<semaphore_mem>>) src(%dma_wait3A_77 : memref<40x128xi32, #tpu.memory_space<hbm>>) dst(%arg7 : memref<40x128xi32, #tpu.memory_space<vmem>>)
      tpu.yield
    }) : () -> ()
    %dma_start3A_28 = arith.constant 0 : i32
    %dma_start3A_29 = arith.constant 0 : i32
    %dma_start3A_30 = arith.constant 0 : i32
    %dma_start3A_31 = arith.constant 0 : i32
    %dma_start3A_32 = tpu.memref_slice %arg8[%dma_start3A_29, %dma_start3A_30, %dma_start3A_31] : memref<2x128x128xf32, #tpu.memory_space<vmem>> -> memref<1x128x128xf32, #tpu.memory_space<vmem>>
    %dma_start3A_33 = tpu.memref_squeeze %dma_start3A_32 : memref<1x128x128xf32, #tpu.memory_space<vmem>> -> memref<128x128xf32, #tpu.memory_space<vmem>>
    %dma_start3A_34 = arith.constant 0 : i32
    %dma_start3A_35 = tpu.memref_slice %arg6[%dma_start3A_28, %dma_start3A_34] : memref<40x128xi32, #tpu.memory_space<vmem>> -> memref<1x128xi32, #tpu.memory_space<vmem>>
    %dma_start3A_36 = tpu.memref_squeeze %dma_start3A_35 : memref<1x128xi32, #tpu.memory_space<vmem>> -> memref<128xi32, #tpu.memory_space<vmem>>
    %dma_start3A_37 = arith.constant 0 : i32
    %dma_start3A_38 = arith.constant 0 : i32
    %dma_start3A_39 = tpu.memref_slice %arg2[%dma_start3A_37, %dma_start3A_38] : memref<10240x128xf32, #tpu.memory_space<hbm>> -> memref<10240x128xf32, #tpu.memory_space<hbm>>
    tpu.enqueue_indirect_dma source(%dma_start3A_39 : memref<10240x128xf32, #tpu.memory_space<hbm>>) target(%dma_start3A_33 : memref<128x128xf32, #tpu.memory_space<vmem>>) offsets(%dma_start3A_36 : memref<128xi32, #tpu.memory_space<vmem>>) semaphore(%arg10 : memref<!tpu.dma_semaphore, #tpu.memory_space<semaphore_mem>>)
    %scan3A_40 = arith.constant 0 : i32
    %scan3A_41 = arith.constant 20 : i32
    %scan3A_42 = arith.addi %scan3A_40, %scan3A_41 : i32
    %scan3A_43 = arith.constant 1 : i32
    scf.for %scan3A_51 = %scan3A_40 to %scan3A_42 step %scan3A_43  : i32 {
      %mul3A_52 = arith.constant 2 : i32
      %mul3A_53 = arith.muli %scan3A_51, %mul3A_52 : i32
      %add3A_54 = arith.constant 0 : i32
      %add3A_55 = arith.addi %add3A_54, %mul3A_53 : i32
      %dma_wait3A = arith.constant 0 : i32
      %dma_wait3A_56 = arith.constant 0 : i32
      %dma_wait3A_57 = arith.constant 0 : i32
      %dma_wait3A_58 = tpu.memref_slice %arg8[%dma_wait3A, %dma_wait3A_56, %dma_wait3A_57] : memref<2x128x128xf32, #tpu.memory_space<vmem>> -> memref<1x128x128xf32, #tpu.memory_space<vmem>>
      %dma_wait3A_59 = tpu.memref_squeeze %dma_wait3A_58 : memref<1x128x128xf32, #tpu.memory_space<vmem>> -> memref<128x128xf32, #tpu.memory_space<vmem>>
      %dma_wait3A_60 = arith.constant 0 : i32
      %dma_wait3A_61 = tpu.memref_slice %arg6[%add3A_55, %dma_wait3A_60] : memref<40x128xi32, #tpu.memory_space<vmem>> -> memref<1x128xi32, #tpu.memory_space<vmem>>
      %dma_wait3A_62 = tpu.memref_squeeze %dma_wait3A_61 : memref<1x128xi32, #tpu.memory_space<vmem>> -> memref<128xi32, #tpu.memory_space<vmem>>
      %dma_wait3A_63 = arith.constant 0 : i32
      %dma_wait3A_64 = arith.constant 0 : i32
      %dma_wait3A_65 = tpu.memref_slice %arg2[%dma_wait3A_63, %dma_wait3A_64] : memref<10240x128xf32, #tpu.memory_space<hbm>> -> memref<10240x128xf32, #tpu.memory_space<hbm>>
      tpu.wait_indirect_dma semaphore(%arg10 : memref<!tpu.dma_semaphore, #tpu.memory_space<semaphore_mem>>) src(%dma_wait3A_65 : memref<10240x128xf32, #tpu.memory_space<hbm>>) dst(%dma_wait3A_59 : memref<128x128xf32, #tpu.memory_space<vmem>>)
      %add3A_66 = arith.constant 1 : i32
      %add3A_67 = arith.addi %add3A_55, %add3A_66 : i32
      %dma_start3A_68 = arith.constant 1 : i32
      %dma_start3A_69 = arith.constant 0 : i32
      %dma_start3A_70 = arith.constant 0 : i32
      %dma_start3A_71 = tpu.memref_slice %arg8[%dma_start3A_68, %dma_start3A_69, %dma_start3A_70] : memref<2x128x128xf32, #tpu.memory_space<vmem>> -> memref<1x128x128xf32, #tpu.memory_space<vmem>>
      %dma_start3A_72 = tpu.memref_squeeze %dma_start3A_71 : memref<1x128x128xf32, #tpu.memory_space<vmem>> -> memref<128x128xf32, #tpu.memory_space<vmem>>
      %dma_start3A_73 = arith.constant 0 : i32
      %dma_start3A_74 = tpu.memref_slice %arg6[%add3A_67, %dma_start3A_73] : memref<40x128xi32, #tpu.memory_space<vmem>> -> memref<1x128xi32, #tpu.memory_space<vmem>>
      %dma_start3A_75 = tpu.memref_squeeze %dma_start3A_74 : memref<1x128xi32, #tpu.memory_space<vmem>> -> memref<128xi32, #tpu.memory_space<vmem>>
      %dma_start3A_76 = arith.constant 0 : i32
      %dma_start3A_77 = arith.constant 0 : i32
      %dma_start3A_78 = tpu.memref_slice %arg2[%dma_start3A_76, %dma_start3A_77] : memref<10240x128xf32, #tpu.memory_space<hbm>> -> memref<10240x128xf32, #tpu.memory_space<hbm>>
      tpu.enqueue_indirect_dma source(%dma_start3A_78 : memref<10240x128xf32, #tpu.memory_space<hbm>>) target(%dma_start3A_72 : memref<128x128xf32, #tpu.memory_space<vmem>>) offsets(%dma_start3A_75 : memref<128xi32, #tpu.memory_space<vmem>>) semaphore(%arg11 : memref<!tpu.dma_semaphore, #tpu.memory_space<semaphore_mem>>)
      %run_scoped3A = arith.constant 0 : i32
      "tpu.region"() ({
        %run_scoped3A_99 = tpu.sem_alloc : memref<!tpu.dma_semaphore, #tpu.memory_space<semaphore_mem>>
        %dma_start3A_100 = arith.constant 0 : i32
        %dma_start3A_101 = arith.constant 0 : i32
        %dma_start3A_102 = tpu.memref_slice %arg8[%run_scoped3A, %dma_start3A_100, %dma_start3A_101] : memref<2x128x128xf32, #tpu.memory_space<vmem>> -> memref<1x128x128xf32, #tpu.memory_space<vmem>>
        %dma_start3A_103 = tpu.memref_squeeze %dma_start3A_102 : memref<1x128x128xf32, #tpu.memory_space<vmem>> -> memref<128x128xf32, #tpu.memory_space<vmem>>
        %dma_start3A_104 = arith.constant 0 : i32
        %dma_start3A_105 = tpu.memref_slice %arg7[%add3A_55, %dma_start3A_104] : memref<40x128xi32, #tpu.memory_space<vmem>> -> memref<1x128xi32, #tpu.memory_space<vmem>>
        %dma_start3A_106 = tpu.memref_squeeze %dma_start3A_105 : memref<1x128xi32, #tpu.memory_space<vmem>> -> memref<128xi32, #tpu.memory_space<vmem>>
        %dma_start3A_107 = arith.constant 0 : i32
        %dma_start3A_108 = arith.constant 0 : i32
        %dma_start3A_109 = tpu.memref_slice %arg9[%dma_start3A_107, %dma_start3A_108] : memref<10240x128xf32, #tpu.memory_space<vmem_shared>> -> memref<10240x128xf32, #tpu.memory_space<vmem_shared>>
        tpu.enqueue_indirect_dma source(%dma_start3A_103 : memref<128x128xf32, #tpu.memory_space<vmem>>) target(%dma_start3A_109 : memref<10240x128xf32, #tpu.memory_space<vmem_shared>>) offsets(%dma_start3A_106 : memref<128xi32, #tpu.memory_space<vmem>>) semaphore(%run_scoped3A_99 : memref<!tpu.dma_semaphore, #tpu.memory_space<semaphore_mem>>) {add = true}
        %dma_wait3A_110 = arith.constant 0 : i32
        %dma_wait3A_111 = arith.constant 0 : i32
        %dma_wait3A_112 = tpu.memref_slice %arg8[%run_scoped3A, %dma_wait3A_110, %dma_wait3A_111] : memref<2x128x128xf32, #tpu.memory_space<vmem>> -> memref<1x128x128xf32, #tpu.memory_space<vmem>>
        %dma_wait3A_113 = tpu.memref_squeeze %dma_wait3A_112 : memref<1x128x128xf32, #tpu.memory_space<vmem>> -> memref<128x128xf32, #tpu.memory_space<vmem>>
        %dma_wait3A_114 = arith.constant 0 : i32
        %dma_wait3A_115 = tpu.memref_slice %arg7[%add3A_55, %dma_wait3A_114] : memref<40x128xi32, #tpu.memory_space<vmem>> -> memref<1x128xi32, #tpu.memory_space<vmem>>
        %dma_wait3A_116 = tpu.memref_squeeze %dma_wait3A_115 : memref<1x128xi32, #tpu.memory_space<vmem>> -> memref<128xi32, #tpu.memory_space<vmem>>
        %dma_wait3A_117 = arith.constant 0 : i32
        %dma_wait3A_118 = arith.constant 0 : i32
        %dma_wait3A_119 = tpu.memref_slice %arg9[%dma_wait3A_117, %dma_wait3A_118] : memref<10240x128xf32, #tpu.memory_space<vmem_shared>> -> memref<10240x128xf32, #tpu.memory_space<vmem_shared>>
        tpu.wait_indirect_dma semaphore(%run_scoped3A_99 : memref<!tpu.dma_semaphore, #tpu.memory_space<semaphore_mem>>) src(%dma_wait3A_113 : memref<128x128xf32, #tpu.memory_space<vmem>>) dst(%dma_wait3A_119 : memref<10240x128xf32, #tpu.memory_space<vmem_shared>>)
        tpu.yield
      }) : () -> ()
      %add3A_79 = arith.constant 1 : i32
      %add3A_80 = arith.addi %add3A_55, %add3A_79 : i32
      %dma_wait3A_81 = arith.constant 1 : i32
      %dma_wait3A_82 = arith.constant 0 : i32
      %dma_wait3A_83 = arith.constant 0 : i32
      %dma_wait3A_84 = tpu.memref_slice %arg8[%dma_wait3A_81, %dma_wait3A_82, %dma_wait3A_83] : memref<2x128x128xf32, #tpu.memory_space<vmem>> -> memref<1x128x128xf32, #tpu.memory_space<vmem>>
      %dma_wait3A_85 = tpu.memref_squeeze %dma_wait3A_84 : memref<1x128x128xf32, #tpu.memory_space<vmem>> -> memref<128x128xf32, #tpu.memory_space<vmem>>
      %dma_wait3A_86 = arith.constant 0 : i32
      %dma_wait3A_87 = tpu.memref_slice %arg6[%add3A_80, %dma_wait3A_86] : memref<40x128xi32, #tpu.memory_space<vmem>> -> memref<1x128xi32, #tpu.memory_space<vmem>>
      %dma_wait3A_88 = tpu.memref_squeeze %dma_wait3A_87 : memref<1x128xi32, #tpu.memory_space<vmem>> -> memref<128xi32, #tpu.memory_space<vmem>>
      %dma_wait3A_89 = arith.constant 0 : i32
      %dma_wait3A_90 = arith.constant 0 : i32
      %dma_wait3A_91 = tpu.memref_slice %arg2[%dma_wait3A_89, %dma_wait3A_90] : memref<10240x128xf32, #tpu.memory_space<hbm>> -> memref<10240x128xf32, #tpu.memory_space<hbm>>
      tpu.wait_indirect_dma semaphore(%arg11 : memref<!tpu.dma_semaphore, #tpu.memory_space<semaphore_mem>>) src(%dma_wait3A_91 : memref<10240x128xf32, #tpu.memory_space<hbm>>) dst(%dma_wait3A_85 : memref<128x128xf32, #tpu.memory_space<vmem>>)
      %add3A_92 = arith.constant 2 : i32
      %add3A_93 = arith.addi %add3A_55, %add3A_92 : i32
      %lt3A = arith.constant 40 : i32
      %lt3A_94 = arith.cmpi slt, %add3A_93, %lt3A : i32
      %convert_element_type3A = arith.extui %lt3A_94 : i1 to i32
      %cond3A = arith.constant 0 : i32
      %cond3A_95 = arith.cmpi ne, %convert_element_type3A, %cond3A : i32
      scf.if %cond3A_95 {
        %add3A_99 = arith.constant 2 : i32
        %add3A_100 = arith.addi %add3A_55, %add3A_99 : i32
        %dma_start3A_101 = arith.constant 0 : i32
        %dma_start3A_102 = arith.constant 0 : i32
        %dma_start3A_103 = arith.constant 0 : i32
        %dma_start3A_104 = tpu.memref_slice %arg8[%dma_start3A_101, %dma_start3A_102, %dma_start3A_103] : memref<2x128x128xf32, #tpu.memory_space<vmem>> -> memref<1x128x128xf32, #tpu.memory_space<vmem>>
        %dma_start3A_105 = tpu.memref_squeeze %dma_start3A_104 : memref<1x128x128xf32, #tpu.memory_space<vmem>> -> memref<128x128xf32, #tpu.memory_space<vmem>>
        %dma_start3A_106 = arith.constant 0 : i32
        %dma_start3A_107 = tpu.memref_slice %arg6[%add3A_100, %dma_start3A_106] : memref<40x128xi32, #tpu.memory_space<vmem>> -> memref<1x128xi32, #tpu.memory_space<vmem>>
        %dma_start3A_108 = tpu.memref_squeeze %dma_start3A_107 : memref<1x128xi32, #tpu.memory_space<vmem>> -> memref<128xi32, #tpu.memory_space<vmem>>
        %dma_start3A_109 = arith.constant 0 : i32
        %dma_start3A_110 = arith.constant 0 : i32
        %dma_start3A_111 = tpu.memref_slice %arg2[%dma_start3A_109, %dma_start3A_110] : memref<10240x128xf32, #tpu.memory_space<hbm>> -> memref<10240x128xf32, #tpu.memory_space<hbm>>
        tpu.enqueue_indirect_dma source(%dma_start3A_111 : memref<10240x128xf32, #tpu.memory_space<hbm>>) target(%dma_start3A_105 : memref<128x128xf32, #tpu.memory_space<vmem>>) offsets(%dma_start3A_108 : memref<128xi32, #tpu.memory_space<vmem>>) semaphore(%arg10 : memref<!tpu.dma_semaphore, #tpu.memory_space<semaphore_mem>>)
      } else {
      }
      %add3A_96 = arith.constant 1 : i32
      %add3A_97 = arith.addi %add3A_55, %add3A_96 : i32
      %run_scoped3A_98 = arith.constant 1 : i32
      "tpu.region"() ({
        %run_scoped3A_99 = tpu.sem_alloc : memref<!tpu.dma_semaphore, #tpu.memory_space<semaphore_mem>>
        %dma_start3A_100 = arith.constant 0 : i32
        %dma_start3A_101 = arith.constant 0 : i32
        %dma_start3A_102 = tpu.memref_slice %arg8[%run_scoped3A_98, %dma_start3A_100, %dma_start3A_101] : memref<2x128x128xf32, #tpu.memory_space<vmem>> -> memref<1x128x128xf32, #tpu.memory_space<vmem>>
        %dma_start3A_103 = tpu.memref_squeeze %dma_start3A_102 : memref<1x128x128xf32, #tpu.memory_space<vmem>> -> memref<128x128xf32, #tpu.memory_space<vmem>>
        %dma_start3A_104 = arith.constant 0 : i32
        %dma_start3A_105 = tpu.memref_slice %arg7[%add3A_97, %dma_start3A_104] : memref<40x128xi32, #tpu.memory_space<vmem>> -> memref<1x128xi32, #tpu.memory_space<vmem>>
        %dma_start3A_106 = tpu.memref_squeeze %dma_start3A_105 : memref<1x128xi32, #tpu.memory_space<vmem>> -> memref<128xi32, #tpu.memory_space<vmem>>
        %dma_start3A_107 = arith.constant 0 : i32
        %dma_start3A_108 = arith.constant 0 : i32
        %dma_start3A_109 = tpu.memref_slice %arg9[%dma_start3A_107, %dma_start3A_108] : memref<10240x128xf32, #tpu.memory_space<vmem_shared>> -> memref<10240x128xf32, #tpu.memory_space<vmem_shared>>
        tpu.enqueue_indirect_dma source(%dma_start3A_103 : memref<128x128xf32, #tpu.memory_space<vmem>>) target(%dma_start3A_109 : memref<10240x128xf32, #tpu.memory_space<vmem_shared>>) offsets(%dma_start3A_106 : memref<128xi32, #tpu.memory_space<vmem>>) semaphore(%run_scoped3A_99 : memref<!tpu.dma_semaphore, #tpu.memory_space<semaphore_mem>>) {add = true}
        %dma_wait3A_110 = arith.constant 0 : i32
        %dma_wait3A_111 = arith.constant 0 : i32
        %dma_wait3A_112 = tpu.memref_slice %arg8[%run_scoped3A_98, %dma_wait3A_110, %dma_wait3A_111] : memref<2x128x128xf32, #tpu.memory_space<vmem>> -> memref<1x128x128xf32, #tpu.memory_space<vmem>>
        %dma_wait3A_113 = tpu.memref_squeeze %dma_wait3A_112 : memref<1x128x128xf32, #tpu.memory_space<vmem>> -> memref<128x128xf32, #tpu.memory_space<vmem>>
        %dma_wait3A_114 = arith.constant 0 : i32
        %dma_wait3A_115 = tpu.memref_slice %arg7[%add3A_97, %dma_wait3A_114] : memref<40x128xi32, #tpu.memory_space<vmem>> -> memref<1x128xi32, #tpu.memory_space<vmem>>
        %dma_wait3A_116 = tpu.memref_squeeze %dma_wait3A_115 : memref<1x128xi32, #tpu.memory_space<vmem>> -> memref<128xi32, #tpu.memory_space<vmem>>
        %dma_wait3A_117 = arith.constant 0 : i32
        %dma_wait3A_118 = arith.constant 0 : i32
        %dma_wait3A_119 = tpu.memref_slice %arg9[%dma_wait3A_117, %dma_wait3A_118] : memref<10240x128xf32, #tpu.memory_space<vmem_shared>> -> memref<10240x128xf32, #tpu.memory_space<vmem_shared>>
        tpu.wait_indirect_dma semaphore(%run_scoped3A_99 : memref<!tpu.dma_semaphore, #tpu.memory_space<semaphore_mem>>) src(%dma_wait3A_113 : memref<128x128xf32, #tpu.memory_space<vmem>>) dst(%dma_wait3A_119 : memref<10240x128xf32, #tpu.memory_space<vmem_shared>>)
        tpu.yield
      }) : () -> ()
    }
    %scan3A_44 = arith.constant 20 : i32
    %barrier3A_45 = arith.constant 0 : index
    tpu.barrier barrier_id(%barrier3A_45)
    %scan3A_46 = arith.constant 0 : i32
    %scan3A_47 = arith.constant 5 : i32
    %scan3A_48 = arith.addi %scan3A_46, %scan3A_47 : i32
    %scan3A_49 = arith.constant 1 : i32
    scf.for %scan3A_51 = %scan3A_46 to %scan3A_48 step %scan3A_49  : i32 {
      %mul3A_52 = arith.constant 1 : i32
      %mul3A_53 = arith.muli %scan3A_51, %mul3A_52 : i32
      %add3A_54 = arith.constant 0 : i32
      %add3A_55 = arith.addi %add3A_54, %mul3A_53 : i32
      %mul3A_56 = arith.constant 128 : i32
      %mul3A_57 = arith.muli %add3A_55, %mul3A_56 : i32
      %add3A_58 = arith.addi %mul3A_6, %mul3A_57 : i32
      "tpu.region"() ({
        %run_scoped3A = tpu.sem_alloc : memref<!tpu.dma_semaphore, #tpu.memory_space<semaphore_mem>>
        %dma_start3A_59 = arith.constant 0 : i32
        %dma_start3A_60 = tpu.memref_slice %arg5[%arg0, %add3A_58, %dma_start3A_59] : memref<2x10240x128xf32, #tpu.memory_space<hbm>> -> memref<1x128x128xf32, #tpu.memory_space<hbm>>
        %dma_start3A_61 = tpu.memref_squeeze %dma_start3A_60 : memref<1x128x128xf32, #tpu.memory_space<hbm>> -> memref<128x128xf32, #tpu.memory_space<hbm>>
        %dma_start3A_62 = arith.constant 0 : i32
        %dma_start3A_63 = tpu.memref_slice %arg9[%add3A_58, %dma_start3A_62] : memref<10240x128xf32, #tpu.memory_space<vmem_shared>> -> memref<128x128xf32, #tpu.memory_space<vmem_shared>>
        tpu.enqueue_dma source(%dma_start3A_63 : memref<128x128xf32, #tpu.memory_space<vmem_shared>>) target(%dma_start3A_61 : memref<128x128xf32, #tpu.memory_space<hbm>>) target_semaphore(%run_scoped3A : memref<!tpu.dma_semaphore, #tpu.memory_space<semaphore_mem>>)
        %dma_wait3A = arith.constant 0 : i32
        %dma_wait3A_64 = tpu.memref_slice %arg5[%arg0, %add3A_58, %dma_wait3A] : memref<2x10240x128xf32, #tpu.memory_space<hbm>> -> memref<1x128x128xf32, #tpu.memory_space<hbm>>
        %dma_wait3A_65 = tpu.memref_squeeze %dma_wait3A_64 : memref<1x128x128xf32, #tpu.memory_space<hbm>> -> memref<128x128xf32, #tpu.memory_space<hbm>>
        %dma_wait3A_66 = arith.constant 0 : i32
        %dma_wait3A_67 = tpu.memref_slice %arg9[%add3A_58, %dma_wait3A_66] : memref<10240x128xf32, #tpu.memory_space<vmem_shared>> -> memref<128x128xf32, #tpu.memory_space<vmem_shared>>
        tpu.wait_dma2 semaphore(%run_scoped3A : memref<!tpu.dma_semaphore, #tpu.memory_space<semaphore_mem>>) src(%dma_wait3A_67 : memref<128x128xf32, #tpu.memory_space<vmem_shared>>) dst(%dma_wait3A_65 : memref<128x128xf32, #tpu.memory_space<hbm>>)
        tpu.yield
      }) : () -> ()
    }
    %scan3A_50 = arith.constant 5 : i32
    return
  }
}

module attributes {stable_mosaic.version = 14 : i64} {
  func.func @body(%arg0: i32, %arg1: memref<640x128xf32, #tpu.memory_space<vmem>>, %arg2: memref<128x128xf32, #tpu.memory_space<vmem>>, %arg3: memref<640x128xf32, #tpu.memory_space<vmem>>) attributes {dimension_semantics = [#tpu.dimension_semantics<arbitrary>], iteration_bounds = array<i64: 16>, scalar_prefetch = 0 : i64, scratch_operands = 0 : i64, tpu.core_type = #tpu.core_type<tc>, window_params = [{transform_indices = @transform_0, window_bounds = array<i64: 640, 128>}, {pipeline_mode = #tpu.pipeline_mode<synchronous>, transform_indices = @transform_1, window_bounds = array<i64: 128, 128>}, {transform_indices = @transform_2, window_bounds = array<i64: 640, 128>}]} {
    %get3A = arith.constant 0 : index
    %get3A_0 = arith.constant 0 : index
    %get3A_1 = vector.load %arg1[%get3A, %get3A_0] : memref<640x128xf32, #tpu.memory_space<vmem>>, vector<640x128xf32>
    %get3A_2 = arith.constant 0 : index
    %get3A_3 = arith.constant 0 : index
    %get3A_4 = vector.load %arg2[%get3A_2, %get3A_3] : memref<128x128xf32, #tpu.memory_space<vmem>>, vector<128x128xf32>
    %dot_general3A = arith.constant dense<0.000000e+00> : vector<640x128xf32>
    %dot_general3A_5 = tpu.matmul %get3A_1, %get3A_4, %dot_general3A {dimension_numbers = #tpu.dot_dimension_numbers<[1], [0], [0], [1], [0, 0, 1, 1], [], []>, transpose_lhs_hint = false} : vector<640x128xf32>, vector<128x128xf32>, vector<640x128xf32> -> vector<640x128xf32>
    %swap3A = arith.constant 0 : index
    %swap3A_6 = arith.constant 0 : index
    %swap3A_7 = vector.load %arg3[%swap3A, %swap3A_6] : memref<640x128xf32, #tpu.memory_space<vmem>>, vector<640x128xf32>
    tpu.vector_store %arg3[%swap3A, %swap3A_6], %dot_general3A_5 {strides = array<i32>} : memref<640x128xf32, #tpu.memory_space<vmem>>, vector<640x128xf32>,
    return
  }
  func.func @transform_0(%arg0: i32) -> (i32, i32) {
    %c0_i32 = arith.constant 0 : i32
    %c0_i32_0 = arith.constant 0 : i32
    return %arg0, %c0_i32 : i32, i32
  }
  func.func @transform_1(%arg0: i32) -> (i32, i32) {
    %c0_i32 = arith.constant 0 : i32
    %c0_i32_0 = arith.constant 0 : i32
    %c0_i32_1 = arith.constant 0 : i32
    return %c0_i32, %c0_i32_0 : i32, i32
  }
  func.func @transform_2(%arg0: i32) -> (i32, i32) {
    %c0_i32 = arith.constant 0 : i32
    %c0_i32_0 = arith.constant 0 : i32
    return %arg0, %c0_i32 : i32, i32
  }
}

module attributes {stable_mosaic.version = 14 : i64} {
  func.func @body(%arg0: i32, %arg1: memref<1x640x128xf32, #tpu.memory_space<vmem>>, %arg2: memref<1x640x128xf32, #tpu.memory_space<vmem>>, %arg3: memref<640x128xf32, #tpu.memory_space<vmem>>, %arg4: memref<640x1xf32, #tpu.memory_space<vmem>>, %arg5: memref<1x128xf32, #tpu.memory_space<vmem>>, %arg6: memref<128x128xf32, #tpu.memory_space<vmem>>, %arg7: memref<640x128xf32, #tpu.memory_space<vmem>>) attributes {dimension_semantics = [#tpu.dimension_semantics<arbitrary>], iteration_bounds = array<i64: 16>, scalar_prefetch = 0 : i64, scratch_operands = 0 : i64, tpu.core_type = #tpu.core_type<tc>, window_params = [{transform_indices = @transform_0, window_bounds = array<i64: 1, 640, 128>}, {transform_indices = @transform_1, window_bounds = array<i64: 1, 640, 128>}, {transform_indices = @transform_2, window_bounds = array<i64: 640, 128>}, {transform_indices = @transform_3, window_bounds = array<i64: 640, 1>}, {pipeline_mode = #tpu.pipeline_mode<synchronous>, transform_indices = @transform_4, window_bounds = array<i64: 1, 128>}, {pipeline_mode = #tpu.pipeline_mode<synchronous>, transform_indices = @transform_5, window_bounds = array<i64: 128, 128>}, {transform_indices = @transform_6, window_bounds = array<i64: 640, 128>}]} {
    %get3A = arith.constant 0 : index
    %get3A_0 = arith.constant 0 : index
    %get3A_1 = vector.load %arg4[%get3A, %get3A_0] : memref<640x1xf32, #tpu.memory_space<vmem>>, vector<640x1xf32>
    %get3A_2 = arith.constant 0 : index
    %get3A_3 = arith.constant 0 : index
    %get3A_4 = arith.constant 0 : index
    %get3A_5 = vector.load %arg1[%get3A_2, %get3A_3, %get3A_4] : memref<1x640x128xf32, #tpu.memory_space<vmem>>, vector<1x640x128xf32>
    %get3A_6 = vector.shape_cast %get3A_5 : vector<1x640x128xf32> to vector<640x128xf32>
    %get3A_7 = arith.constant 0 : index
    %get3A_8 = arith.constant 0 : index
    %get3A_9 = arith.constant 0 : index
    %get3A_10 = vector.load %arg2[%get3A_7, %get3A_8, %get3A_9] : memref<1x640x128xf32, #tpu.memory_space<vmem>>, vector<1x640x128xf32>
    %get3A_11 = vector.shape_cast %get3A_10 : vector<1x640x128xf32> to vector<640x128xf32>
    %add3A = arith.addf %get3A_6, %get3A_11 : vector<640x128xf32>
    %get3A_12 = arith.constant 0 : index
    %get3A_13 = arith.constant 0 : index
    %get3A_14 = vector.load %arg3[%get3A_12, %get3A_13] : memref<640x128xf32, #tpu.memory_space<vmem>>, vector<640x128xf32>
    %add3A_15 = arith.addf %add3A, %get3A_14 : vector<640x128xf32>
    %mul3A = vector.broadcast %get3A_1 : vector<640x1xf32> to vector<640x128xf32>
    %mul3A_16 = arith.mulf %mul3A, %add3A_15 : vector<640x128xf32>
    %get3A_17 = arith.constant 0 : index
    %get3A_18 = arith.constant 0 : index
    %get3A_19 = vector.load %arg5[%get3A_17, %get3A_18] : memref<1x128xf32, #tpu.memory_space<vmem>>, vector<1x128xf32>
    %add3A_20 = vector.broadcast %get3A_19 : vector<1x128xf32> to vector<640x128xf32>
    %add3A_21 = arith.addf %mul3A_16, %add3A_20 : vector<640x128xf32>
    %gt3A = arith.constant 0.000000e+00 : f32
    %gt3A_22 = vector.broadcast %gt3A : f32 to vector<640x128xf32>
    %gt3A_23 = arith.cmpf ogt, %add3A_21, %gt3A_22 : vector<640x128xf32>
    %mul3A_24 = arith.constant 0.00999999977 : f32
    %mul3A_25 = vector.broadcast %mul3A_24 : f32 to vector<640x128xf32>
    %mul3A_26 = arith.mulf %mul3A_25, %add3A_21 : vector<640x128xf32>
    %select_n3A = arith.select %gt3A_23, %add3A_21, %mul3A_26 : vector<640x128xi1>, vector<640x128xf32>
    %get3A_27 = arith.constant 0 : index
    %get3A_28 = arith.constant 0 : index
    %get3A_29 = vector.load %arg6[%get3A_27, %get3A_28] : memref<128x128xf32, #tpu.memory_space<vmem>>, vector<128x128xf32>
    %dot_general3A = arith.constant dense<0.000000e+00> : vector<640x128xf32>
    %dot_general3A_30 = tpu.matmul %select_n3A, %get3A_29, %dot_general3A {dimension_numbers = #tpu.dot_dimension_numbers<[1], [0], [0], [1], [0, 0, 1, 1], [], []>, transpose_lhs_hint = false} : vector<640x128xf32>, vector<128x128xf32>, vector<640x128xf32> -> vector<640x128xf32>
    %mul3A_31 = vector.broadcast %get3A_1 : vector<640x1xf32> to vector<640x128xf32>
    %mul3A_32 = arith.mulf %dot_general3A_30, %mul3A_31 : vector<640x128xf32>
    %swap3A = arith.constant 0 : index
    %swap3A_33 = arith.constant 0 : index
    %swap3A_34 = vector.load %arg7[%swap3A, %swap3A_33] : memref<640x128xf32, #tpu.memory_space<vmem>>, vector<640x128xf32>
    tpu.vector_store %arg7[%swap3A, %swap3A_33], %mul3A_32 {strides = array<i32>} : memref<640x128xf32, #tpu.memory_space<vmem>>, vector<640x128xf32>,
    return
  }
  func.func @transform_0(%arg0: i32) -> (i32, i32, i32) {
    %c0_i32 = arith.constant 0 : i32
    %c0_i32_0 = arith.constant 0 : i32
    %c0_i32_1 = arith.constant 0 : i32
    return %c0_i32, %arg0, %c0_i32_0 : i32, i32, i32
  }
  func.func @transform_1(%arg0: i32) -> (i32, i32, i32) {
    %c1_i32 = arith.constant 1 : i32
    %c0_i32 = arith.constant 0 : i32
    %c0_i32_0 = arith.constant 0 : i32
    return %c1_i32, %arg0, %c0_i32 : i32, i32, i32
  }
  func.func @transform_2(%arg0: i32) -> (i32, i32) {
    %c0_i32 = arith.constant 0 : i32
    %c0_i32_0 = arith.constant 0 : i32
    return %arg0, %c0_i32 : i32, i32
  }
  func.func @transform_3(%arg0: i32) -> (i32, i32) {
    %c0_i32 = arith.constant 0 : i32
    %c0_i32_0 = arith.constant 0 : i32
    return %arg0, %c0_i32 : i32, i32
  }
  func.func @transform_4(%arg0: i32) -> (i32, i32) {
    %c0_i32 = arith.constant 0 : i32
    %c0_i32_0 = arith.constant 0 : i32
    %c0_i32_1 = arith.constant 0 : i32
    return %c0_i32, %c0_i32_0 : i32, i32
  }
  func.func @transform_5(%arg0: i32) -> (i32, i32) {
    %c0_i32 = arith.constant 0 : i32
    %c0_i32_0 = arith.constant 0 : i32
    %c0_i32_1 = arith.constant 0 : i32
    return %c0_i32, %c0_i32_0 : i32, i32
  }
  func.func @transform_6(%arg0: i32) -> (i32, i32) {
    %c0_i32 = arith.constant 0 : i32
    %c0_i32_0 = arith.constant 0 : i32
    return %arg0, %c0_i32 : i32, i32
  }
}

module attributes {stable_mosaic.version = 14 : i64} {
  func.func @body(%arg0: i32, %arg1: memref<1x640x128xf32, #tpu.memory_space<vmem>>, %arg2: memref<1x640x128xf32, #tpu.memory_space<vmem>>, %arg3: memref<640x128xf32, #tpu.memory_space<vmem>>, %arg4: memref<640x1xf32, #tpu.memory_space<vmem>>, %arg5: memref<1x128xf32, #tpu.memory_space<vmem>>, %arg6: memref<128x128xf32, #tpu.memory_space<vmem>>, %arg7: memref<1x128xf32, #tpu.memory_space<vmem>>, %arg8: memref<640x128xf32, #tpu.memory_space<vmem>>) attributes {dimension_semantics = [#tpu.dimension_semantics<arbitrary>], iteration_bounds = array<i64: 16>, scalar_prefetch = 0 : i64, scratch_operands = 0 : i64, tpu.core_type = #tpu.core_type<tc>, window_params = [{transform_indices = @transform_0, window_bounds = array<i64: 1, 640, 128>}, {transform_indices = @transform_1, window_bounds = array<i64: 1, 640, 128>}, {transform_indices = @transform_2, window_bounds = array<i64: 640, 128>}, {transform_indices = @transform_3, window_bounds = array<i64: 640, 1>}, {pipeline_mode = #tpu.pipeline_mode<synchronous>, transform_indices = @transform_4, window_bounds = array<i64: 1, 128>}, {pipeline_mode = #tpu.pipeline_mode<synchronous>, transform_indices = @transform_5, window_bounds = array<i64: 128, 128>}, {pipeline_mode = #tpu.pipeline_mode<synchronous>, transform_indices = @transform_6, window_bounds = array<i64: 1, 128>}, {transform_indices = @transform_7, window_bounds = array<i64: 640, 128>}]} {
    %get3A = arith.constant 0 : index
    %get3A_0 = arith.constant 0 : index
    %get3A_1 = vector.load %arg4[%get3A, %get3A_0] : memref<640x1xf32, #tpu.memory_space<vmem>>, vector<640x1xf32>
    %get3A_2 = arith.constant 0 : index
    %get3A_3 = arith.constant 0 : index
    %get3A_4 = arith.constant 0 : index
    %get3A_5 = vector.load %arg1[%get3A_2, %get3A_3, %get3A_4] : memref<1x640x128xf32, #tpu.memory_space<vmem>>, vector<1x640x128xf32>
    %get3A_6 = vector.shape_cast %get3A_5 : vector<1x640x128xf32> to vector<640x128xf32>
    %get3A_7 = arith.constant 0 : index
    %get3A_8 = arith.constant 0 : index
    %get3A_9 = arith.constant 0 : index
    %get3A_10 = vector.load %arg2[%get3A_7, %get3A_8, %get3A_9] : memref<1x640x128xf32, #tpu.memory_space<vmem>>, vector<1x640x128xf32>
    %get3A_11 = vector.shape_cast %get3A_10 : vector<1x640x128xf32> to vector<640x128xf32>
    %add3A = arith.addf %get3A_6, %get3A_11 : vector<640x128xf32>
    %get3A_12 = arith.constant 0 : index
    %get3A_13 = arith.constant 0 : index
    %get3A_14 = vector.load %arg3[%get3A_12, %get3A_13] : memref<640x128xf32, #tpu.memory_space<vmem>>, vector<640x128xf32>
    %add3A_15 = arith.addf %add3A, %get3A_14 : vector<640x128xf32>
    %mul3A = vector.broadcast %get3A_1 : vector<640x1xf32> to vector<640x128xf32>
    %mul3A_16 = arith.mulf %mul3A, %add3A_15 : vector<640x128xf32>
    %get3A_17 = arith.constant 0 : index
    %get3A_18 = arith.constant 0 : index
    %get3A_19 = vector.load %arg5[%get3A_17, %get3A_18] : memref<1x128xf32, #tpu.memory_space<vmem>>, vector<1x128xf32>
    %add3A_20 = vector.broadcast %get3A_19 : vector<1x128xf32> to vector<640x128xf32>
    %add3A_21 = arith.addf %mul3A_16, %add3A_20 : vector<640x128xf32>
    %gt3A = arith.constant 0.000000e+00 : f32
    %gt3A_22 = vector.broadcast %gt3A : f32 to vector<640x128xf32>
    %gt3A_23 = arith.cmpf ogt, %add3A_21, %gt3A_22 : vector<640x128xf32>
    %mul3A_24 = arith.constant 0.00999999977 : f32
    %mul3A_25 = vector.broadcast %mul3A_24 : f32 to vector<640x128xf32>
    %mul3A_26 = arith.mulf %mul3A_25, %add3A_21 : vector<640x128xf32>
    %select_n3A = arith.select %gt3A_23, %add3A_21, %mul3A_26 : vector<640x128xi1>, vector<640x128xf32>
    %get3A_27 = arith.constant 0 : index
    %get3A_28 = arith.constant 0 : index
    %get3A_29 = vector.load %arg6[%get3A_27, %get3A_28] : memref<128x128xf32, #tpu.memory_space<vmem>>, vector<128x128xf32>
    %dot_general3A = arith.constant dense<0.000000e+00> : vector<640x128xf32>
    %dot_general3A_30 = tpu.matmul %select_n3A, %get3A_29, %dot_general3A {dimension_numbers = #tpu.dot_dimension_numbers<[1], [0], [0], [1], [0, 0, 1, 1], [], []>, transpose_lhs_hint = false} : vector<640x128xf32>, vector<128x128xf32>, vector<640x128xf32> -> vector<640x128xf32>
    %get3A_31 = arith.constant 0 : index
    %get3A_32 = arith.constant 0 : index
    %get3A_33 = vector.load %arg7[%get3A_31, %get3A_32] : memref<1x128xf32, #tpu.memory_space<vmem>>, vector<1x128xf32>
    %add3A_34 = vector.broadcast %get3A_33 : vector<1x128xf32> to vector<640x128xf32>
    %add3A_35 = arith.addf %dot_general3A_30, %add3A_34 : vector<640x128xf32>
    %swap3A = arith.constant 0 : index
    %swap3A_36 = arith.constant 0 : index
    %swap3A_37 = vector.load %arg8[%swap3A, %swap3A_36] : memref<640x128xf32, #tpu.memory_space<vmem>>, vector<640x128xf32>
    tpu.vector_store %arg8[%swap3A, %swap3A_36], %add3A_35 {strides = array<i32>} : memref<640x128xf32, #tpu.memory_space<vmem>>, vector<640x128xf32>,
    return
  }
  func.func @transform_0(%arg0: i32) -> (i32, i32, i32) {
    %c0_i32 = arith.constant 0 : i32
    %c0_i32_0 = arith.constant 0 : i32
    %c0_i32_1 = arith.constant 0 : i32
    return %c0_i32, %arg0, %c0_i32_0 : i32, i32, i32
  }
  func.func @transform_1(%arg0: i32) -> (i32, i32, i32) {
    %c1_i32 = arith.constant 1 : i32
    %c0_i32 = arith.constant 0 : i32
    %c0_i32_0 = arith.constant 0 : i32
    return %c1_i32, %arg0, %c0_i32 : i32, i32, i32
  }
  func.func @transform_2(%arg0: i32) -> (i32, i32) {
    %c0_i32 = arith.constant 0 : i32
    %c0_i32_0 = arith.constant 0 : i32
    return %arg0, %c0_i32 : i32, i32
  }
  func.func @transform_3(%arg0: i32) -> (i32, i32) {
    %c0_i32 = arith.constant 0 : i32
    %c0_i32_0 = arith.constant 0 : i32
    return %arg0, %c0_i32 : i32, i32
  }
  func.func @transform_4(%arg0: i32) -> (i32, i32) {
    %c0_i32 = arith.constant 0 : i32
    %c0_i32_0 = arith.constant 0 : i32
    %c0_i32_1 = arith.constant 0 : i32
    return %c0_i32, %c0_i32_0 : i32, i32
  }
  func.func @transform_5(%arg0: i32) -> (i32, i32) {
    %c0_i32 = arith.constant 0 : i32
    %c0_i32_0 = arith.constant 0 : i32
    %c0_i32_1 = arith.constant 0 : i32
    return %c0_i32, %c0_i32_0 : i32, i32
  }
  func.func @transform_6(%arg0: i32) -> (i32, i32) {
    %c0_i32 = arith.constant 0 : i32
    %c0_i32_0 = arith.constant 0 : i32
    %c0_i32_1 = arith.constant 0 : i32
    return %c0_i32, %c0_i32_0 : i32, i32
  }
  func.func @transform_7(%arg0: i32) -> (i32, i32) {
    %c0_i32 = arith.constant 0 : i32
    %c0_i32_0 = arith.constant 0 : i32
    return %arg0, %c0_i32 : i32, i32
  }
}

module attributes {stable_mosaic.version = 14 : i64} {
  func.func @body(%arg0: i32, %arg1: memref<640x128xf32, #tpu.memory_space<vmem>>, %arg2: memref<640x1xf32, #tpu.memory_space<vmem>>, %arg3: memref<640x1xf32, #tpu.memory_space<vmem>>, %arg4: memref<640x128xf32, #tpu.memory_space<vmem>>, %arg5: memref<640x1xf32, #tpu.memory_space<vmem>>) attributes {dimension_semantics = [#tpu.dimension_semantics<arbitrary>], iteration_bounds = array<i64: 16>, scalar_prefetch = 0 : i64, scratch_operands = 0 : i64, tpu.core_type = #tpu.core_type<tc>, window_params = [{transform_indices = @transform_0, window_bounds = array<i64: 640, 128>}, {transform_indices = @transform_1, window_bounds = array<i64: 640, 1>}, {transform_indices = @transform_2, window_bounds = array<i64: 640, 1>}, {transform_indices = @transform_3, window_bounds = array<i64: 640, 128>}, {transform_indices = @transform_4, window_bounds = array<i64: 640, 1>}]} {
    %get3A = arith.constant 0 : index
    %get3A_0 = arith.constant 0 : index
    %get3A_1 = vector.load %arg2[%get3A, %get3A_0] : memref<640x1xf32, #tpu.memory_space<vmem>>, vector<640x1xf32>
    %get3A_2 = arith.constant 0 : index
    %get3A_3 = arith.constant 0 : index
    %get3A_4 = vector.load %arg3[%get3A_2, %get3A_3] : memref<640x1xf32, #tpu.memory_space<vmem>>, vector<640x1xf32>
    %add3A = arith.addf %get3A_1, %get3A_4 : vector<640x1xf32>
    %add3A_5 = arith.constant 1.000000e+00 : f32
    %add3A_6 = vector.broadcast %add3A_5 : f32 to vector<640x1xf32>
    %add3A_7 = arith.addf %add3A, %add3A_6 : vector<640x1xf32>
    %rsqrt3A = math.rsqrt %add3A_7 : vector<640x1xf32>
    %get3A_8 = arith.constant 0 : index
    %get3A_9 = arith.constant 0 : index
    %get3A_10 = vector.load %arg1[%get3A_8, %get3A_9] : memref<640x128xf32, #tpu.memory_space<vmem>>, vector<640x128xf32>
    %mul3A = vector.broadcast %rsqrt3A : vector<640x1xf32> to vector<640x128xf32>
    %mul3A_11 = arith.mulf %get3A_10, %mul3A : vector<640x128xf32>
    %swap3A = arith.constant 0 : index
    %swap3A_12 = arith.constant 0 : index
    %swap3A_13 = vector.load %arg4[%swap3A, %swap3A_12] : memref<640x128xf32, #tpu.memory_space<vmem>>, vector<640x128xf32>
    tpu.vector_store %arg4[%swap3A, %swap3A_12], %mul3A_11 {strides = array<i32>} : memref<640x128xf32, #tpu.memory_space<vmem>>, vector<640x128xf32>,
    %swap3A_14 = arith.constant 0 : index
    %swap3A_15 = arith.constant 0 : index
    %swap3A_16 = vector.load %arg5[%swap3A_14, %swap3A_15] : memref<640x1xf32, #tpu.memory_space<vmem>>, vector<640x1xf32>
    tpu.vector_store %arg5[%swap3A_14, %swap3A_15], %rsqrt3A {strides = array<i32>} : memref<640x1xf32, #tpu.memory_space<vmem>>, vector<640x1xf32>,
    return
  }
  func.func @transform_0(%arg0: i32) -> (i32, i32) {
    %c0_i32 = arith.constant 0 : i32
    %c0_i32_0 = arith.constant 0 : i32
    return %arg0, %c0_i32 : i32, i32
  }
  func.func @transform_1(%arg0: i32) -> (i32, i32) {
    %c0_i32 = arith.constant 0 : i32
    %c0_i32_0 = arith.constant 0 : i32
    return %arg0, %c0_i32 : i32, i32
  }
  func.func @transform_2(%arg0: i32) -> (i32, i32) {
    %c0_i32 = arith.constant 0 : i32
    %c0_i32_0 = arith.constant 0 : i32
    return %arg0, %c0_i32 : i32, i32
  }
  func.func @transform_3(%arg0: i32) -> (i32, i32) {
    %c0_i32 = arith.constant 0 : i32
    %c0_i32_0 = arith.constant 0 : i32
    return %arg0, %c0_i32 : i32, i32
  }
  func.func @transform_4(%arg0: i32) -> (i32, i32) {
    %c0_i32 = arith.constant 0 : i32
    %c0_i32_0 = arith.constant 0 : i32
    return %arg0, %c0_i32 : i32, i32
  }
}

</mosaic_0001>

<sc_bundles>
// kernel: kernel.12.cloned.1.call-start
scs
__scs_entry_jumppad:
0x0: {  	(pc) =	sbr.rel $0x88, $3  }
0x1: {  	(tag) =	ssettag $0x0;
	lr =	simm.s32 $0x1  }
0x2: {  	[smem:$0x3F99] =	sst lr;
	_ =	strace $0xD0000000  }
0x3: {  	_ = 	snop  }
0x4: {  	_ = 	snop  }
0x5: {  	_ = 	snop  }
0x6: {  	_ = 	snop  }
0x7: {  	_ = 	snop  }
__scs_overlays_trampoline_lowered:
0x8: {  	[smem:$0x3FA8] =	sst s0  }
0x9: {  	[smem:$0x3FA9] =	sst s1  }
0xa: {  	[smem:$0x3FAA] =	sst s2  }
0xb: {  	[smem:$0x3FAB] =	sst s3  }
0xc: {  	[smem:$0x3FAC] =	sst s4  }
0xd: {  	[smem:$0x3FAD] =	sst s5  }
0xe: {  	[smem:$0x3FAE] =	sst s6  }
0xf: {  	[smem:$0x3FAF] =	sst s7  }
0x10: {  	[smem:$0x3FB0] =	sst s8  }
0x11: {  	[smem:$0x3FB1] =	sst s9;
	s0 =	simm.s32 @!p0 $0x0  }
0x12: {  	s1 =	sld [smem:$0x3F97];
	s0 =	simm.s32 @p0 $0x1  }
0x13: {  	[smem:$0x3FB2] =	sst s0;
	s0 =	simm.s32 @!p1 $0x0  }
0x14: {  	s2 =	sld [smem:$0x3F96];
	s0 =	simm.s32 @p1 $0x1  }
0x15: {  	[smem:$0x3FB3] =	sst s0;
	s0 =	simm.s32 @!p2 $0x0  }
0x16: {  	s3 =	sld [smem:$0x3FDB];
	s0 =	simm.s32 @p2 $0x1  }
0x17: {  	s4 =	simm.s32 $0x1BF5;
	[smem:$0x3FB5] =	sst s0  }
0x18: {  	s0 =	sld [smem:$0x3F98];
	_ =	swait.ge [sflag:s4], $0x0  }
0x19: {  	s7 =	sld [smem:$0x3F99]  }
0x1a: {  	s8 =	sadd.s32 $0xFFFFE003, lr  }
0x1b: {  	s9 =	sadd.s32 $0xFFFFFEF7, lr;
	s5 =	simm.s32 $0xFFFFFFFF;
	p2 =	slt.u32 s8, $0xFFFFF086  }
0x1c: {  	p1 =	slt.u32 s9, $0xF7A;
	s5 =	simm.s32 @!p2 $0x0  }
0x1d: {  	s5 =	simm.s32 @p1 $0x1;
	p0 =	seq.s32 s7, s2  }
0x1e: {  	s7 =	smul.u32 @!p0 $0xF7A, s2;
	p2 =	seq.s32 @!p0 s5, $0x0  }
0x1f: {  	s9 =	smul.u32 $0xF7A, s1;
	s8 =	simm.s32 @!p0 $0x1BF5;
	p2 =	por !p2, p0  }
0x20: {  	[sflag:s8] =	ssyncset.s32 @!p0 $0xFFFFF086;
	s6 =	sadd.s32 @!p0 s3, s7;
	s7 =	simm.s32 @!p0 $0x108  }
0x21: {  	s3 =	sadd.s32 s3, s9;
	s6 =	sadd.s32 @!p0 $0x88, s6;
	s7 =	simm.s32 @p2 $0x1082  }
0x22: {  	[simem:s7], [sflag:s8] =	dma.local @!p0 [hbm:s6], $0xF7A  }
0x23: {  	s9 =	sor.u32 $0xD0000000, s2;
	s6 =	simm.s32 $0x108;
	_ =	swait.ge @!p0 [sflag:s8], $0x0  }
0x24: {  	s3 =	sadd.s32 $0x88, s3;
	s6 =	simm.s32 @!p1 $0x1082;
	[sflag:s4] =	ssyncset.s32 $0xFFFFF086  }
0x25: {  	[simem:s6], [sflag:s4] =	dma.local [hbm:s3], $0xF7A  }
0x26: {  	[smem:$0x3F99] =	sst s1;
	(tag) =	ssettag s2;
	_ =	strace s9  }
0x27: {  	s1 =	sld [smem:$0x3FA9]  }
0x28: {  	s2 =	sld [smem:$0x3FAA]  }
0x29: {  	s4 =	sld [smem:$0x3FAC]  }
0x2a: {  	p0 =	seq.s32 s5, $0x0;
	s5 =	sld [smem:$0x3FAD]  }
0x2b: {  	s6 =	sld [smem:$0x3FAE]  }
0x2c: {  	s7 =	sld [smem:$0x3FAF]  }
0x2d: {  	s3 =	simm.s32 $0x108;
	s8 =	sld [smem:$0x3FB0]  }
0x2e: {  	s3 =	simm.s32 @!p0 $0x1082;
	s9 =	sld [smem:$0x3FB1]  }
0x2f: {  	lr =	sadd.s32 s0, s3;
	s0 =	sld [smem:$0x3FA8]  }
0x30: {  	s3 =	sld [smem:$0x3FAB]  }
0x31: {  	[smem:$0x3FB4] =	sst s10  }
0x32: {  	s10 =	sld [smem:$0x3FB2];
	_ =	sdelay $0x3  }
0x33: {  	p0 =	seq.s32 s10, $0x1;
	s10 =	sld [smem:$0x3FB4];
	_ =	sdelay $0x3  }
0x34: {  	[smem:$0x3FB4] =	sst s10  }
0x35: {  	s10 =	sld [smem:$0x3FB3];
	_ =	sdelay $0x3  }
0x36: {  	p1 =	seq.s32 s10, $0x1;
	s10 =	sld [smem:$0x3FB4];
	_ =	sdelay $0x3  }
0x37: {  	[smem:$0x3FB4] =	sst s10  }
0x38: {  	s10 =	sld [smem:$0x3FB5]  }
0x39: {  	_ = 	snop;
	(pc) =	sbr.ind lr, $3  }
0x3a: {  	_ = 	snop  }
0x3b: {  	_ = 	snop  }
0x3c: {  	p2 =	seq.s32 s10, $0x1;
	s10 =	sld [smem:$0x3FB4]  }
0x3d: {  	_ =	shalt  }
0x3e: {  	_ =	shalt  }
0x3f: {  	_ =	shalt  }
0x40: {  	_ =	shalt  }
0x41: {  	_ =	shalt  }
0x42: {  	_ =	shalt  }
0x43: {  	_ =	shalt  }
0x44: {  	_ =	shalt  }
0x45: {  	_ =	shalt  }
0x46: {  	_ =	shalt  }
0x47: {  	_ =	shalt  }
0x48: {  	_ =	shalt  }
0x49: {  	_ =	shalt  }
0x4a: {  	_ =	shalt  }
0x4b: {  	_ =	shalt  }
0x4c: {  	_ =	shalt  }
0x4d: {  	_ =	shalt  }
0x4e: {  	_ =	shalt  }
0x4f: {  	_ =	shalt  }
0x50: {  	_ =	shalt  }
0x51: {  	_ =	shalt  }
0x52: {  	_ =	shalt  }
0x53: {  	_ =	shalt  }
0x54: {  	_ =	shalt  }
0x55: {  	_ =	shalt  }
0x56: {  	_ =	shalt  }
0x57: {  	_ =	shalt  }
0x58: {  	_ =	shalt  }
0x59: {  	_ =	shalt  }
0x5a: {  	_ =	shalt  }
0x5b: {  	_ =	shalt  }
0x5c: {  	_ =	shalt  }
0x5d: {  	_ =	shalt  }
0x5e: {  	_ =	shalt  }
0x5f: {  	_ =	shalt  }
0x60: {  	_ =	shalt  }
0x61: {  	_ =	shalt  }
0x62: {  	_ =	shalt  }
0x63: {  	_ =	shalt  }
0x64: {  	_ =	shalt  }
0x65: {  	_ =	shalt  }
0x66: {  	_ =	shalt  }
0x67: {  	_ =	shalt  }
0x68: {  	_ =	shalt  }
0x69: {  	_ =	shalt  }
0x6a: {  	_ =	shalt  }
0x6b: {  	_ =	shalt  }
0x6c: {  	_ =	shalt  }
0x6d: {  	_ =	shalt  }
0x6e: {  	_ =	shalt  }
0x6f: {  	_ =	shalt  }
0x70: {  	_ =	shalt  }
0x71: {  	_ =	shalt  }
0x72: {  	_ =	shalt  }
0x73: {  	_ =	shalt  }
0x74: {  	_ =	shalt  }
0x75: {  	_ =	shalt  }
0x76: {  	_ =	shalt  }
0x77: {  	_ =	shalt  }
0x78: {  	_ =	shalt  }
0x79: {  	_ =	shalt  }
0x7a: {  	_ =	shalt  }
0x7b: {  	_ =	shalt  }
0x7c: {  	_ =	shalt  }
0x7d: {  	_ =	shalt  }
0x7e: {  	_ =	shalt  }
0x7f: {  	_ =	shalt  }
0x80: {  	_ =	shalt  }
0x81: {  	_ =	shalt  }
0x82: {  	_ =	shalt  }
0x83: {  	_ =	shalt  }
0x84: {  	_ =	shalt  }
0x85: {  	_ =	shalt  }
0x86: {  	_ =	shalt  }
0x87: {  	_ =	shalt  }
.Lfunc_end0:
.L_simem_size_0:
called_computation.1_lowered:
.L_overlay_start_0:
0x88: {  	s2 =	sld [smem:$0x3FD9]  }
0x89: {  	s3 =	sld [smem:$0x3FFE];
	_ =	sdelay $0x1  }
0x8a: {  	s1 =	srdreg.scid  }
0x8b: {  	s0 =	sand.u32 $0x1, s1  }
0x8c: {  	s17 =	sshll.u32 s0, $0xA;
	s2 =	sadd.s32 s3, s2  }
0x8d: {  	s2 =	sadd.s32 s2, s17  }
0x8e: {  	[smem:$0x3FC0] =	sst s2  }
0x8f: {  	_ = 	snop  }
0x90: {  	s2 =	sld [smem:$0x3FD0];
	(tm) =	ssettm $0x1  }
0x91: {  	s18 =	sld [smem:$0x3FFB];
	_ =	sdelay $0x3  }
0x92: {  	_ =	strace s18  }
0x93: {  	s3 =	sld [smem:$0x3FFC];
	_ =	sdelay $0x3  }
0x94: {  	_ =	strace s3  }
0x95: {  	s3 =	sld [smem:$0x3FFD];
	_ =	sdelay $0x3  }
0x96: {  	_ =	strace s3  }
0x97: {  	_ =	strace $0x8FFFFFFF  }
0x98: {  	s19 =	sld [smem:$0x3FDB];
	_ =	sdelay $0x1  }
0x99: {  	s4 =	simm.s32 $_scs_section_size  }
0x9a: {  	s5 =	simm.s32 $_size__tile_overlayer_lowered;
	s6 =	simm.s32 $_tile_overlayer_lowered  }
0x9b: {  	s22 =	simm.s32 $0x1BFF;
	s21 =	sshll.u32 s6, $0x1;
	s3 =	sadd.s32 s4, s19  }
0x9c: {  	s7 =	simm.s32 $0x0;
	s20 =	sshll.u32 s5, $0x1;
	s5 =	sadd.s32 s21, s3  }
0x9d: {  	[timem:s7], [sflag:s22] =	dma.local [hbm:s5], s20  }
0x9e: {  	_ =	swait.ge [sflag:s22], s20  }
0x9f: {  	s4 =	ssub.s32 $0x0, s20;
	[sflag:s22] =	ssyncset.done $0x0  }
0xa0: {  	[sflag:s22] =	ssyncadd.s32 s4;
	_ =	sdelay $0x1  }
0xa1: {  	s23 =	simm.s32 $0x1B8B  }
0xa2: {  	_ =	swait.ge [sflag:s23], $0x1  }
0xa3: {  	[sflag:s23] =	ssyncset.done $0x0  }
0xa4: {  	s25 =	simm.s32 $0x1B8E;
	s24 =	sld [smem:$0x3FFE];
	[sflag:s23] =	ssyncadd.s32 $0xFFFFFFFF  }
0xa5: {  	s26 =	simm.s32 $execute0_lowered;
	[smem:$0x3FD2] =	sst s25  }
0xa6: {  	s5 =	sshll.u32 s26, $0x1;
	_ =	strace $0x80000049;
	[dreg:$0x1] =	wrdreg $0xFFFFFFFF  }
0xa7: {  	s28 =	simm.s32 $_size_execute0_lowered;
	s3 =	sadd.s32 s3, s5;
	[dreg:$0x0] =	wrdreg $0x0  }
0xa8: {  	s5 =	sshll.u32 s28, $0x1;
	[dreg:$0x2] =	wrdreg s3  }
0xa9: {  	[dreg:$0x3] =	wrdreg s5  }
0xaa: {  	[dreg:$0x4] =	wrdreg $0xC0  }
0xab: {  	_ =	task [dreg:s7], $0x5FFFF  }
0xac: {  	[dreg:$0x1] =	wrdreg $0xFFFFFFFF  }
0xad: {  	[dreg:$0x0] =	wrdreg $0x60  }
0xae: {  	[dreg:$0x2] =	wrdreg s24  }
0xaf: {  	[dreg:$0x3] =	wrdreg s2  }
0xb0: {  	[dreg:$0x4] =	wrdreg $0xA8000  }
0xb1: {  	[dreg:$0x5] =	wrdreg $0x9  }
0xb2: {  	_ =	task.clear_ibuf [dreg:s7], $0x6FFFF;
	_ =	strace $0x90000049  }
0xb3: {  	s29 =	simm.s32 $0x9;
	_ =	strace $0x8000004B  }
0xb4: {  	_ =	swait.ge [sflag:s29], $0x1  }
0xb5: {  	[sflag:s29] =	ssyncadd.s32 $0xFFFFFFFF  }
0xb6: {  	_ =	strace $0x9000004B  }
0xb7: {  	_ =	sfence  }
0xb8: {  	s30 =	sld [smem:$0x0];
	_ =	sdelay $0x2  }
0xb9: {  	s31 =	sshll.u32 s1, $0xD;
	s1 =	sshrl.u32 s1, $0x2  }
0xba: {  	s3 =	sand.u32 $0x4000, s31;
	s1 =	sadd.s32 s1, s30  }
0xbb: {  	s0 =	sor.u32 s3, s0;
	s1 =	sshll.u32 s1, $0x11  }
0xbc: {  	s0 =	sor.u32 s1, s0  }
0xbd: {  	s0 =	sadd.s32 $0x8F2B, s0  }
0xbe: {  	[sflag:s0] =	ssyncadd.remote.s32 $0x1  }
0xbf: {  	_ =	sfence.sel $0xFFFF  }
0xc0: {  	[dreg:$0x0] =	wrdreg $0xFFFFFFFF;
	(pc) =	sbr.abs _section_cstart, $3  }
0xc1: {  	[dreg:$0x1] =	wrdreg $0xFFFFFFFF  }
0xc2: {  	_ =	task.clear_ibuf [dreg:s7], $0x2FFFF;
	_ =	strace $0x9FFFFFFF  }
0xc3: {  	(tm) =	ssettm $0x7FFFFFFF  }
tec
execute0_lowered:
.L_overlay_start_1:
0x0: {  	(tag) =	ssettag $0x1  }
0x1: {  	s0 =	srdreg.scid  }
0x2: {  	s1 =	rddreg [dreg:$0x0];
	s9 =	stileid.u32  }
0x3: {  	s6 =	rddreg [dreg:$0x1];
	s28 =	simm.s32 $0x6800;
	s29 =	simm.s32 $0x2  }
0x4: {  	s30 =	simm.s32 $0x1380;
	s31 =	simm.s32 $0x2700;
	s5 =	smul.u32 $0x50000, s9  }
0x5: {  	s0 =	sand.u32 $0x1, s0;
	s4 =	sadd.s32 $0xCC00, s1;
	s15 =	smul.u32 $0x14000, s9  }
0x6: {  	s2 =	sshll.u32 s0, $0x4;
	s8 =	smul.u32 $0x140000, s0;
	s0 =	ssub.s32 $0x2, s0  }
0x7: {  	s3 =	sor.u32 s9, s2;
	s2 =	rddreg [dreg:$0x2];
	s10 =	sshrl.u32 s0, $0x1  }
0x8: {  	s5 =	sshrl.u32 s5, $0x2;
	s23 =	sadd.s32 $0x4000, s15;
	s16 =	sadd.s32 $0x8000, s15  }
0x9: {  	s18 =	sadd.s32 $0xC000, s15;
	s19 =	sadd.s32 $0x10000, s15;
	s7 =	smul.u32 $0x500, s3  }
0xa: {  	s3 =	simm.s32 $0x0;
	s11 =	sadd.s32 s8, s15;
	s0 =	ssub.s32 s0, s10  }
0xb: {  	s5 =	sadd.s32 s5, s2;
	s14 =	sadd.s32 s8, s23;
	s17 =	sadd.s32 s8, s16  }
0xc: {  	s24 =	sadd.s32 s8, s18;
	s8 =	sadd.s32 s8, s19;
	s26 =	sadd.s32 s19, s2  }
0xd: {  	s19 =	simm.s32 $0x3;
	[smem:$0x7FF] =	sst s3;
	s21 =	sshrl.u32 s11, $0x3  }
0xe: {  	s0 =	smax.u32 s0, $0x1;
	s10 =	sadd.s32 $0x4000, s5;
	s11 =	sadd.s32 $0x8000, s5  }
0xf: {  	s12 =	sadd.s32 $0xC000, s5;
	s13 =	sadd.s32 $0x10000, s5;
	s14 =	sshrl.u32 s14, $0x3  }
0x10: {  	s17 =	sshrl.u32 s17, $0x3;
	s25 =	sshrl.u32 s24, $0x3;
	s8 =	sshrl.u32 s8, $0x3  }
0x11: {  	s24 =	sadd.s32 s18, s2;
	s18 =	simm.s32 $0x2800;
	_ =	strace $0x8000004A  }
0x12: {  	s20 =	sadd.s32 s7, s1;
	s1 =	sadd.s32 $0x34C00, s1;
	s6 =	sadd.s32 s6, s7  }
0x13: {  	[dreg:$0x5] =	wrdreg s0;
	s0 =	sadd.s32 s23, s2;
	s23 =	sadd.s32 s16, s2  }
0x14: {  	s24 =	sshrl.u32 s24, $0x3;
	s7 =	sadd.s32 $0x2C00, s20;
	s22 =	sadd.s32 s1, s21  }
0x15: {  	s14 =	sadd.s32 s1, s14;
	s15 =	sadd.s32 s1, s17;
	s16 =	sadd.s32 s1, s25  }
0x16: {  	s17 =	sadd.s32 s1, s8;
	s20 =	simm.s32 $0x1400;
	s21 =	simm.s32 $0x80  }
0x17: {  	s23 =	sshrl.u32 s23, $0x3;
	s25 =	sshrl.u32 s26, $0x3;
	s26 =	simm.s32 $0x1  }
0x18: {  	v0 =	vimm.f32 $0.0e+00;
	s1 =	simm.s32 $0x2780;
	[dreg:$0x4] =	wrdreg s22;
	s22 =	sshrl.u32 s0, $0x3  }
.LBB2_1:
0x19: {  	s0 =	simm.s32 $0x0;
	s8 =	simm.s32 $0x200  }
.LBB2_2:
0x1a: {  	p0 =	sne.s32 s8, $0xFE00;
	[tilespmem:s0+$0x2870] =	vst v0  }
0x1b: {  	[tilespmem:s0+$0x2800] =	vst v0  }
0x1c: {  	[tilespmem:s0+$0x2810] =	vst v0  }
.Ltmp0:
0x1d: {  	[tilespmem:s0+$0x2820] =	vst v0;
	(pc) =	sbr.rel @p0 .LBB2_2-.Ltmp0, $4  }
0x1e: {  	[tilespmem:s0+$0x2830] =	vst v0  }
0x1f: {  	[tilespmem:s0+$0x2840] =	vst v0  }
0x20: {  	[tilespmem:s0+$0x2850] =	vst v0  }
0x21: {  	[tilespmem:s0+$0x2860] =	vst v0;
	s0 =	sshra.s32 s8, $0x2;
	s8 =	sadd.s32 $0x200, s8  }
0x22: {  	[tilespmem:s0+$0x2870] =	vst v0  }
0x23: {  	[tilespmem:s0+$0x2800] =	vst v0  }
0x24: {  	[tilespmem:s0+$0x2810] =	vst v0  }
0x25: {  	[tilespmem:s0+$0x2820] =	vst v0  }
0x26: {  	[tilespmem:s0+$0x2830] =	vst v0  }
0x27: {  	[tilespmem:s0+$0x2840] =	vst v0  }
0x28: {  	[tilespmem:s0+$0x2850] =	vst v0  }
0x29: {  	[tilespmem:s0+$0x2860] =	vst v0  }
0x2a: {  	[spmem:s5] =	stream.linear.scatter [tilespmem:s18], [sflag:$0x3], $0x4000, $0x38;
	[tilespmem:$0x1E800] =	vst v63  }
0x2b: {  	_ =	swait.ge [sflag:s19], $0x4000  }
0x2c: {  	[sflag:s19] =	ssyncset.done $0x0  }
0x2d: {  	[sflag:s19] =	ssyncadd.s32 $0xFFFFC000  }
0x2e: {  	[spmem:s10] =	stream.linear.scatter [tilespmem:s18], [sflag:$0x3], $0x4000, $0x38;
	[tilespmem:$0x1E800] =	vst v63  }
0x2f: {  	_ =	swait.ge [sflag:s19], $0x4000  }
0x30: {  	[sflag:s19] =	ssyncset.done $0x0  }
0x31: {  	[sflag:s19] =	ssyncadd.s32 $0xFFFFC000  }
0x32: {  	[spmem:s11] =	stream.linear.scatter [tilespmem:s18], [sflag:$0x3], $0x4000, $0x38;
	[tilespmem:$0x1E800] =	vst v63  }
0x33: {  	_ =	swait.ge [sflag:s19], $0x4000  }
0x34: {  	[sflag:s19] =	ssyncset.done $0x0  }
0x35: {  	[sflag:s19] =	ssyncadd.s32 $0xFFFFC000  }
0x36: {  	[spmem:s12] =	stream.linear.scatter [tilespmem:s18], [sflag:$0x3], $0x4000, $0x38;
	[tilespmem:$0x1E800] =	vst v63  }
0x37: {  	_ =	swait.ge [sflag:s19], $0x4000  }
0x38: {  	[sflag:s19] =	ssyncset.done $0x0  }
0x39: {  	[sflag:s19] =	ssyncadd.s32 $0xFFFFC000  }
0x3a: {  	[spmem:s13] =	stream.linear.scatter [tilespmem:s18], [sflag:$0x3], $0x4000, $0x38;
	[tilespmem:$0x1E800] =	vst v63  }
0x3b: {  	_ =	swait.ge [sflag:s19], $0x4000  }
0x3c: {  	[sflag:s19] =	ssyncset.done $0x0  }
0x3d: {  	[sflag:s19] =	ssyncadd.s32 $0xFFFFC000  }
0x3e: {  	s9 =	simm.s32 $0x0;
	[bflag:$0x0] =	sbarrier.arrive $0xFFFF  }
0x3f: {  	[tilespmem:s9], [sflag:$0x3] =	stream.linear.gather [hbm4b:s6+s9], $0x1400, $0x38;
	[tilespmem:$0x1E800] =	vst v63  }
0x40: {  	_ =	swait.ge [sflag:s19], $0x1400  }
0x41: {  	[sflag:s19] =	ssyncset.done $0x0  }
0x42: {  	[sflag:s19] =	ssyncadd.s32 $0xFFFFEC00  }
0x43: {  	[tilespmem:s20], [sflag:$0x3] =	stream.linear.gather [hbm4b:s7+s9], $0x1400, $0x38;
	[tilespmem:$0x1E800] =	vst v63  }
0x44: {  	_ =	swait.ge [sflag:s19], $0x1400  }
0x45: {  	[sflag:s19] =	ssyncset.done $0x0  }
0x46: {  	[sflag:s19] =	ssyncadd.s32 $0xFFFFEC00  }
0x47: {  	[tilespmem:s18], [sflag:$0x1] =	stream.indirect.gather [hbm4b:s4+s21], $0x80, s9, s21, $0xb8;
	[tilespmem:$0x1E800] =	vst v63  }
0x48: {  	_ =	swait.ge [sflag:s26], $0x4000  }
0x49: {  	[sflag:s26] =	ssyncset.done $0x0  }
0x4a: {  	s8 =	simm.s32 $0x80;
	[sflag:s26] =	ssyncadd.s32 $0xFFFFC000  }
0x4b: {  	[tilespmem:s28], [sflag:$0x2] =	stream.indirect.gather [hbm4b:s4+s21], $0x80, s8, s21, $0xb8;
	[tilespmem:$0x1E800] =	vst v63  }
0x4c: {  	s9 =	simm.s32 $0x1400  }
0x4d: {  	[spmem:s2] =	stream.indirect.scatter.add.f32 [tilespmem:s18], [sflag:$0x3], $0x80, s9, s21, $0xb8;
	[tilespmem:$0x1E800] =	vst v63  }
0x4e: {  	_ =	swait.ge [sflag:s19], $0x4000  }
0x4f: {  	[sflag:s19] =	ssyncset.done $0x0  }
0x50: {  	[sflag:s19] =	ssyncadd.s32 $0xFFFFC000  }
0x51: {  	_ =	swait.ge [sflag:s29], $0x4000  }
0x52: {  	[sflag:s29] =	ssyncset.done $0x0  }
0x53: {  	s8 =	simm.s32 $0x100;
	[sflag:s29] =	ssyncadd.s32 $0xFFFFC000  }
0x54: {  	[tilespmem:s18], [sflag:$0x1] =	stream.indirect.gather [hbm4b:s4+s21], $0x80, s8, s21, $0xb8;
	[tilespmem:$0x1E800] =	vst v63  }
0x55: {  	s9 =	simm.s32 $0x1480  }
0x56: {  	[spmem:s2] =	stream.indirect.scatter.add.f32 [tilespmem:s28], [sflag:$0x3], $0x80, s9, s21, $0xb8;
	[tilespmem:$0x1E800] =	vst v63  }
0x57: {  	_ =	swait.ge [sflag:s19], $0x4000  }
0x58: {  	s0 =	simm.s32 $0x400;
	[sflag:s19] =	ssyncset.done $0x0  }
.LBB2_4:
0x59: {  	p0 =	sne.s32 s0, $0x4800  }
0x5a: {  	[sflag:s19] =	ssyncadd.s32 $0xFFFFC000;
	s8 =	smov.u32 s0;
	s0 =	sadd.s32 $0x400, s0  }
0x5b: {  	_ = 	snop  }
0x5c: {  	_ =	swait.ge [sflag:s26], $0x4000  }
0x5d: {  	s8 =	sshra.s32 s8, $0x2;
	[sflag:s26] =	ssyncset.done $0x0  }
0x5e: {  	s9 =	sadd.s32 $0x80, s8;
	[sflag:s26] =	ssyncadd.s32 $0xFFFFC000  }
0x5f: {  	[tilespmem:s28], [sflag:$0x2] =	stream.indirect.gather [hbm4b:s4+s21], $0x80, s9, s21, $0xb8;
	[tilespmem:$0x1E800] =	vst v63  }
0x60: {  	s9 =	sadd.s32 $0x1400, s8  }
0x61: {  	[spmem:s2] =	stream.indirect.scatter.add.f32 [tilespmem:s18], [sflag:$0x3], $0x80, s9, s21, $0xb8;
	[tilespmem:$0x1E800] =	vst v63  }
0x62: {  	_ =	swait.ge [sflag:s19], $0x4000  }
0x63: {  	[sflag:s19] =	ssyncset.done $0x0  }
0x64: {  	[sflag:s19] =	ssyncadd.s32 $0xFFFFC000  }
0x65: {  	_ =	swait.ge [sflag:s29], $0x4000  }
0x66: {  	[sflag:s29] =	ssyncset.done $0x0  }
0x67: {  	s9 =	sadd.s32 $0x100, s8;
	[sflag:s29] =	ssyncadd.s32 $0xFFFFC000  }
0x68: {  	[tilespmem:s18], [sflag:$0x1] =	stream.indirect.gather [hbm4b:s4+s21], $0x80, s9, s21, $0xb8;
	[tilespmem:$0x1E800] =	vst v63  }
.Ltmp1:
0x69: {  	_ = 	snop;
	(pc) =	sbr.rel @p0 .LBB2_4-.Ltmp1, $4  }
0x6a: {  	s8 =	sadd.s32 $0x1480, s8  }
0x6b: {  	[spmem:s2] =	stream.indirect.scatter.add.f32 [tilespmem:s28], [sflag:$0x3], $0x80, s8, s21, $0xb8;
	[tilespmem:$0x1E800] =	vst v63  }
0x6c: {  	_ =	swait.ge [sflag:s19], $0x4000  }
0x6d: {  	[sflag:s19] =	ssyncset.done $0x0  }
0x6e: {  	[sflag:s19] =	ssyncadd.s32 $0xFFFFC000  }
0x6f: {  	_ =	swait.ge [sflag:s26], $0x4000  }
0x70: {  	[sflag:s26] =	ssyncset.done $0x0  }
0x71: {  	[sflag:s26] =	ssyncadd.s32 $0xFFFFC000  }
0x72: {  	[tilespmem:s28], [sflag:$0x2] =	stream.indirect.gather [hbm4b:s4+s21], $0x80, s30, s21, $0xb8;
	[tilespmem:$0x1E800] =	vst v63  }
0x73: {  	_ = 	snop  }
0x74: {  	[spmem:s2] =	stream.indirect.scatter.add.f32 [tilespmem:s18], [sflag:$0x3], $0x80, s31, s21, $0xb8;
	[tilespmem:$0x1E800] =	vst v63  }
0x75: {  	_ =	swait.ge [sflag:s19], $0x4000  }
0x76: {  	[sflag:s19] =	ssyncset.done $0x0  }
0x77: {  	[sflag:s19] =	ssyncadd.s32 $0xFFFFC000  }
0x78: {  	_ =	swait.ge [sflag:s29], $0x4000  }
0x79: {  	[sflag:s29] =	ssyncset.done $0x0  }
0x7a: {  	[sflag:s29] =	ssyncadd.s32 $0xFFFFC000  }
0x7b: {  	[spmem:s2] =	stream.indirect.scatter.add.f32 [tilespmem:s28], [sflag:$0x3], $0x80, s1, s21, $0xb8;
	[tilespmem:$0x1E800] =	vst v63  }
0x7c: {  	_ =	swait.ge [sflag:s19], $0x4000  }
0x7d: {  	[sflag:s19] =	ssyncset.done $0x0  }
0x7e: {  	s0 =	sadd.s32 $0x280, s6;
	s8 =	simm.s32 $0x0;
	[sflag:s19] =	ssyncadd.s32 $0xFFFFC000  }
0x7f: {  	[tilespmem:s8], [sflag:$0x3] =	stream.linear.gather [hbm4b:s0+s8], $0x1400, $0x38;
	[tilespmem:$0x1E800] =	vst v63  }
0x80: {  	_ =	swait.ge [sflag:s19], $0x1400  }
0x81: {  	[sflag:s19] =	ssyncset.done $0x0  }
0x82: {  	s9 =	sadd.s32 $0x280, s7;
	[sflag:s19] =	ssyncadd.s32 $0xFFFFEC00  }
0x83: {  	[tilespmem:s20], [sflag:$0x3] =	stream.linear.gather [hbm4b:s9+s8], $0x1400, $0x38;
	[tilespmem:$0x1E800] =	vst v63  }
0x84: {  	_ =	swait.ge [sflag:s19], $0x1400  }
0x85: {  	[sflag:s19] =	ssyncset.done $0x0  }
0x86: {  	[sflag:s19] =	ssyncadd.s32 $0xFFFFEC00  }
0x87: {  	[tilespmem:s18], [sflag:$0x1] =	stream.indirect.gather [hbm4b:s4+s21], $0x80, s8, s21, $0xb8;
	[tilespmem:$0x1E800] =	vst v63  }
0x88: {  	_ =	swait.ge [sflag:s26], $0x4000  }
0x89: {  	[sflag:s26] =	ssyncset.done $0x0  }
0x8a: {  	s8 =	simm.s32 $0x80;
	[sflag:s26] =	ssyncadd.s32 $0xFFFFC000  }
0x8b: {  	[tilespmem:s28], [sflag:$0x2] =	stream.indirect.gather [hbm4b:s4+s21], $0x80, s8, s21, $0xb8;
	[tilespmem:$0x1E800] =	vst v63  }
0x8c: {  	s9 =	simm.s32 $0x1400  }
0x8d: {  	[spmem:s2] =	stream.indirect.scatter.add.f32 [tilespmem:s18], [sflag:$0x3], $0x80, s9, s21, $0xb8;
	[tilespmem:$0x1E800] =	vst v63  }
0x8e: {  	_ =	swait.ge [sflag:s19], $0x4000  }
0x8f: {  	[sflag:s19] =	ssyncset.done $0x0  }
0x90: {  	[sflag:s19] =	ssyncadd.s32 $0xFFFFC000  }
0x91: {  	_ =	swait.ge [sflag:s29], $0x4000  }
0x92: {  	[sflag:s29] =	ssyncset.done $0x0  }
0x93: {  	s8 =	simm.s32 $0x100;
	[sflag:s29] =	ssyncadd.s32 $0xFFFFC000  }
0x94: {  	[tilespmem:s18], [sflag:$0x1] =	stream.indirect.gather [hbm4b:s4+s21], $0x80, s8, s21, $0xb8;
	[tilespmem:$0x1E800] =	vst v63  }
0x95: {  	s9 =	simm.s32 $0x1480  }
0x96: {  	[spmem:s2] =	stream.indirect.scatter.add.f32 [tilespmem:s28], [sflag:$0x3], $0x80, s9, s21, $0xb8;
	[tilespmem:$0x1E800] =	vst v63  }
0x97: {  	_ =	swait.ge [sflag:s19], $0x4000  }
0x98: {  	s0 =	simm.s32 $0x400;
	[sflag:s19] =	ssyncset.done $0x0  }
.LBB2_6:
0x99: {  	p0 =	sne.s32 s0, $0x4800  }
0x9a: {  	[sflag:s19] =	ssyncadd.s32 $0xFFFFC000;
	s8 =	smov.u32 s0;
	s0 =	sadd.s32 $0x400, s0  }
0x9b: {  	_ = 	snop  }
0x9c: {  	_ =	swait.ge [sflag:s26], $0x4000  }
0x9d: {  	s8 =	sshra.s32 s8, $0x2;
	[sflag:s26] =	ssyncset.done $0x0  }
0x9e: {  	s9 =	sadd.s32 $0x80, s8;
	[sflag:s26] =	ssyncadd.s32 $0xFFFFC000  }
0x9f: {  	[tilespmem:s28], [sflag:$0x2] =	stream.indirect.gather [hbm4b:s4+s21], $0x80, s9, s21, $0xb8;
	[tilespmem:$0x1E800] =	vst v63  }
0xa0: {  	s9 =	sadd.s32 $0x1400, s8  }
0xa1: {  	[spmem:s2] =	stream.indirect.scatter.add.f32 [tilespmem:s18], [sflag:$0x3], $0x80, s9, s21, $0xb8;
	[tilespmem:$0x1E800] =	vst v63  }
0xa2: {  	_ =	swait.ge [sflag:s19], $0x4000  }
0xa3: {  	[sflag:s19] =	ssyncset.done $0x0  }
0xa4: {  	[sflag:s19] =	ssyncadd.s32 $0xFFFFC000  }
0xa5: {  	_ =	swait.ge [sflag:s29], $0x4000  }
0xa6: {  	[sflag:s29] =	ssyncset.done $0x0  }
0xa7: {  	s9 =	sadd.s32 $0x100, s8;
	[sflag:s29] =	ssyncadd.s32 $0xFFFFC000  }
0xa8: {  	[tilespmem:s18], [sflag:$0x1] =	stream.indirect.gather [hbm4b:s4+s21], $0x80, s9, s21, $0xb8;
	[tilespmem:$0x1E800] =	vst v63  }
.Ltmp2:
0xa9: {  	_ = 	snop;
	(pc) =	sbr.rel @p0 .LBB2_6-.Ltmp2, $4  }
0xaa: {  	s8 =	sadd.s32 $0x1480, s8  }
0xab: {  	[spmem:s2] =	stream.indirect.scatter.add.f32 [tilespmem:s28], [sflag:$0x3], $0x80, s8, s21, $0xb8;
	[tilespmem:$0x1E800] =	vst v63  }
0xac: {  	_ =	swait.ge [sflag:s19], $0x4000  }
0xad: {  	[sflag:s19] =	ssyncset.done $0x0  }
0xae: {  	[sflag:s19] =	ssyncadd.s32 $0xFFFFC000  }
0xaf: {  	_ =	swait.ge [sflag:s26], $0x4000  }
0xb0: {  	[sflag:s26] =	ssyncset.done $0x0  }
0xb1: {  	[sflag:s26] =	ssyncadd.s32 $0xFFFFC000  }
0xb2: {  	[tilespmem:s28], [sflag:$0x2] =	stream.indirect.gather [hbm4b:s4+s21], $0x80, s30, s21, $0xb8;
	[tilespmem:$0x1E800] =	vst v63  }
0xb3: {  	_ = 	snop  }
0xb4: {  	[spmem:s2] =	stream.indirect.scatter.add.f32 [tilespmem:s18], [sflag:$0x3], $0x80, s31, s21, $0xb8;
	[tilespmem:$0x1E800] =	vst v63  }
0xb5: {  	_ =	swait.ge [sflag:s19], $0x4000  }
0xb6: {  	[sflag:s19] =	ssyncset.done $0x0  }
0xb7: {  	[sflag:s19] =	ssyncadd.s32 $0xFFFFC000  }
0xb8: {  	_ =	swait.ge [sflag:s29], $0x4000  }
0xb9: {  	[sflag:s29] =	ssyncset.done $0x0  }
0xba: {  	[sflag:s29] =	ssyncadd.s32 $0xFFFFC000  }
0xbb: {  	[spmem:s2] =	stream.indirect.scatter.add.f32 [tilespmem:s28], [sflag:$0x3], $0x80, s1, s21, $0xb8;
	[tilespmem:$0x1E800] =	vst v63  }
0xbc: {  	_ =	swait.ge [sflag:s19], $0x4000  }
0xbd: {  	[sflag:s19] =	ssyncset.done $0x0  }
0xbe: {  	s0 =	stileid.u32;
	[sflag:s19] =	ssyncadd.s32 $0xFFFFC000  }
0xbf: {  	s0 =	sshll.u32 s0, $0x6;
	[bflag:$0x0] =	sbarrier.arrive $0xFFFF  }
0xc0: {  	s8 =	sshrl.u32 s5, $0x3;
	s0 =	sor.u32 $0x1C03, s0;
	s9 =	rddreg [dreg:$0x4]  }
0xc1: {  	[hbm:s9], [sflag:s0] =	dma.local [spmem:s8], $0x800  }
0xc2: {  	_ =	swait.ge [sflag:s19], $0x800  }
0xc3: {  	[sflag:s19] =	ssyncset.done $0x0  }
0xc4: {  	[sflag:s19] =	ssyncadd.s32 $0xFFFFF800  }
0xc5: {  	[hbm:s14], [sflag:s0] =	dma.local [spmem:s22], $0x800  }
0xc6: {  	_ =	swait.ge [sflag:s19], $0x800  }
0xc7: {  	[sflag:s19] =	ssyncset.done $0x0  }
0xc8: {  	[sflag:s19] =	ssyncadd.s32 $0xFFFFF800  }
0xc9: {  	[hbm:s15], [sflag:s0] =	dma.local [spmem:s23], $0x800  }
0xca: {  	_ =	swait.ge [sflag:s19], $0x800  }
0xcb: {  	[sflag:s19] =	ssyncset.done $0x0  }
0xcc: {  	[sflag:s19] =	ssyncadd.s32 $0xFFFFF800  }
0xcd: {  	[hbm:s16], [sflag:s0] =	dma.local [spmem:s24], $0x800  }
0xce: {  	_ =	swait.ge [sflag:s19], $0x800  }
0xcf: {  	[sflag:s19] =	ssyncset.done $0x0  }
0xd0: {  	[sflag:s19] =	ssyncadd.s32 $0xFFFFF800  }
0xd1: {  	[hbm:s17], [sflag:s0] =	dma.local [spmem:s25], $0x800  }
0xd2: {  	_ =	swait.ge [sflag:s19], $0x800  }
0xd3: {  	s3 =	sadd.s32 $0x1, s3;
	s9 =	rddreg [dreg:$0x5]  }
0xd4: {  	p0 =	sne.s32 s3, s9  }
.Ltmp3:
0xd5: {  	_ = 	snop;
	(pc) =	sbr.rel @p0 .LBB2_1-.Ltmp3, $3  }
0xd6: {  	_ =	sdelay $0x1  }
0xd7: {  	[sflag:s19] =	ssyncset.done $0x0  }
0xd8: {  	[sflag:s19] =	ssyncadd.s32 $0xFFFFF800  }
0xd9: {  	_ =	sfence.sel $0x180000  }
0xda: {  	[bflag:$0x0] =	sbarrier.arrive $0xFFFF  }
0xdb: {  	_ =	strace $0x9000004A  }
0xdc: {  	s0 =	stileid.u32;
	[bflag:$0x2] =	sbarrier.arrive $0xFFFF  }
0xdd: {  	p0 =	sne.s32 s0, $0x0;
	s0 =	rddreg [dreg:$0x3]  }
0xde: {  	s0 =	sadd.s32 @!p0 $0x100000, s0  }
0xdf: {  	[sflag:s0] =	ssyncadd.tile.s32 @!p0 $0x1;
	_ =	shalt  }
.Lfunc_end2:
_tile_overlayer_lowered:
.L_overlay_start_2:
0xe0: {  	(tag) =	ssettag $0x2  }
0xe1: {  	s0 =	rddreg [dreg:$0x0];
	s2 =	stileid.u32  }
0xe2: {  	s1 =	rddreg [dreg:$0x1];
	p0 =	sne.s32 s2, $0x0  }
0xe3: {  	s3 =	rddreg [dreg:$0x2];
	[bflag:$0x3] =	sbarrier.arrive $0xFFFF;
	s2 =	simm.s32 @!p0 $0x1C03  }
0xe4: {  	[timem:s3], [sflag:s2] =	dma.local @!p0 [hbm:s0], s1  }
0xe5: {  	s0 =	simm.s32 @!p0 $0x3  }
0xe6: {  	_ =	swait.ge @!p0 [sflag:s0], s1  }
0xe7: {  	s1 =	ssub.s32 @!p0 $0x0, s1;
	[sflag:s0] =	ssyncset.done @!p0 $0x0  }
0xe8: {  	[sflag:s0] =	ssyncadd.s32 @!p0 s1  }
0xe9: {  	[bflag:$0x3] =	sbarrier.arrive $0xFFFF  }
0xea: {  	_ =	shalt  }

// kernel: kernel.15.cloned.1.call-start
scs
__scs_entry_jumppad:
0x0: {  	(pc) =	sbr.rel $0x88, $3  }
0x1: {  	(tag) =	ssettag $0x0;
	lr =	simm.s32 $0x1  }
0x2: {  	[smem:$0x3F99] =	sst lr;
	_ =	strace $0xD0000000  }
0x3: {  	_ = 	snop  }
0x4: {  	_ = 	snop  }
0x5: {  	_ = 	snop  }
0x6: {  	_ = 	snop  }
0x7: {  	_ = 	snop  }
__scs_overlays_trampoline_lowered:
0x8: {  	[smem:$0x3FA8] =	sst s0  }
0x9: {  	[smem:$0x3FA9] =	sst s1  }
0xa: {  	[smem:$0x3FAA] =	sst s2  }
0xb: {  	[smem:$0x3FAB] =	sst s3  }
0xc: {  	[smem:$0x3FAC] =	sst s4  }
0xd: {  	[smem:$0x3FAD] =	sst s5  }
0xe: {  	[smem:$0x3FAE] =	sst s6  }
0xf: {  	[smem:$0x3FAF] =	sst s7  }
0x10: {  	[smem:$0x3FB0] =	sst s8  }
0x11: {  	[smem:$0x3FB1] =	sst s9;
	s0 =	simm.s32 @!p0 $0x0  }
0x12: {  	s1 =	sld [smem:$0x3F97];
	s0 =	simm.s32 @p0 $0x1  }
0x13: {  	[smem:$0x3FB2] =	sst s0;
	s0 =	simm.s32 @!p1 $0x0  }
0x14: {  	s2 =	sld [smem:$0x3F96];
	s0 =	simm.s32 @p1 $0x1  }
0x15: {  	[smem:$0x3FB3] =	sst s0;
	s0 =	simm.s32 @!p2 $0x0  }
0x16: {  	s3 =	sld [smem:$0x3FDB];
	s0 =	simm.s32 @p2 $0x1  }
0x17: {  	s4 =	simm.s32 $0x1BF5;
	[smem:$0x3FB5] =	sst s0  }
0x18: {  	s0 =	sld [smem:$0x3F98];
	_ =	swait.ge [sflag:s4], $0x0  }
0x19: {  	s7 =	sld [smem:$0x3F99]  }
0x1a: {  	s8 =	sadd.s32 $0xFFFFE003, lr  }
0x1b: {  	s9 =	sadd.s32 $0xFFFFFEF7, lr;
	s5 =	simm.s32 $0xFFFFFFFF;
	p2 =	slt.u32 s8, $0xFFFFF086  }
0x1c: {  	p1 =	slt.u32 s9, $0xF7A;
	s5 =	simm.s32 @!p2 $0x0  }
0x1d: {  	s5 =	simm.s32 @p1 $0x1;
	p0 =	seq.s32 s7, s2  }
0x1e: {  	s7 =	smul.u32 @!p0 $0xF7A, s2;
	p2 =	seq.s32 @!p0 s5, $0x0  }
0x1f: {  	s9 =	smul.u32 $0xF7A, s1;
	s8 =	simm.s32 @!p0 $0x1BF5;
	p2 =	por !p2, p0  }
0x20: {  	[sflag:s8] =	ssyncset.s32 @!p0 $0xFFFFF086;
	s6 =	sadd.s32 @!p0 s3, s7;
	s7 =	simm.s32 @!p0 $0x108  }
0x21: {  	s3 =	sadd.s32 s3, s9;
	s6 =	sadd.s32 @!p0 $0x88, s6;
	s7 =	simm.s32 @p2 $0x1082  }
0x22: {  	[simem:s7], [sflag:s8] =	dma.local @!p0 [hbm:s6], $0xF7A  }
0x23: {  	s9 =	sor.u32 $0xD0000000, s2;
	s6 =	simm.s32 $0x108;
	_ =	swait.ge @!p0 [sflag:s8], $0x0  }
0x24: {  	s3 =	sadd.s32 $0x88, s3;
	s6 =	simm.s32 @!p1 $0x1082;
	[sflag:s4] =	ssyncset.s32 $0xFFFFF086  }
0x25: {  	[simem:s6], [sflag:s4] =	dma.local [hbm:s3], $0xF7A  }
0x26: {  	[smem:$0x3F99] =	sst s1;
	(tag) =	ssettag s2;
	_ =	strace s9  }
0x27: {  	s1 =	sld [smem:$0x3FA9]  }
0x28: {  	s2 =	sld [smem:$0x3FAA]  }
0x29: {  	s4 =	sld [smem:$0x3FAC]  }
0x2a: {  	p0 =	seq.s32 s5, $0x0;
	s5 =	sld [smem:$0x3FAD]  }
0x2b: {  	s6 =	sld [smem:$0x3FAE]  }
0x2c: {  	s7 =	sld [smem:$0x3FAF]  }
0x2d: {  	s3 =	simm.s32 $0x108;
	s8 =	sld [smem:$0x3FB0]  }
0x2e: {  	s3 =	simm.s32 @!p0 $0x1082;
	s9 =	sld [smem:$0x3FB1]  }
0x2f: {  	lr =	sadd.s32 s0, s3;
	s0 =	sld [smem:$0x3FA8]  }
0x30: {  	s3 =	sld [smem:$0x3FAB]  }
0x31: {  	[smem:$0x3FB4] =	sst s10  }
0x32: {  	s10 =	sld [smem:$0x3FB2];
	_ =	sdelay $0x3  }
0x33: {  	p0 =	seq.s32 s10, $0x1;
	s10 =	sld [smem:$0x3FB4];
	_ =	sdelay $0x3  }
0x34: {  	[smem:$0x3FB4] =	sst s10  }
0x35: {  	s10 =	sld [smem:$0x3FB3];
	_ =	sdelay $0x3  }
0x36: {  	p1 =	seq.s32 s10, $0x1;
	s10 =	sld [smem:$0x3FB4];
	_ =	sdelay $0x3  }
0x37: {  	[smem:$0x3FB4] =	sst s10  }
0x38: {  	s10 =	sld [smem:$0x3FB5]  }
0x39: {  	_ = 	snop;
	(pc) =	sbr.ind lr, $3  }
0x3a: {  	_ = 	snop  }
0x3b: {  	_ = 	snop  }
0x3c: {  	p2 =	seq.s32 s10, $0x1;
	s10 =	sld [smem:$0x3FB4]  }
0x3d: {  	_ =	shalt  }
0x3e: {  	_ =	shalt  }
0x3f: {  	_ =	shalt  }
0x40: {  	_ =	shalt  }
0x41: {  	_ =	shalt  }
0x42: {  	_ =	shalt  }
0x43: {  	_ =	shalt  }
0x44: {  	_ =	shalt  }
0x45: {  	_ =	shalt  }
0x46: {  	_ =	shalt  }
0x47: {  	_ =	shalt  }
0x48: {  	_ =	shalt  }
0x49: {  	_ =	shalt  }
0x4a: {  	_ =	shalt  }
0x4b: {  	_ =	shalt  }
0x4c: {  	_ =	shalt  }
0x4d: {  	_ =	shalt  }
0x4e: {  	_ =	shalt  }
0x4f: {  	_ =	shalt  }
0x50: {  	_ =	shalt  }
0x51: {  	_ =	shalt  }
0x52: {  	_ =	shalt  }
0x53: {  	_ =	shalt  }
0x54: {  	_ =	shalt  }
0x55: {  	_ =	shalt  }
0x56: {  	_ =	shalt  }
0x57: {  	_ =	shalt  }
0x58: {  	_ =	shalt  }
0x59: {  	_ =	shalt  }
0x5a: {  	_ =	shalt  }
0x5b: {  	_ =	shalt  }
0x5c: {  	_ =	shalt  }
0x5d: {  	_ =	shalt  }
0x5e: {  	_ =	shalt  }
0x5f: {  	_ =	shalt  }
0x60: {  	_ =	shalt  }
0x61: {  	_ =	shalt  }
0x62: {  	_ =	shalt  }
0x63: {  	_ =	shalt  }
0x64: {  	_ =	shalt  }
0x65: {  	_ =	shalt  }
0x66: {  	_ =	shalt  }
0x67: {  	_ =	shalt  }
0x68: {  	_ =	shalt  }
0x69: {  	_ =	shalt  }
0x6a: {  	_ =	shalt  }
0x6b: {  	_ =	shalt  }
0x6c: {  	_ =	shalt  }
0x6d: {  	_ =	shalt  }
0x6e: {  	_ =	shalt  }
0x6f: {  	_ =	shalt  }
0x70: {  	_ =	shalt  }
0x71: {  	_ =	shalt  }
0x72: {  	_ =	shalt  }
0x73: {  	_ =	shalt  }
0x74: {  	_ =	shalt  }
0x75: {  	_ =	shalt  }
0x76: {  	_ =	shalt  }
0x77: {  	_ =	shalt  }
0x78: {  	_ =	shalt  }
0x79: {  	_ =	shalt  }
0x7a: {  	_ =	shalt  }
0x7b: {  	_ =	shalt  }
0x7c: {  	_ =	shalt  }
0x7d: {  	_ =	shalt  }
0x7e: {  	_ =	shalt  }
0x7f: {  	_ =	shalt  }
0x80: {  	_ =	shalt  }
0x81: {  	_ =	shalt  }
0x82: {  	_ =	shalt  }
0x83: {  	_ =	shalt  }
0x84: {  	_ =	shalt  }
0x85: {  	_ =	shalt  }
0x86: {  	_ =	shalt  }
0x87: {  	_ =	shalt  }
.Lfunc_end0:
.L_simem_size_0:
called_computation.2_lowered:
.L_overlay_start_0:
0x88: {  	s2 =	sld [smem:$0x3FD9]  }
0x89: {  	s3 =	sld [smem:$0x3FFE];
	_ =	sdelay $0x1  }
0x8a: {  	s1 =	srdreg.scid  }
0x8b: {  	s0 =	sand.u32 $0x1, s1  }
0x8c: {  	s17 =	sshll.u32 s0, $0xA;
	s2 =	sadd.s32 s3, s2  }
0x8d: {  	s2 =	sadd.s32 s2, s17  }
0x8e: {  	[smem:$0x3FC0] =	sst s2  }
0x8f: {  	_ = 	snop  }
0x90: {  	s2 =	sld [smem:$0x3FD0];
	(tm) =	ssettm $0x1  }
0x91: {  	s18 =	sld [smem:$0x3FFB];
	_ =	sdelay $0x3  }
0x92: {  	_ =	strace s18  }
0x93: {  	s3 =	sld [smem:$0x3FFC];
	_ =	sdelay $0x3  }
0x94: {  	_ =	strace s3  }
0x95: {  	s3 =	sld [smem:$0x3FFD];
	_ =	sdelay $0x3  }
0x96: {  	_ =	strace s3  }
0x97: {  	_ =	strace $0x8FFFFFFF  }
0x98: {  	s19 =	sld [smem:$0x3FDB];
	_ =	sdelay $0x1  }
0x99: {  	s4 =	simm.s32 $_scs_section_size  }
0x9a: {  	s5 =	simm.s32 $_size__tile_overlayer_lowered;
	s6 =	simm.s32 $_tile_overlayer_lowered  }
0x9b: {  	s22 =	simm.s32 $0x1BFF;
	s21 =	sshll.u32 s6, $0x1;
	s3 =	sadd.s32 s4, s19  }
0x9c: {  	s7 =	simm.s32 $0x0;
	s20 =	sshll.u32 s5, $0x1;
	s5 =	sadd.s32 s21, s3  }
0x9d: {  	[timem:s7], [sflag:s22] =	dma.local [hbm:s5], s20  }
0x9e: {  	_ =	swait.ge [sflag:s22], s20  }
0x9f: {  	s4 =	ssub.s32 $0x0, s20;
	[sflag:s22] =	ssyncset.done $0x0  }
0xa0: {  	[sflag:s22] =	ssyncadd.s32 s4;
	_ =	sdelay $0x1  }
0xa1: {  	s23 =	simm.s32 $0x1B8B  }
0xa2: {  	_ =	swait.ge [sflag:s23], $0x1  }
0xa3: {  	[sflag:s23] =	ssyncset.done $0x0  }
0xa4: {  	s25 =	simm.s32 $0x1B8E;
	s24 =	sld [smem:$0x3FFE];
	[sflag:s23] =	ssyncadd.s32 $0xFFFFFFFF  }
0xa5: {  	s26 =	simm.s32 $execute0_lowered;
	[smem:$0x3FD2] =	sst s25  }
0xa6: {  	s5 =	sshll.u32 s26, $0x1;
	_ =	strace $0x8000004C;
	[dreg:$0x1] =	wrdreg $0xFFFFFFFF  }
0xa7: {  	s28 =	simm.s32 $_size_execute0_lowered;
	s3 =	sadd.s32 s3, s5;
	[dreg:$0x0] =	wrdreg $0x0  }
0xa8: {  	s5 =	sshll.u32 s28, $0x1;
	[dreg:$0x2] =	wrdreg s3  }
0xa9: {  	[dreg:$0x3] =	wrdreg s5  }
0xaa: {  	[dreg:$0x4] =	wrdreg $0xC0  }
0xab: {  	_ =	task [dreg:s7], $0x5FFFF  }
0xac: {  	[dreg:$0x1] =	wrdreg $0xFFFFFFFF  }
0xad: {  	[dreg:$0x0] =	wrdreg $0x60  }
0xae: {  	[dreg:$0x2] =	wrdreg s24  }
0xaf: {  	[dreg:$0x3] =	wrdreg s2  }
0xb0: {  	[dreg:$0x4] =	wrdreg $0xA8000  }
0xb1: {  	[dreg:$0x5] =	wrdreg $0x9  }
0xb2: {  	_ =	task.clear_ibuf [dreg:s7], $0x6FFFF;
	_ =	strace $0x9000004C  }
0xb3: {  	s29 =	simm.s32 $0x9;
	_ =	strace $0x8000004E  }
0xb4: {  	_ =	swait.ge [sflag:s29], $0x1  }
0xb5: {  	[sflag:s29] =	ssyncadd.s32 $0xFFFFFFFF  }
0xb6: {  	_ =	strace $0x9000004E  }
0xb7: {  	_ =	sfence  }
0xb8: {  	s30 =	sld [smem:$0x0];
	_ =	sdelay $0x2  }
0xb9: {  	s31 =	sshll.u32 s1, $0xD;
	s1 =	sshrl.u32 s1, $0x2  }
0xba: {  	s3 =	sand.u32 $0x4000, s31;
	s1 =	sadd.s32 s1, s30  }
0xbb: {  	s0 =	sor.u32 s3, s0;
	s1 =	sshll.u32 s1, $0x11  }
0xbc: {  	s0 =	sor.u32 s1, s0  }
0xbd: {  	s0 =	sadd.s32 $0x8F2B, s0  }
0xbe: {  	[sflag:s0] =	ssyncadd.remote.s32 $0x1  }
0xbf: {  	_ =	sfence.sel $0xFFFF  }
0xc0: {  	[dreg:$0x0] =	wrdreg $0xFFFFFFFF;
	(pc) =	sbr.abs _section_cstart, $3  }
0xc1: {  	[dreg:$0x1] =	wrdreg $0xFFFFFFFF  }
0xc2: {  	_ =	task.clear_ibuf [dreg:s7], $0x2FFFF;
	_ =	strace $0x9FFFFFFF  }
0xc3: {  	(tm) =	ssettm $0x7FFFFFFF  }
tec
execute0_lowered:
.L_overlay_start_1:
0x0: {  	(tag) =	ssettag $0x1  }
0x1: {  	s0 =	srdreg.scid  }
0x2: {  	s1 =	rddreg [dreg:$0x0];
	s9 =	stileid.u32  }
0x3: {  	s6 =	rddreg [dreg:$0x1];
	s28 =	simm.s32 $0x6800;
	s29 =	simm.s32 $0x2  }
0x4: {  	s30 =	simm.s32 $0x1380;
	s31 =	simm.s32 $0x2700;
	s5 =	smul.u32 $0x50000, s9  }
0x5: {  	s0 =	sand.u32 $0x1, s0;
	s4 =	sadd.s32 $0xCC00, s1;
	s15 =	smul.u32 $0x14000, s9  }
0x6: {  	s2 =	sshll.u32 s0, $0x4;
	s8 =	smul.u32 $0x140000, s0;
	s0 =	ssub.s32 $0x2, s0  }
0x7: {  	s3 =	sor.u32 s9, s2;
	s2 =	rddreg [dreg:$0x2];
	s10 =	sshrl.u32 s0, $0x1  }
0x8: {  	s5 =	sshrl.u32 s5, $0x2;
	s23 =	sadd.s32 $0x4000, s15;
	s16 =	sadd.s32 $0x8000, s15  }
0x9: {  	s18 =	sadd.s32 $0xC000, s15;
	s19 =	sadd.s32 $0x10000, s15;
	s7 =	smul.u32 $0x500, s3  }
0xa: {  	s3 =	simm.s32 $0x0;
	s11 =	sadd.s32 s8, s15;
	s0 =	ssub.s32 s0, s10  }
0xb: {  	s5 =	sadd.s32 s5, s2;
	s14 =	sadd.s32 s8, s23;
	s17 =	sadd.s32 s8, s16  }
0xc: {  	s24 =	sadd.s32 s8, s18;
	s8 =	sadd.s32 s8, s19;
	s26 =	sadd.s32 s19, s2  }
0xd: {  	s19 =	simm.s32 $0x3;
	[smem:$0x7FF] =	sst s3;
	s21 =	sshrl.u32 s11, $0x3  }
0xe: {  	s0 =	smax.u32 s0, $0x1;
	s10 =	sadd.s32 $0x4000, s5;
	s11 =	sadd.s32 $0x8000, s5  }
0xf: {  	s12 =	sadd.s32 $0xC000, s5;
	s13 =	sadd.s32 $0x10000, s5;
	s14 =	sshrl.u32 s14, $0x3  }
0x10: {  	s17 =	sshrl.u32 s17, $0x3;
	s25 =	sshrl.u32 s24, $0x3;
	s8 =	sshrl.u32 s8, $0x3  }
0x11: {  	s24 =	sadd.s32 s18, s2;
	s18 =	simm.s32 $0x2800;
	_ =	strace $0x8000004D  }
0x12: {  	s20 =	sadd.s32 s7, s1;
	s1 =	sadd.s32 $0x34C00, s1;
	s6 =	sadd.s32 s6, s7  }
0x13: {  	[dreg:$0x5] =	wrdreg s0;
	s0 =	sadd.s32 s23, s2;
	s23 =	sadd.s32 s16, s2  }
0x14: {  	s24 =	sshrl.u32 s24, $0x3;
	s7 =	sadd.s32 $0x2C00, s20;
	s22 =	sadd.s32 s1, s21  }
0x15: {  	s14 =	sadd.s32 s1, s14;
	s15 =	sadd.s32 s1, s17;
	s16 =	sadd.s32 s1, s25  }
0x16: {  	s17 =	sadd.s32 s1, s8;
	s20 =	simm.s32 $0x1400;
	s21 =	simm.s32 $0x80  }
0x17: {  	s23 =	sshrl.u32 s23, $0x3;
	s25 =	sshrl.u32 s26, $0x3;
	s26 =	simm.s32 $0x1  }
0x18: {  	v0 =	vimm.f32 $0.0e+00;
	s1 =	simm.s32 $0x2780;
	[dreg:$0x4] =	wrdreg s22;
	s22 =	sshrl.u32 s0, $0x3  }
.LBB2_1:
0x19: {  	s0 =	simm.s32 $0x0;
	s8 =	simm.s32 $0x200  }
.LBB2_2:
0x1a: {  	p0 =	sne.s32 s8, $0xFE00;
	[tilespmem:s0+$0x2870] =	vst v0  }
0x1b: {  	[tilespmem:s0+$0x2800] =	vst v0  }
0x1c: {  	[tilespmem:s0+$0x2810] =	vst v0  }
.Ltmp0:
0x1d: {  	[tilespmem:s0+$0x2820] =	vst v0;
	(pc) =	sbr.rel @p0 .LBB2_2-.Ltmp0, $4  }
0x1e: {  	[tilespmem:s0+$0x2830] =	vst v0  }
0x1f: {  	[tilespmem:s0+$0x2840] =	vst v0  }
0x20: {  	[tilespmem:s0+$0x2850] =	vst v0  }
0x21: {  	[tilespmem:s0+$0x2860] =	vst v0;
	s0 =	sshra.s32 s8, $0x2;
	s8 =	sadd.s32 $0x200, s8  }
0x22: {  	[tilespmem:s0+$0x2870] =	vst v0  }
0x23: {  	[tilespmem:s0+$0x2800] =	vst v0  }
0x24: {  	[tilespmem:s0+$0x2810] =	vst v0  }
0x25: {  	[tilespmem:s0+$0x2820] =	vst v0  }
0x26: {  	[tilespmem:s0+$0x2830] =	vst v0  }
0x27: {  	[tilespmem:s0+$0x2840] =	vst v0  }
0x28: {  	[tilespmem:s0+$0x2850] =	vst v0  }
0x29: {  	[tilespmem:s0+$0x2860] =	vst v0  }
0x2a: {  	[spmem:s5] =	stream.linear.scatter [tilespmem:s18], [sflag:$0x3], $0x4000, $0x38;
	[tilespmem:$0x1E800] =	vst v63  }
0x2b: {  	_ =	swait.ge [sflag:s19], $0x4000  }
0x2c: {  	[sflag:s19] =	ssyncset.done $0x0  }
0x2d: {  	[sflag:s19] =	ssyncadd.s32 $0xFFFFC000  }
0x2e: {  	[spmem:s10] =	stream.linear.scatter [tilespmem:s18], [sflag:$0x3], $0x4000, $0x38;
	[tilespmem:$0x1E800] =	vst v63  }
0x2f: {  	_ =	swait.ge [sflag:s19], $0x4000  }
0x30: {  	[sflag:s19] =	ssyncset.done $0x0  }
0x31: {  	[sflag:s19] =	ssyncadd.s32 $0xFFFFC000  }
0x32: {  	[spmem:s11] =	stream.linear.scatter [tilespmem:s18], [sflag:$0x3], $0x4000, $0x38;
	[tilespmem:$0x1E800] =	vst v63  }
0x33: {  	_ =	swait.ge [sflag:s19], $0x4000  }
0x34: {  	[sflag:s19] =	ssyncset.done $0x0  }
0x35: {  	[sflag:s19] =	ssyncadd.s32 $0xFFFFC000  }
0x36: {  	[spmem:s12] =	stream.linear.scatter [tilespmem:s18], [sflag:$0x3], $0x4000, $0x38;
	[tilespmem:$0x1E800] =	vst v63  }
0x37: {  	_ =	swait.ge [sflag:s19], $0x4000  }
0x38: {  	[sflag:s19] =	ssyncset.done $0x0  }
0x39: {  	[sflag:s19] =	ssyncadd.s32 $0xFFFFC000  }
0x3a: {  	[spmem:s13] =	stream.linear.scatter [tilespmem:s18], [sflag:$0x3], $0x4000, $0x38;
	[tilespmem:$0x1E800] =	vst v63  }
0x3b: {  	_ =	swait.ge [sflag:s19], $0x4000  }
0x3c: {  	[sflag:s19] =	ssyncset.done $0x0  }
0x3d: {  	[sflag:s19] =	ssyncadd.s32 $0xFFFFC000  }
0x3e: {  	s9 =	simm.s32 $0x0;
	[bflag:$0x0] =	sbarrier.arrive $0xFFFF  }
0x3f: {  	[tilespmem:s9], [sflag:$0x3] =	stream.linear.gather [hbm4b:s6+s9], $0x1400, $0x38;
	[tilespmem:$0x1E800] =	vst v63  }
0x40: {  	_ =	swait.ge [sflag:s19], $0x1400  }
0x41: {  	[sflag:s19] =	ssyncset.done $0x0  }
0x42: {  	[sflag:s19] =	ssyncadd.s32 $0xFFFFEC00  }
0x43: {  	[tilespmem:s20], [sflag:$0x3] =	stream.linear.gather [hbm4b:s7+s9], $0x1400, $0x38;
	[tilespmem:$0x1E800] =	vst v63  }
0x44: {  	_ =	swait.ge [sflag:s19], $0x1400  }
0x45: {  	[sflag:s19] =	ssyncset.done $0x0  }
0x46: {  	[sflag:s19] =	ssyncadd.s32 $0xFFFFEC00  }
0x47: {  	[tilespmem:s18], [sflag:$0x1] =	stream.indirect.gather [hbm4b:s4+s21], $0x80, s9, s21, $0xb8;
	[tilespmem:$0x1E800] =	vst v63  }
0x48: {  	_ =	swait.ge [sflag:s26], $0x4000  }
0x49: {  	[sflag:s26] =	ssyncset.done $0x0  }
0x4a: {  	s8 =	simm.s32 $0x80;
	[sflag:s26] =	ssyncadd.s32 $0xFFFFC000  }
0x4b: {  	[tilespmem:s28], [sflag:$0x2] =	stream.indirect.gather [hbm4b:s4+s21], $0x80, s8, s21, $0xb8;
	[tilespmem:$0x1E800] =	vst v63  }
0x4c: {  	s9 =	simm.s32 $0x1400  }
0x4d: {  	[spmem:s2] =	stream.indirect.scatter.add.f32 [tilespmem:s18], [sflag:$0x3], $0x80, s9, s21, $0xb8;
	[tilespmem:$0x1E800] =	vst v63  }
0x4e: {  	_ =	swait.ge [sflag:s19], $0x4000  }
0x4f: {  	[sflag:s19] =	ssyncset.done $0x0  }
0x50: {  	[sflag:s19] =	ssyncadd.s32 $0xFFFFC000  }
0x51: {  	_ =	swait.ge [sflag:s29], $0x4000  }
0x52: {  	[sflag:s29] =	ssyncset.done $0x0  }
0x53: {  	s8 =	simm.s32 $0x100;
	[sflag:s29] =	ssyncadd.s32 $0xFFFFC000  }
0x54: {  	[tilespmem:s18], [sflag:$0x1] =	stream.indirect.gather [hbm4b:s4+s21], $0x80, s8, s21, $0xb8;
	[tilespmem:$0x1E800] =	vst v63  }
0x55: {  	s9 =	simm.s32 $0x1480  }
0x56: {  	[spmem:s2] =	stream.indirect.scatter.add.f32 [tilespmem:s28], [sflag:$0x3], $0x80, s9, s21, $0xb8;
	[tilespmem:$0x1E800] =	vst v63  }
0x57: {  	_ =	swait.ge [sflag:s19], $0x4000  }
0x58: {  	s0 =	simm.s32 $0x400;
	[sflag:s19] =	ssyncset.done $0x0  }
.LBB2_4:
0x59: {  	p0 =	sne.s32 s0, $0x4800  }
0x5a: {  	[sflag:s19] =	ssyncadd.s32 $0xFFFFC000;
	s8 =	smov.u32 s0;
	s0 =	sadd.s32 $0x400, s0  }
0x5b: {  	_ = 	snop  }
0x5c: {  	_ =	swait.ge [sflag:s26], $0x4000  }
0x5d: {  	s8 =	sshra.s32 s8, $0x2;
	[sflag:s26] =	ssyncset.done $0x0  }
0x5e: {  	s9 =	sadd.s32 $0x80, s8;
	[sflag:s26] =	ssyncadd.s32 $0xFFFFC000  }
0x5f: {  	[tilespmem:s28], [sflag:$0x2] =	stream.indirect.gather [hbm4b:s4+s21], $0x80, s9, s21, $0xb8;
	[tilespmem:$0x1E800] =	vst v63  }
0x60: {  	s9 =	sadd.s32 $0x1400, s8  }
0x61: {  	[spmem:s2] =	stream.indirect.scatter.add.f32 [tilespmem:s18], [sflag:$0x3], $0x80, s9, s21, $0xb8;
	[tilespmem:$0x1E800] =	vst v63  }
0x62: {  	_ =	swait.ge [sflag:s19], $0x4000  }
0x63: {  	[sflag:s19] =	ssyncset.done $0x0  }
0x64: {  	[sflag:s19] =	ssyncadd.s32 $0xFFFFC000  }
0x65: {  	_ =	swait.ge [sflag:s29], $0x4000  }
0x66: {  	[sflag:s29] =	ssyncset.done $0x0  }
0x67: {  	s9 =	sadd.s32 $0x100, s8;
	[sflag:s29] =	ssyncadd.s32 $0xFFFFC000  }
0x68: {  	[tilespmem:s18], [sflag:$0x1] =	stream.indirect.gather [hbm4b:s4+s21], $0x80, s9, s21, $0xb8;
	[tilespmem:$0x1E800] =	vst v63  }
.Ltmp1:
0x69: {  	_ = 	snop;
	(pc) =	sbr.rel @p0 .LBB2_4-.Ltmp1, $4  }
0x6a: {  	s8 =	sadd.s32 $0x1480, s8  }
0x6b: {  	[spmem:s2] =	stream.indirect.scatter.add.f32 [tilespmem:s28], [sflag:$0x3], $0x80, s8, s21, $0xb8;
	[tilespmem:$0x1E800] =	vst v63  }
0x6c: {  	_ =	swait.ge [sflag:s19], $0x4000  }
0x6d: {  	[sflag:s19] =	ssyncset.done $0x0  }
0x6e: {  	[sflag:s19] =	ssyncadd.s32 $0xFFFFC000  }
0x6f: {  	_ =	swait.ge [sflag:s26], $0x4000  }
0x70: {  	[sflag:s26] =	ssyncset.done $0x0  }
0x71: {  	[sflag:s26] =	ssyncadd.s32 $0xFFFFC000  }
0x72: {  	[tilespmem:s28], [sflag:$0x2] =	stream.indirect.gather [hbm4b:s4+s21], $0x80, s30, s21, $0xb8;
	[tilespmem:$0x1E800] =	vst v63  }
0x73: {  	_ = 	snop  }
0x74: {  	[spmem:s2] =	stream.indirect.scatter.add.f32 [tilespmem:s18], [sflag:$0x3], $0x80, s31, s21, $0xb8;
	[tilespmem:$0x1E800] =	vst v63  }
0x75: {  	_ =	swait.ge [sflag:s19], $0x4000  }
0x76: {  	[sflag:s19] =	ssyncset.done $0x0  }
0x77: {  	[sflag:s19] =	ssyncadd.s32 $0xFFFFC000  }
0x78: {  	_ =	swait.ge [sflag:s29], $0x4000  }
0x79: {  	[sflag:s29] =	ssyncset.done $0x0  }
0x7a: {  	[sflag:s29] =	ssyncadd.s32 $0xFFFFC000  }
0x7b: {  	[spmem:s2] =	stream.indirect.scatter.add.f32 [tilespmem:s28], [sflag:$0x3], $0x80, s1, s21, $0xb8;
	[tilespmem:$0x1E800] =	vst v63  }
0x7c: {  	_ =	swait.ge [sflag:s19], $0x4000  }
0x7d: {  	[sflag:s19] =	ssyncset.done $0x0  }
0x7e: {  	s0 =	sadd.s32 $0x280, s6;
	s8 =	simm.s32 $0x0;
	[sflag:s19] =	ssyncadd.s32 $0xFFFFC000  }
0x7f: {  	[tilespmem:s8], [sflag:$0x3] =	stream.linear.gather [hbm4b:s0+s8], $0x1400, $0x38;
	[tilespmem:$0x1E800] =	vst v63  }
0x80: {  	_ =	swait.ge [sflag:s19], $0x1400  }
0x81: {  	[sflag:s19] =	ssyncset.done $0x0  }
0x82: {  	s9 =	sadd.s32 $0x280, s7;
	[sflag:s19] =	ssyncadd.s32 $0xFFFFEC00  }
0x83: {  	[tilespmem:s20], [sflag:$0x3] =	stream.linear.gather [hbm4b:s9+s8], $0x1400, $0x38;
	[tilespmem:$0x1E800] =	vst v63  }
0x84: {  	_ =	swait.ge [sflag:s19], $0x1400  }
0x85: {  	[sflag:s19] =	ssyncset.done $0x0  }
0x86: {  	[sflag:s19] =	ssyncadd.s32 $0xFFFFEC00  }
0x87: {  	[tilespmem:s18], [sflag:$0x1] =	stream.indirect.gather [hbm4b:s4+s21], $0x80, s8, s21, $0xb8;
	[tilespmem:$0x1E800] =	vst v63  }
0x88: {  	_ =	swait.ge [sflag:s26], $0x4000  }
0x89: {  	[sflag:s26] =	ssyncset.done $0x0  }
0x8a: {  	s8 =	simm.s32 $0x80;
	[sflag:s26] =	ssyncadd.s32 $0xFFFFC000  }
0x8b: {  	[tilespmem:s28], [sflag:$0x2] =	stream.indirect.gather [hbm4b:s4+s21], $0x80, s8, s21, $0xb8;
	[tilespmem:$0x1E800] =	vst v63  }
0x8c: {  	s9 =	simm.s32 $0x1400  }
0x8d: {  	[spmem:s2] =	stream.indirect.scatter.add.f32 [tilespmem:s18], [sflag:$0x3], $0x80, s9, s21, $0xb8;
	[tilespmem:$0x1E800] =	vst v63  }
0x8e: {  	_ =	swait.ge [sflag:s19], $0x4000  }
0x8f: {  	[sflag:s19] =	ssyncset.done $0x0  }
0x90: {  	[sflag:s19] =	ssyncadd.s32 $0xFFFFC000  }
0x91: {  	_ =	swait.ge [sflag:s29], $0x4000  }
0x92: {  	[sflag:s29] =	ssyncset.done $0x0  }
0x93: {  	s8 =	simm.s32 $0x100;
	[sflag:s29] =	ssyncadd.s32 $0xFFFFC000  }
0x94: {  	[tilespmem:s18], [sflag:$0x1] =	stream.indirect.gather [hbm4b:s4+s21], $0x80, s8, s21, $0xb8;
	[tilespmem:$0x1E800] =	vst v63  }
0x95: {  	s9 =	simm.s32 $0x1480  }
0x96: {  	[spmem:s2] =	stream.indirect.scatter.add.f32 [tilespmem:s28], [sflag:$0x3], $0x80, s9, s21, $0xb8;
	[tilespmem:$0x1E800] =	vst v63  }
0x97: {  	_ =	swait.ge [sflag:s19], $0x4000  }
0x98: {  	s0 =	simm.s32 $0x400;
	[sflag:s19] =	ssyncset.done $0x0  }
.LBB2_6:
0x99: {  	p0 =	sne.s32 s0, $0x4800  }
0x9a: {  	[sflag:s19] =	ssyncadd.s32 $0xFFFFC000;
	s8 =	smov.u32 s0;
	s0 =	sadd.s32 $0x400, s0  }
0x9b: {  	_ = 	snop  }
0x9c: {  	_ =	swait.ge [sflag:s26], $0x4000  }
0x9d: {  	s8 =	sshra.s32 s8, $0x2;
	[sflag:s26] =	ssyncset.done $0x0  }
0x9e: {  	s9 =	sadd.s32 $0x80, s8;
	[sflag:s26] =	ssyncadd.s32 $0xFFFFC000  }
0x9f: {  	[tilespmem:s28], [sflag:$0x2] =	stream.indirect.gather [hbm4b:s4+s21], $0x80, s9, s21, $0xb8;
	[tilespmem:$0x1E800] =	vst v63  }
0xa0: {  	s9 =	sadd.s32 $0x1400, s8  }
0xa1: {  	[spmem:s2] =	stream.indirect.scatter.add.f32 [tilespmem:s18], [sflag:$0x3], $0x80, s9, s21, $0xb8;
	[tilespmem:$0x1E800] =	vst v63  }
0xa2: {  	_ =	swait.ge [sflag:s19], $0x4000  }
0xa3: {  	[sflag:s19] =	ssyncset.done $0x0  }
0xa4: {  	[sflag:s19] =	ssyncadd.s32 $0xFFFFC000  }
0xa5: {  	_ =	swait.ge [sflag:s29], $0x4000  }
0xa6: {  	[sflag:s29] =	ssyncset.done $0x0  }
0xa7: {  	s9 =	sadd.s32 $0x100, s8;
	[sflag:s29] =	ssyncadd.s32 $0xFFFFC000  }
0xa8: {  	[tilespmem:s18], [sflag:$0x1] =	stream.indirect.gather [hbm4b:s4+s21], $0x80, s9, s21, $0xb8;
	[tilespmem:$0x1E800] =	vst v63  }
.Ltmp2:
0xa9: {  	_ = 	snop;
	(pc) =	sbr.rel @p0 .LBB2_6-.Ltmp2, $4  }
0xaa: {  	s8 =	sadd.s32 $0x1480, s8  }
0xab: {  	[spmem:s2] =	stream.indirect.scatter.add.f32 [tilespmem:s28], [sflag:$0x3], $0x80, s8, s21, $0xb8;
	[tilespmem:$0x1E800] =	vst v63  }
0xac: {  	_ =	swait.ge [sflag:s19], $0x4000  }
0xad: {  	[sflag:s19] =	ssyncset.done $0x0  }
0xae: {  	[sflag:s19] =	ssyncadd.s32 $0xFFFFC000  }
0xaf: {  	_ =	swait.ge [sflag:s26], $0x4000  }
0xb0: {  	[sflag:s26] =	ssyncset.done $0x0  }
0xb1: {  	[sflag:s26] =	ssyncadd.s32 $0xFFFFC000  }
0xb2: {  	[tilespmem:s28], [sflag:$0x2] =	stream.indirect.gather [hbm4b:s4+s21], $0x80, s30, s21, $0xb8;
	[tilespmem:$0x1E800] =	vst v63  }
0xb3: {  	_ = 	snop  }
0xb4: {  	[spmem:s2] =	stream.indirect.scatter.add.f32 [tilespmem:s18], [sflag:$0x3], $0x80, s31, s21, $0xb8;
	[tilespmem:$0x1E800] =	vst v63  }
0xb5: {  	_ =	swait.ge [sflag:s19], $0x4000  }
0xb6: {  	[sflag:s19] =	ssyncset.done $0x0  }
0xb7: {  	[sflag:s19] =	ssyncadd.s32 $0xFFFFC000  }
0xb8: {  	_ =	swait.ge [sflag:s29], $0x4000  }
0xb9: {  	[sflag:s29] =	ssyncset.done $0x0  }
0xba: {  	[sflag:s29] =	ssyncadd.s32 $0xFFFFC000  }
0xbb: {  	[spmem:s2] =	stream.indirect.scatter.add.f32 [tilespmem:s28], [sflag:$0x3], $0x80, s1, s21, $0xb8;
	[tilespmem:$0x1E800] =	vst v63  }
0xbc: {  	_ =	swait.ge [sflag:s19], $0x4000  }
0xbd: {  	[sflag:s19] =	ssyncset.done $0x0  }
0xbe: {  	s0 =	stileid.u32;
	[sflag:s19] =	ssyncadd.s32 $0xFFFFC000  }
0xbf: {  	s0 =	sshll.u32 s0, $0x6;
	[bflag:$0x0] =	sbarrier.arrive $0xFFFF  }
0xc0: {  	s8 =	sshrl.u32 s5, $0x3;
	s0 =	sor.u32 $0x1C03, s0;
	s9 =	rddreg [dreg:$0x4]  }
0xc1: {  	[hbm:s9], [sflag:s0] =	dma.local [spmem:s8], $0x800  }
0xc2: {  	_ =	swait.ge [sflag:s19], $0x800  }
0xc3: {  	[sflag:s19] =	ssyncset.done $0x0  }
0xc4: {  	[sflag:s19] =	ssyncadd.s32 $0xFFFFF800  }
0xc5: {  	[hbm:s14], [sflag:s0] =	dma.local [spmem:s22], $0x800  }
0xc6: {  	_ =	swait.ge [sflag:s19], $0x800  }
0xc7: {  	[sflag:s19] =	ssyncset.done $0x0  }
0xc8: {  	[sflag:s19] =	ssyncadd.s32 $0xFFFFF800  }
0xc9: {  	[hbm:s15], [sflag:s0] =	dma.local [spmem:s23], $0x800  }
0xca: {  	_ =	swait.ge [sflag:s19], $0x800  }
0xcb: {  	[sflag:s19] =	ssyncset.done $0x0  }
0xcc: {  	[sflag:s19] =	ssyncadd.s32 $0xFFFFF800  }
0xcd: {  	[hbm:s16], [sflag:s0] =	dma.local [spmem:s24], $0x800  }
0xce: {  	_ =	swait.ge [sflag:s19], $0x800  }
0xcf: {  	[sflag:s19] =	ssyncset.done $0x0  }
0xd0: {  	[sflag:s19] =	ssyncadd.s32 $0xFFFFF800  }
0xd1: {  	[hbm:s17], [sflag:s0] =	dma.local [spmem:s25], $0x800  }
0xd2: {  	_ =	swait.ge [sflag:s19], $0x800  }
0xd3: {  	s3 =	sadd.s32 $0x1, s3;
	s9 =	rddreg [dreg:$0x5]  }
0xd4: {  	p0 =	sne.s32 s3, s9  }
.Ltmp3:
0xd5: {  	_ = 	snop;
	(pc) =	sbr.rel @p0 .LBB2_1-.Ltmp3, $3  }
0xd6: {  	_ =	sdelay $0x1  }
0xd7: {  	[sflag:s19] =	ssyncset.done $0x0  }
0xd8: {  	[sflag:s19] =	ssyncadd.s32 $0xFFFFF800  }
0xd9: {  	_ =	sfence.sel $0x180000  }
0xda: {  	[bflag:$0x0] =	sbarrier.arrive $0xFFFF  }
0xdb: {  	_ =	strace $0x9000004D  }
0xdc: {  	s0 =	stileid.u32;
	[bflag:$0x2] =	sbarrier.arrive $0xFFFF  }
0xdd: {  	p0 =	sne.s32 s0, $0x0;
	s0 =	rddreg [dreg:$0x3]  }
0xde: {  	s0 =	sadd.s32 @!p0 $0x100000, s0  }
0xdf: {  	[sflag:s0] =	ssyncadd.tile.s32 @!p0 $0x1;
	_ =	shalt  }
.Lfunc_end2:
_tile_overlayer_lowered:
.L_overlay_start_2:
0xe0: {  	(tag) =	ssettag $0x2  }
0xe1: {  	s0 =	rddreg [dreg:$0x0];
	s2 =	stileid.u32  }
0xe2: {  	s1 =	rddreg [dreg:$0x1];
	p0 =	sne.s32 s2, $0x0  }
0xe3: {  	s3 =	rddreg [dreg:$0x2];
	[bflag:$0x3] =	sbarrier.arrive $0xFFFF;
	s2 =	simm.s32 @!p0 $0x1C03  }
0xe4: {  	[timem:s3], [sflag:s2] =	dma.local @!p0 [hbm:s0], s1  }
0xe5: {  	s0 =	simm.s32 @!p0 $0x3  }
0xe6: {  	_ =	swait.ge @!p0 [sflag:s0], s1  }
0xe7: {  	s1 =	ssub.s32 @!p0 $0x0, s1;
	[sflag:s0] =	ssyncset.done @!p0 $0x0  }
0xe8: {  	[sflag:s0] =	ssyncadd.s32 @!p0 s1  }
0xe9: {  	[bflag:$0x3] =	sbarrier.arrive $0xFFFF  }
0xea: {  	_ =	shalt  }

// kernel: kernel.9.cloned.1.call-start
scs
__scs_entry_jumppad:
0x0: {  	(pc) =	sbr.rel $0x88, $3  }
0x1: {  	(tag) =	ssettag $0x0;
	lr =	simm.s32 $0x1  }
0x2: {  	[smem:$0x3F99] =	sst lr;
	_ =	strace $0xD0000000  }
0x3: {  	_ = 	snop  }
0x4: {  	_ = 	snop  }
0x5: {  	_ = 	snop  }
0x6: {  	_ = 	snop  }
0x7: {  	_ = 	snop  }
__scs_overlays_trampoline_lowered:
0x8: {  	[smem:$0x3FA8] =	sst s0  }
0x9: {  	[smem:$0x3FA9] =	sst s1  }
0xa: {  	[smem:$0x3FAA] =	sst s2  }
0xb: {  	[smem:$0x3FAB] =	sst s3  }
0xc: {  	[smem:$0x3FAC] =	sst s4  }
0xd: {  	[smem:$0x3FAD] =	sst s5  }
0xe: {  	[smem:$0x3FAE] =	sst s6  }
0xf: {  	[smem:$0x3FAF] =	sst s7  }
0x10: {  	[smem:$0x3FB0] =	sst s8  }
0x11: {  	[smem:$0x3FB1] =	sst s9;
	s0 =	simm.s32 @!p0 $0x0  }
0x12: {  	s1 =	sld [smem:$0x3F97];
	s0 =	simm.s32 @p0 $0x1  }
0x13: {  	[smem:$0x3FB2] =	sst s0;
	s0 =	simm.s32 @!p1 $0x0  }
0x14: {  	s2 =	sld [smem:$0x3F96];
	s0 =	simm.s32 @p1 $0x1  }
0x15: {  	[smem:$0x3FB3] =	sst s0;
	s0 =	simm.s32 @!p2 $0x0  }
0x16: {  	s3 =	sld [smem:$0x3FDB];
	s0 =	simm.s32 @p2 $0x1  }
0x17: {  	s4 =	simm.s32 $0x1BF5;
	[smem:$0x3FB5] =	sst s0  }
0x18: {  	s0 =	sld [smem:$0x3F98];
	_ =	swait.ge [sflag:s4], $0x0  }
0x19: {  	s7 =	sld [smem:$0x3F99]  }
0x1a: {  	s8 =	sadd.s32 $0xFFFFE003, lr  }
0x1b: {  	s9 =	sadd.s32 $0xFFFFFEF7, lr;
	s5 =	simm.s32 $0xFFFFFFFF;
	p2 =	slt.u32 s8, $0xFFFFF086  }
0x1c: {  	p1 =	slt.u32 s9, $0xF7A;
	s5 =	simm.s32 @!p2 $0x0  }
0x1d: {  	s5 =	simm.s32 @p1 $0x1;
	p0 =	seq.s32 s7, s2  }
0x1e: {  	s7 =	smul.u32 @!p0 $0xF7A, s2;
	p2 =	seq.s32 @!p0 s5, $0x0  }
0x1f: {  	s9 =	smul.u32 $0xF7A, s1;
	s8 =	simm.s32 @!p0 $0x1BF5;
	p2 =	por !p2, p0  }
0x20: {  	[sflag:s8] =	ssyncset.s32 @!p0 $0xFFFFF086;
	s6 =	sadd.s32 @!p0 s3, s7;
	s7 =	simm.s32 @!p0 $0x108  }
0x21: {  	s3 =	sadd.s32 s3, s9;
	s6 =	sadd.s32 @!p0 $0x88, s6;
	s7 =	simm.s32 @p2 $0x1082  }
0x22: {  	[simem:s7], [sflag:s8] =	dma.local @!p0 [hbm:s6], $0xF7A  }
0x23: {  	s9 =	sor.u32 $0xD0000000, s2;
	s6 =	simm.s32 $0x108;
	_ =	swait.ge @!p0 [sflag:s8], $0x0  }
0x24: {  	s3 =	sadd.s32 $0x88, s3;
	s6 =	simm.s32 @!p1 $0x1082;
	[sflag:s4] =	ssyncset.s32 $0xFFFFF086  }
0x25: {  	[simem:s6], [sflag:s4] =	dma.local [hbm:s3], $0xF7A  }
0x26: {  	[smem:$0x3F99] =	sst s1;
	(tag) =	ssettag s2;
	_ =	strace s9  }
0x27: {  	s1 =	sld [smem:$0x3FA9]  }
0x28: {  	s2 =	sld [smem:$0x3FAA]  }
0x29: {  	s4 =	sld [smem:$0x3FAC]  }
0x2a: {  	p0 =	seq.s32 s5, $0x0;
	s5 =	sld [smem:$0x3FAD]  }
0x2b: {  	s6 =	sld [smem:$0x3FAE]  }
0x2c: {  	s7 =	sld [smem:$0x3FAF]  }
0x2d: {  	s3 =	simm.s32 $0x108;
	s8 =	sld [smem:$0x3FB0]  }
0x2e: {  	s3 =	simm.s32 @!p0 $0x1082;
	s9 =	sld [smem:$0x3FB1]  }
0x2f: {  	lr =	sadd.s32 s0, s3;
	s0 =	sld [smem:$0x3FA8]  }
0x30: {  	s3 =	sld [smem:$0x3FAB]  }
0x31: {  	[smem:$0x3FB4] =	sst s10  }
0x32: {  	s10 =	sld [smem:$0x3FB2];
	_ =	sdelay $0x3  }
0x33: {  	p0 =	seq.s32 s10, $0x1;
	s10 =	sld [smem:$0x3FB4];
	_ =	sdelay $0x3  }
0x34: {  	[smem:$0x3FB4] =	sst s10  }
0x35: {  	s10 =	sld [smem:$0x3FB3];
	_ =	sdelay $0x3  }
0x36: {  	p1 =	seq.s32 s10, $0x1;
	s10 =	sld [smem:$0x3FB4];
	_ =	sdelay $0x3  }
0x37: {  	[smem:$0x3FB4] =	sst s10  }
0x38: {  	s10 =	sld [smem:$0x3FB5]  }
0x39: {  	_ = 	snop;
	(pc) =	sbr.ind lr, $3  }
0x3a: {  	_ = 	snop  }
0x3b: {  	_ = 	snop  }
0x3c: {  	p2 =	seq.s32 s10, $0x1;
	s10 =	sld [smem:$0x3FB4]  }
0x3d: {  	_ =	shalt  }
0x3e: {  	_ =	shalt  }
0x3f: {  	_ =	shalt  }
0x40: {  	_ =	shalt  }
0x41: {  	_ =	shalt  }
0x42: {  	_ =	shalt  }
0x43: {  	_ =	shalt  }
0x44: {  	_ =	shalt  }
0x45: {  	_ =	shalt  }
0x46: {  	_ =	shalt  }
0x47: {  	_ =	shalt  }
0x48: {  	_ =	shalt  }
0x49: {  	_ =	shalt  }
0x4a: {  	_ =	shalt  }
0x4b: {  	_ =	shalt  }
0x4c: {  	_ =	shalt  }
0x4d: {  	_ =	shalt  }
0x4e: {  	_ =	shalt  }
0x4f: {  	_ =	shalt  }
0x50: {  	_ =	shalt  }
0x51: {  	_ =	shalt  }
0x52: {  	_ =	shalt  }
0x53: {  	_ =	shalt  }
0x54: {  	_ =	shalt  }
0x55: {  	_ =	shalt  }
0x56: {  	_ =	shalt  }
0x57: {  	_ =	shalt  }
0x58: {  	_ =	shalt  }
0x59: {  	_ =	shalt  }
0x5a: {  	_ =	shalt  }
0x5b: {  	_ =	shalt  }
0x5c: {  	_ =	shalt  }
0x5d: {  	_ =	shalt  }
0x5e: {  	_ =	shalt  }
0x5f: {  	_ =	shalt  }
0x60: {  	_ =	shalt  }
0x61: {  	_ =	shalt  }
0x62: {  	_ =	shalt  }
0x63: {  	_ =	shalt  }
0x64: {  	_ =	shalt  }
0x65: {  	_ =	shalt  }
0x66: {  	_ =	shalt  }
0x67: {  	_ =	shalt  }
0x68: {  	_ =	shalt  }
0x69: {  	_ =	shalt  }
0x6a: {  	_ =	shalt  }
0x6b: {  	_ =	shalt  }
0x6c: {  	_ =	shalt  }
0x6d: {  	_ =	shalt  }
0x6e: {  	_ =	shalt  }
0x6f: {  	_ =	shalt  }
0x70: {  	_ =	shalt  }
0x71: {  	_ =	shalt  }
0x72: {  	_ =	shalt  }
0x73: {  	_ =	shalt  }
0x74: {  	_ =	shalt  }
0x75: {  	_ =	shalt  }
0x76: {  	_ =	shalt  }
0x77: {  	_ =	shalt  }
0x78: {  	_ =	shalt  }
0x79: {  	_ =	shalt  }
0x7a: {  	_ =	shalt  }
0x7b: {  	_ =	shalt  }
0x7c: {  	_ =	shalt  }
0x7d: {  	_ =	shalt  }
0x7e: {  	_ =	shalt  }
0x7f: {  	_ =	shalt  }
0x80: {  	_ =	shalt  }
0x81: {  	_ =	shalt  }
0x82: {  	_ =	shalt  }
0x83: {  	_ =	shalt  }
0x84: {  	_ =	shalt  }
0x85: {  	_ =	shalt  }
0x86: {  	_ =	shalt  }
0x87: {  	_ =	shalt  }
.Lfunc_end0:
.L_simem_size_0:
called_computation_lowered:
.L_overlay_start_0:
0x88: {  	s2 =	sld [smem:$0x3FD9]  }
0x89: {  	s3 =	sld [smem:$0x3FFE];
	_ =	sdelay $0x1  }
0x8a: {  	s1 =	srdreg.scid  }
0x8b: {  	s0 =	sand.u32 $0x1, s1  }
0x8c: {  	s16 =	sshll.u32 s0, $0xA;
	s2 =	sadd.s32 s3, s2  }
0x8d: {  	s2 =	sadd.s32 s2, s16  }
0x8e: {  	[smem:$0x3FC0] =	sst s2  }
0x8f: {  	_ = 	snop  }
0x90: {  	(tm) =	ssettm $0x1  }
0x91: {  	s17 =	sld [smem:$0x3FFB];
	_ =	sdelay $0x3  }
0x92: {  	_ =	strace s17  }
0x93: {  	s2 =	sld [smem:$0x3FFC];
	_ =	sdelay $0x3  }
0x94: {  	_ =	strace s2  }
0x95: {  	s2 =	sld [smem:$0x3FFD];
	_ =	sdelay $0x3  }
0x96: {  	_ =	strace s2  }
0x97: {  	_ =	strace $0x8FFFFFFF  }
0x98: {  	s18 =	sld [smem:$0x3FDB];
	_ =	sdelay $0x1  }
0x99: {  	s19 =	simm.s32 $_scs_section_size  }
0x9a: {  	s4 =	simm.s32 $_size__tile_overlayer_lowered;
	s5 =	simm.s32 $_tile_overlayer_lowered  }
0x9b: {  	s22 =	simm.s32 $0x1BFF;
	s21 =	sshll.u32 s5, $0x1;
	s2 =	sadd.s32 s19, s18  }
0x9c: {  	s6 =	simm.s32 $0x0;
	s20 =	sshll.u32 s4, $0x1;
	s4 =	sadd.s32 s21, s2  }
0x9d: {  	[timem:s6], [sflag:s22] =	dma.local [hbm:s4], s20  }
0x9e: {  	_ =	swait.ge [sflag:s22], s20  }
0x9f: {  	s3 =	ssub.s32 $0x0, s20;
	[sflag:s22] =	ssyncset.done $0x0  }
0xa0: {  	[sflag:s22] =	ssyncadd.s32 s3;
	_ =	sdelay $0x1  }
0xa1: {  	s23 =	simm.s32 $0x1B8B  }
0xa2: {  	_ =	swait.ge [sflag:s23], $0x1  }
0xa3: {  	[sflag:s23] =	ssyncset.done $0x0  }
0xa4: {  	s25 =	simm.s32 $0x1B8E;
	s24 =	sld [smem:$0x3FFE];
	[sflag:s23] =	ssyncadd.s32 $0xFFFFFFFF  }
0xa5: {  	s26 =	simm.s32 $execute0_lowered;
	[smem:$0x3FD2] =	sst s25  }
0xa6: {  	s4 =	sshll.u32 s26, $0x1;
	_ =	strace $0x80000046;
	[dreg:$0x1] =	wrdreg $0xFFFFFFFF  }
0xa7: {  	s28 =	simm.s32 $_size_execute0_lowered;
	s2 =	sadd.s32 s2, s4;
	[dreg:$0x0] =	wrdreg $0x0  }
0xa8: {  	s4 =	sshll.u32 s28, $0x1;
	[dreg:$0x2] =	wrdreg s2  }
0xa9: {  	[dreg:$0x3] =	wrdreg s4  }
0xaa: {  	[dreg:$0x4] =	wrdreg $0xC0  }
0xab: {  	_ =	task [dreg:s6], $0x5FFFF  }
0xac: {  	[dreg:$0x1] =	wrdreg $0xFFFFFFFF  }
0xad: {  	[dreg:$0x0] =	wrdreg $0x60  }
0xae: {  	[dreg:$0x2] =	wrdreg s24  }
0xaf: {  	[dreg:$0x3] =	wrdreg $0xA8000  }
0xb0: {  	[dreg:$0x4] =	wrdreg $0x9  }
0xb1: {  	_ =	task.clear_ibuf [dreg:s6], $0x5FFFF;
	_ =	strace $0x90000046  }
0xb2: {  	s29 =	simm.s32 $0x9;
	_ =	strace $0x80000048  }
0xb3: {  	_ =	swait.ge [sflag:s29], $0x1  }
0xb4: {  	[sflag:s29] =	ssyncadd.s32 $0xFFFFFFFF  }
0xb5: {  	_ =	strace $0x90000048  }
0xb6: {  	_ =	sfence  }
0xb7: {  	s30 =	sld [smem:$0x0];
	_ =	sdelay $0x2  }
0xb8: {  	s31 =	sshll.u32 s1, $0xD;
	s1 =	sshrl.u32 s1, $0x2  }
0xb9: {  	s3 =	sand.u32 $0x4000, s31;
	s1 =	sadd.s32 s1, s30  }
0xba: {  	s0 =	sor.u32 s3, s0;
	s1 =	sshll.u32 s1, $0x11  }
0xbb: {  	s0 =	sor.u32 s1, s0  }
0xbc: {  	s0 =	sadd.s32 $0x8F2B, s0  }
0xbd: {  	[sflag:s0] =	ssyncadd.remote.s32 $0x1  }
0xbe: {  	_ =	sfence.sel $0xFFFF  }
0xbf: {  	[dreg:$0x0] =	wrdreg $0xFFFFFFFF;
	(pc) =	sbr.abs _section_cstart, $3  }
0xc0: {  	[dreg:$0x1] =	wrdreg $0xFFFFFFFF  }
0xc1: {  	_ =	task.clear_ibuf [dreg:s6], $0x2FFFF;
	_ =	strace $0x9FFFFFFF  }
0xc2: {  	(tm) =	ssettm $0x7FFFFFFF  }
0xc3: {  	_ =	shalt  }
tec
execute0_lowered:
.L_overlay_start_1:
0x0: {  	(tag) =	ssettag $0x1  }
0x1: {  	s5 =	rddreg [dreg:$0x0]  }
0x2: {  	s0 =	srdreg.scid;
	s2 =	rddreg [dreg:$0x1]  }
0x3: {  	s3 =	simm.s32 $0x0;
	s4 =	sand.u32 $0x1, s0;
	s0 =	stileid.u32  }
0x4: {  	[smem:$0x7FF] =	sst s3;
	s15 =	sadd.s32 $0xCC00, s5;
	s14 =	smul.u32 $0x140000, s4  }
0x5: {  	s1 =	sshll.u32 s4, $0x4;
	s4 =	ssub.s32 $0x2, s4;
	s13 =	smul.u32 $0x14000, s0  }
0x6: {  	s8 =	smul.u32 $0x50000, s0;
	s6 =	sor.u32 s0, s1;
	s1 =	rddreg [dreg:$0x2]  }
0x7: {  	_ =	strace $0x80000047;
	s7 =	sshrl.u32 s4, $0x1;
	s6 =	smul.u32 $0x500, s6  }
0x8: {  	s7 =	ssub.s32 s4, s7;
	s24 =	sadd.s32 s14, s13;
	s25 =	sshrl.u32 s8, $0x2  }
0x9: {  	s16 =	sadd.s32 $0x4000, s13;
	s17 =	sadd.s32 $0x8000, s13;
	s18 =	sadd.s32 $0xC000, s13  }
0xa: {  	s21 =	sadd.s32 $0x10000, s13;
	s26 =	sshrl.u32 s24, $0x3;
	s7 =	smax.u32 s7, $0x1  }
0xb: {  	s11 =	sadd.s32 s14, s16;
	s20 =	sadd.s32 s16, s2;
	s28 =	sadd.s32 s14, s17  }
0xc: {  	s19 =	sadd.s32 s14, s18;
	s30 =	sadd.s32 s14, s21;
	s22 =	sadd.s32 s17, s2  }
0xd: {  	s23 =	sadd.s32 s18, s2;
	s24 =	sadd.s32 s21, s2;
	s17 =	simm.s32 $0x6800  }
0xe: {  	s18 =	simm.s32 $0x80;
	s6 =	sadd.s32 s6, s5;
	s5 =	sadd.s32 s25, s2  }
0xf: {  	s12 =	sshrl.u32 s11, $0x3;
	s16 =	sshrl.u32 s28, $0x3;
	s29 =	sshrl.u32 s19, $0x3  }
0x10: {  	s31 =	sshrl.u32 s30, $0x3;
	s19 =	simm.s32 $0x2800;
	s20 =	sshrl.u32 s20, $0x3  }
0x11: {  	s21 =	sshrl.u32 s22, $0x3;
	s22 =	sshrl.u32 s23, $0x3;
	s23 =	sshrl.u32 s24, $0x3  }
0x12: {  	s24 =	simm.s32 $0x0;
	s4 =	sadd.s32 $0x2C00, s6;
	s6 =	sadd.s32 s15, s26  }
0x13: {  	s8 =	sadd.s32 $0x4000, s5;
	s9 =	sadd.s32 $0x8000, s5;
	s10 =	sadd.s32 $0xC000, s5  }
0x14: {  	s11 =	sadd.s32 $0x10000, s5;
	s12 =	sadd.s32 s15, s12;
	s13 =	sadd.s32 s15, s16  }
0x15: {  	v0 =	vimm.f32 $1.000000000e+00;
	v1 =	vimm.f32 $0.0e+00;
	s14 =	sadd.s32 s15, s29;
	s15 =	sadd.s32 s15, s31;
	s16 =	simm.s32 $0x1  }
.LBB2_1:
0x16: {  	[tilespmem:s3], [sflag:$0x1] =	stream.linear.gather [hbm4b:s4+s3], $0x2800, $0x38;
	[tilespmem:$0x1E800] =	vst v63  }
0x17: {  	_ =	swait.ge [sflag:s16], $0x2800  }
0x18: {  	[sflag:s16] =	ssyncset.done $0x0  }
0x19: {  	s25 =	simm.s32 $0x0;
	s26 =	simm.s32 $0x200;
	[sflag:s16] =	ssyncadd.s32 $0xFFFFD800  }
.LBB2_2:
0x1a: {  	p0 =	sne.s32 s26, $0xFE00;
	[tilespmem:s25+$0x6870] =	vst v1  }
0x1b: {  	[tilespmem:s25+$0x2800] =	vst v0  }
0x1c: {  	[tilespmem:s25+$0x6800] =	vst v1  }
0x1d: {  	[tilespmem:s25+$0x2810] =	vst v0  }
0x1e: {  	[tilespmem:s25+$0x6810] =	vst v1  }
0x1f: {  	[tilespmem:s25+$0x2820] =	vst v0  }
0x20: {  	[tilespmem:s25+$0x6820] =	vst v1  }
0x21: {  	[tilespmem:s25+$0x2830] =	vst v0  }
0x22: {  	[tilespmem:s25+$0x6830] =	vst v1  }
0x23: {  	[tilespmem:s25+$0x2840] =	vst v0  }
0x24: {  	[tilespmem:s25+$0x6840] =	vst v1  }
.Ltmp0:
0x25: {  	[tilespmem:s25+$0x2850] =	vst v0;
	(pc) =	sbr.rel @p0 .LBB2_2-.Ltmp0, $4  }
0x26: {  	[tilespmem:s25+$0x6850] =	vst v1  }
0x27: {  	[tilespmem:s25+$0x2860] =	vst v0  }
0x28: {  	[tilespmem:s25+$0x6860] =	vst v1  }
0x29: {  	[tilespmem:s25+$0x2870] =	vst v0;
	s25 =	sshra.s32 s26, $0x2;
	s26 =	sadd.s32 $0x200, s26  }
0x2a: {  	[tilespmem:s25+$0x6870] =	vst v1  }
0x2b: {  	[tilespmem:s25+$0x2800] =	vst v0  }
0x2c: {  	[tilespmem:s25+$0x6800] =	vst v1  }
0x2d: {  	[tilespmem:s25+$0x2810] =	vst v0  }
0x2e: {  	[tilespmem:s25+$0x6810] =	vst v1  }
0x2f: {  	[tilespmem:s25+$0x2820] =	vst v0  }
0x30: {  	[tilespmem:s25+$0x6820] =	vst v1  }
0x31: {  	[tilespmem:s25+$0x2830] =	vst v0  }
0x32: {  	[tilespmem:s25+$0x6830] =	vst v1  }
0x33: {  	[tilespmem:s25+$0x2840] =	vst v0  }
0x34: {  	[tilespmem:s25+$0x6840] =	vst v1  }
0x35: {  	[tilespmem:s25+$0x2850] =	vst v0  }
0x36: {  	[tilespmem:s25+$0x6850] =	vst v1  }
0x37: {  	[tilespmem:s25+$0x2860] =	vst v0  }
0x38: {  	[tilespmem:s25+$0x6860] =	vst v1  }
0x39: {  	[tilespmem:s25+$0x2870] =	vst v0  }
0x3a: {  	[spmem:s5] =	stream.linear.scatter [tilespmem:s17], [sflag:$0x1], $0x4000, $0x38;
	[tilespmem:$0x1E800] =	vst v63  }
0x3b: {  	_ =	swait.ge [sflag:s16], $0x4000  }
0x3c: {  	[sflag:s16] =	ssyncset.done $0x0  }
0x3d: {  	[sflag:s16] =	ssyncadd.s32 $0xFFFFC000  }
0x3e: {  	[spmem:s8] =	stream.linear.scatter [tilespmem:s17], [sflag:$0x1], $0x4000, $0x38;
	[tilespmem:$0x1E800] =	vst v63  }
0x3f: {  	_ =	swait.ge [sflag:s16], $0x4000  }
0x40: {  	[sflag:s16] =	ssyncset.done $0x0  }
0x41: {  	[sflag:s16] =	ssyncadd.s32 $0xFFFFC000  }
0x42: {  	[spmem:s9] =	stream.linear.scatter [tilespmem:s17], [sflag:$0x1], $0x4000, $0x38;
	[tilespmem:$0x1E800] =	vst v63  }
0x43: {  	_ =	swait.ge [sflag:s16], $0x4000  }
0x44: {  	[sflag:s16] =	ssyncset.done $0x0  }
0x45: {  	[sflag:s16] =	ssyncadd.s32 $0xFFFFC000  }
0x46: {  	[spmem:s10] =	stream.linear.scatter [tilespmem:s17], [sflag:$0x1], $0x4000, $0x38;
	[tilespmem:$0x1E800] =	vst v63  }
0x47: {  	_ =	swait.ge [sflag:s16], $0x4000  }
0x48: {  	[sflag:s16] =	ssyncset.done $0x0  }
0x49: {  	[sflag:s16] =	ssyncadd.s32 $0xFFFFC000  }
0x4a: {  	[spmem:s11] =	stream.linear.scatter [tilespmem:s17], [sflag:$0x1], $0x4000, $0x38;
	[tilespmem:$0x1E800] =	vst v63  }
0x4b: {  	_ =	swait.ge [sflag:s16], $0x4000  }
0x4c: {  	[sflag:s16] =	ssyncset.done $0x0  }
0x4d: {  	[sflag:s16] =	ssyncadd.s32 $0xFFFFC000  }
0x4e: {  	s31 =	simm.s32 $0x0;
	[bflag:$0x0] =	sbarrier.arrive $0xFFFF  }
0x4f: {  	[spmem:s2] =	stream.indirect.scatter.add.f32 [tilespmem:s19], [sflag:$0x1], $0x80, s31, s18, $0xb8;
	[tilespmem:$0x1E800] =	vst v63  }
0x50: {  	_ =	swait.ge [sflag:s16], $0x4000  }
0x51: {  	s25 =	simm.s32 $0x200;
	[sflag:s16] =	ssyncset.done $0x0  }
.LBB2_4:
0x52: {  	s26 =	sshra.s32 s25, $0x2;
	[sflag:s16] =	ssyncadd.s32 $0xFFFFC000;
	p0 =	sne.s32 s25, $0x9E00  }
0x53: {  	[spmem:s2] =	stream.indirect.scatter.add.f32 [tilespmem:s19], [sflag:$0x1], $0x80, s26, s18, $0xb8;
	[tilespmem:$0x1E800] =	vst v63  }
.Ltmp1:
0x54: {  	_ = 	snop;
	(pc) =	sbr.rel @p0 .LBB2_4-.Ltmp1, $4  }
0x55: {  	_ = 	snop  }
0x56: {  	s25 =	sadd.s32 $0x200, s25  }
0x57: {  	_ =	swait.ge [sflag:s16], $0x4000  }
0x58: {  	[sflag:s16] =	ssyncset.done $0x0  }
0x59: {  	[sflag:s16] =	ssyncadd.s32 $0xFFFFC000;
	s25 =	sshll.u32 s0, $0x6  }
0x5a: {  	s26 =	sshrl.u32 s5, $0x3;
	[bflag:$0x0] =	sbarrier.arrive $0xFFFF;
	s25 =	sor.u32 $0x1C01, s25  }
0x5b: {  	[hbm:s6], [sflag:s25] =	dma.local [spmem:s26], $0x800  }
0x5c: {  	_ =	swait.ge [sflag:s16], $0x800  }
0x5d: {  	[sflag:s16] =	ssyncset.done $0x0  }
0x5e: {  	[sflag:s16] =	ssyncadd.s32 $0xFFFFF800  }
0x5f: {  	[hbm:s12], [sflag:s25] =	dma.local [spmem:s20], $0x800  }
0x60: {  	_ =	swait.ge [sflag:s16], $0x800  }
0x61: {  	[sflag:s16] =	ssyncset.done $0x0  }
0x62: {  	[sflag:s16] =	ssyncadd.s32 $0xFFFFF800  }
0x63: {  	[hbm:s13], [sflag:s25] =	dma.local [spmem:s21], $0x800  }
0x64: {  	_ =	swait.ge [sflag:s16], $0x800  }
0x65: {  	[sflag:s16] =	ssyncset.done $0x0  }
0x66: {  	[sflag:s16] =	ssyncadd.s32 $0xFFFFF800  }
0x67: {  	[hbm:s14], [sflag:s25] =	dma.local [spmem:s22], $0x800  }
0x68: {  	s24 =	sadd.s32 $0x1, s24;
	_ =	swait.ge [sflag:s16], $0x800  }
0x69: {  	p0 =	sne.s32 s24, s7;
	[sflag:s16] =	ssyncset.done $0x0  }
.Ltmp2:
0x6a: {  	[sflag:s16] =	ssyncadd.s32 $0xFFFFF800;
	(pc) =	sbr.rel @p0 .LBB2_1-.Ltmp2, $4  }
0x6b: {  	[hbm:s15], [sflag:s25] =	dma.local [spmem:s23], $0x800  }
0x6c: {  	_ =	swait.ge [sflag:s16], $0x800  }
0x6d: {  	[sflag:s16] =	ssyncset.done $0x0  }
0x6e: {  	[sflag:s16] =	ssyncadd.s32 $0xFFFFF800  }
0x6f: {  	_ =	sfence.sel $0x180000  }
0x70: {  	[bflag:$0x0] =	sbarrier.arrive $0xFFFF  }
0x71: {  	p0 =	sne.s32 s0, $0x0;
	_ =	strace $0x90000047  }
0x72: {  	s0 =	sadd.s32 @!p0 $0x100000, s1;
	[bflag:$0x2] =	sbarrier.arrive $0xFFFF  }
0x73: {  	[sflag:s0] =	ssyncadd.tile.s32 @!p0 $0x1;
	_ =	shalt  }
.Lfunc_end2:
_tile_overlayer_lowered:
.L_overlay_start_2:
0x74: {  	(tag) =	ssettag $0x2  }
0x75: {  	s0 =	rddreg [dreg:$0x0];
	s2 =	stileid.u32  }
0x76: {  	s1 =	rddreg [dreg:$0x1];
	p0 =	sne.s32 s2, $0x0  }
0x77: {  	s3 =	rddreg [dreg:$0x2];
	[bflag:$0x3] =	sbarrier.arrive $0xFFFF;
	s2 =	simm.s32 @!p0 $0x1C01  }
0x78: {  	[timem:s3], [sflag:s2] =	dma.local @!p0 [hbm:s0], s1  }
0x79: {  	s0 =	simm.s32 @!p0 $0x1  }
0x7a: {  	_ =	swait.ge @!p0 [sflag:s0], s1  }
0x7b: {  	s1 =	ssub.s32 @!p0 $0x0, s1;
	[sflag:s0] =	ssyncset.done @!p0 $0x0  }
0x7c: {  	[sflag:s0] =	ssyncadd.s32 @!p0 s1  }
0x7d: {  	[bflag:$0x3] =	sbarrier.arrive $0xFFFF  }
0x7e: {  	_ =	shalt  }

</sc_bundles>
